<compile_context>
chip_gen: v7x
topology: tpu7x:2x2x1
jax: 0.10.2.dev20260603
libtpu: 0.0.44.dev20260713+nightly
codegen_flags: <defaults>
</compile_context>

<pallas_src>
import functools

import jax
import jax.numpy as jnp
from jax import lax
from jax.experimental import pallas as pl
from jax.experimental.pallas import tpu as pltpu
from jax.experimental.pallas import tpu_sc as plsc

BATCH = 16384
HIST = 50
D = 64

NC = 2
NS = 16
NW = NC * NS

ROWS_PER_W = BATCH // NW
CHUNK_ROWS = 8
IDX_PER_CHUNK = CHUNK_ROWS * HIST
NCHUNK = ROWS_PER_W // CHUNK_ROWS
LANES = 16
DSUB = D // LANES


def _sc_body(actions_hbm, table_hbm, out_hbm,
             idx_v, buf0, buf1, out_v, sem0, sem1):
    wid = lax.axis_index("s") * NC + lax.axis_index("c")
    base_row = wid * ROWS_PER_W
    base_idx = base_row * HIST

    pltpu.sync_copy(actions_hbm.at[pl.ds(pl.multiple_of(base_idx, 8),
                                         ROWS_PER_W * HIST)], idx_v)

    bufs = (buf0, buf1)
    sems = (sem0, sem1)

    def _start_gather(chunk, buf, sem):
        off = pl.multiple_of(chunk * IDX_PER_CHUNK, 8)
        return pltpu.async_copy(
            table_hbm.at[idx_v.at[pl.ds(off, IDX_PER_CHUNK)]], buf, sem)

    _start_gather(0, buf0, sem0)
    _start_gather(1, buf1, sem1)

    def _reduce_chunk(chunk, buf):
        def _row(r, _):
            row0 = r * HIST
            acc = [buf[row0, pl.ds(j * LANES, LANES)] for j in range(DSUB)]
            for i in range(1, HIST):
                for j in range(DSUB):
                    acc[j] = acc[j] + buf[row0 + i, pl.ds(j * LANES, LANES)]
            orow = chunk * CHUNK_ROWS + r
            for j in range(DSUB):
                out_v[orow, pl.ds(j * LANES, LANES)] = acc[j]
            return _
        lax.fori_loop(0, CHUNK_ROWS, _row, 0, unroll=False)

    def _step(i, carry):
        for p in range(2):
            chunk = 2 * i + p
            pltpu.make_async_copy(
                table_hbm.at[idx_v.at[pl.ds(0, IDX_PER_CHUNK)]],
                bufs[p], sems[p]).wait()
            _reduce_chunk(chunk, bufs[p])

            @pl.when(i < NCHUNK // 2 - 1)
            def _start_next(p=p, chunk=chunk):
                _start_gather(chunk + 2, bufs[p], sems[p])
        return carry

    lax.fori_loop(0, NCHUNK // 2, _step, 0, unroll=False)

    pltpu.sync_copy(out_v,
                    out_hbm.at[pl.ds(pl.multiple_of(base_row, 8),
                                     ROWS_PER_W)])


@functools.partial(jax.jit, static_argnums=())
def _sc_gather_pool(actions_flat, table):
    mesh = plsc.VectorSubcoreMesh(core_axis_name="c", subcore_axis_name="s",
                                  num_cores=NC, num_subcores=NS)
    fn = pl.kernel(
        _sc_body,
        out_type=jax.ShapeDtypeStruct((BATCH, D), jnp.float32),
        mesh=mesh,
        compiler_params=pltpu.CompilerParams(use_tc_tiling_on_sc=False),
        scratch_types=[
            pltpu.VMEM((ROWS_PER_W * HIST,), jnp.int32),
            pltpu.VMEM((IDX_PER_CHUNK, D), jnp.float32),
            pltpu.VMEM((IDX_PER_CHUNK, D), jnp.float32),
            pltpu.VMEM((ROWS_PER_W, D), jnp.float32),
            pltpu.SemaphoreType.DMA,
            pltpu.SemaphoreType.DMA,
        ],
    )
    return fn(actions_flat, table)


def _tc_project_body(x_ref, w_ref, b_ref, o_ref):
    x = x_ref[...] * (1.0 / HIST)
    o_ref[...] = lax.dot_general(
        x, w_ref[...], (((1,), (1,)), ((), ())),
        preferred_element_type=jnp.float32) + b_ref[...]


def _tc_project(pooled, w, b2):
    bm = 1024
    return pl.pallas_call(
        _tc_project_body,
        grid=(BATCH // bm,),
        in_specs=[
            pl.BlockSpec((bm, D), lambda i: (i, 0)),
            pl.BlockSpec((D, D), lambda i: (0, 0)),
            pl.BlockSpec((1, D), lambda i: (0, 0)),
        ],
        out_specs=pl.BlockSpec((bm, D), lambda i: (i, 0)),
        out_shape=jax.ShapeDtypeStruct((BATCH, D), jnp.float32),
    )(pooled, w, b2)


def kernel(actions, emb_table, W, b):
    actions_flat = actions.reshape(-1).astype(jnp.int32)
    pooled = _sc_gather_pool(actions_flat, emb_table)
    return _tc_project(pooled, W, b.reshape(1, D))

# --- scband reference (transcript-rebuilt; emitter-appended) ---
"""Pipeline reference for scband-action-encoder-55722905699081 (READ-ONLY COPY).

The authoritative reference and input builder live on the scoring server;
editing this copy changes nothing except your own understanding.
"""

import jax, jax.numpy as jnp
import numpy as np

VOCAB = 1000000
D_ACTION = 64
BATCH = 16384
HIST = 50

def setup_inputs(seed: int = 0) -> dict:
    key = jax.random.key(seed)
    k1, k2, k3, k4 = jax.random.split(key, 4)
    actions = jax.random.randint(k1, (BATCH, HIST), 0, VOCAB, dtype=jnp.int64 if jax.config.jax_enable_x64 else jnp.int32)
    emb_table = jax.random.normal(k2, (VOCAB, D_ACTION), dtype=jnp.float32) * 0.02
    W = jax.random.normal(k3, (D_ACTION, D_ACTION), dtype=jnp.float32) * (1.0 / np.sqrt(D_ACTION))
    b = jax.random.normal(k4, (D_ACTION,), dtype=jnp.float32) * 0.01
    return {"actions": actions, "emb_table": emb_table, "W": W, "b": b}

def reference(actions, emb_table, W, b):
    # embedding lookup (gather)
    embedded = jnp.take(emb_table, actions, axis=0)  # [B, L, d]
    # 3D -> mean over history dimension
    embedded = jnp.mean(embedded, axis=1)  # [B, d]
    # linear projection: y = x @ W.T + b (torch Linear convention)
    return embedded @ W.T + b

if __name__ == "__main__":
    import jax
    _d = setup_inputs()
    print(jax.jit(kernel)(*tuple(_d.values())))

</pallas_src>

<mosaic_0001>
#map = affine_map<(d0, d1) -> (0)>
#map1 = affine_map<(d0, d1) -> (0, 0)>
module attributes {stable_mosaic.version = 14 : i64} {
  func.func @_sc_body(%arg0: i32, %arg1: i32, %arg2: memref<819200xi32, #tpu.memory_space<hbm>>, %arg3: memref<1000000x64xf32, #tpu.memory_space<hbm>>, %arg4: memref<16384x64xf32, #tpu.memory_space<hbm>>, %arg5: memref<25600xi32, #tpu.memory_space<vmem>>, %arg6: memref<400x64xf32, #tpu.memory_space<vmem>>, %arg7: memref<400x64xf32, #tpu.memory_space<vmem>>, %arg8: memref<512x64xf32, #tpu.memory_space<vmem>>, %arg9: memref<!tpu.dma_semaphore, #tpu.memory_space<semaphore_mem>>, %arg10: memref<!tpu.dma_semaphore, #tpu.memory_space<semaphore_mem>>) attributes {dimension_semantics = [#tpu.dimension_semantics<core_parallel>, #tpu.dimension_semantics<subcore_parallel>], iteration_bounds = array<i64: 2, 16>, scalar_prefetch = 0 : i64, scratch_operands = 6 : i64, tpu.core_type = #tpu.core_type<sc_vector_subcore>, window_params = [{transform_indices = #map}, {transform_indices = #map1}, {transform_indices = #map1}]} {
    %mul3A = arith.constant 2 : i32
    %mul3A_0 = arith.muli %arg1, %mul3A : i32
    %add3A = arith.addi %mul3A_0, %arg0 : i32
    %mul3A_1 = arith.constant 512 : i32
    %mul3A_2 = arith.muli %add3A, %mul3A_1 : i32
    %mul3A_3 = arith.constant 50 : i32
    %mul3A_4 = arith.muli %mul3A_2, %mul3A_3 : i32
    %multiple_of3A = tpu.assume_multiple %mul3A_4, 8 : i32
    "tpu.region"() ({
      %run_scoped3A = tpu.sem_alloc : memref<!tpu.dma_semaphore, #tpu.memory_space<semaphore_mem>>
      %dma_start3A_22 = tpu.memref_slice %arg2[%multiple_of3A] : memref<819200xi32, #tpu.memory_space<hbm>> -> memref<25600xi32, #tpu.memory_space<hbm>>
      %dma_start3A_23 = tpu.memref_slice %arg2[%multiple_of3A] : memref<819200xi32, #tpu.memory_space<hbm>> -> memref<25600xi32, #tpu.memory_space<hbm>>
      tpu.enqueue_dma source(%dma_start3A_23 : memref<25600xi32, #tpu.memory_space<hbm>>) target(%arg5 : memref<25600xi32, #tpu.memory_space<vmem>>) target_semaphore(%run_scoped3A : memref<!tpu.dma_semaphore, #tpu.memory_space<semaphore_mem>>)
      %dma_wait3A = tpu.memref_slice %arg2[%multiple_of3A] : memref<819200xi32, #tpu.memory_space<hbm>> -> memref<25600xi32, #tpu.memory_space<hbm>>
      %dma_wait3A_24 = tpu.memref_slice %arg2[%multiple_of3A] : memref<819200xi32, #tpu.memory_space<hbm>> -> memref<25600xi32, #tpu.memory_space<hbm>>
      tpu.wait_dma2 semaphore(%run_scoped3A : memref<!tpu.dma_semaphore, #tpu.memory_space<semaphore_mem>>) src(%dma_wait3A_24 : memref<25600xi32, #tpu.memory_space<hbm>>) dst(%arg5 : memref<25600xi32, #tpu.memory_space<vmem>>)
      tpu.yield
    }) : () -> ()
    %multiple_of3A_5 = arith.constant 0 : i32
    %multiple_of3A_6 = tpu.assume_multiple %multiple_of3A_5, 8 : i32
    %dma_start3A = tpu.memref_slice %arg5[%multiple_of3A_6] : memref<25600xi32, #tpu.memory_space<vmem>> -> memref<400xi32, #tpu.memory_space<vmem>>
    %dma_start3A_7 = arith.constant 0 : i32
    %dma_start3A_8 = arith.constant 0 : i32
    %dma_start3A_9 = tpu.memref_slice %arg3[%dma_start3A_7, %dma_start3A_8] : memref<1000000x64xf32, #tpu.memory_space<hbm>> -> memref<1000000x64xf32, #tpu.memory_space<hbm>>
    tpu.enqueue_indirect_dma source(%dma_start3A_9 : memref<1000000x64xf32, #tpu.memory_space<hbm>>) target(%arg6 : memref<400x64xf32, #tpu.memory_space<vmem>>) offsets(%dma_start3A : memref<400xi32, #tpu.memory_space<vmem>>) semaphore(%arg9 : memref<!tpu.dma_semaphore, #tpu.memory_space<semaphore_mem>>)
    %multiple_of3A_10 = arith.constant 400 : i32
    %multiple_of3A_11 = tpu.assume_multiple %multiple_of3A_10, 8 : i32
    %dma_start3A_12 = tpu.memref_slice %arg5[%multiple_of3A_11] : memref<25600xi32, #tpu.memory_space<vmem>> -> memref<400xi32, #tpu.memory_space<vmem>>
    %dma_start3A_13 = arith.constant 0 : i32
    %dma_start3A_14 = arith.constant 0 : i32
    %dma_start3A_15 = tpu.memref_slice %arg3[%dma_start3A_13, %dma_start3A_14] : memref<1000000x64xf32, #tpu.memory_space<hbm>> -> memref<1000000x64xf32, #tpu.memory_space<hbm>>
    tpu.enqueue_indirect_dma source(%dma_start3A_15 : memref<1000000x64xf32, #tpu.memory_space<hbm>>) target(%arg7 : memref<400x64xf32, #tpu.memory_space<vmem>>) offsets(%dma_start3A_12 : memref<400xi32, #tpu.memory_space<vmem>>) semaphore(%arg10 : memref<!tpu.dma_semaphore, #tpu.memory_space<semaphore_mem>>)
    %scan3A = arith.constant 0 : i32
    %scan3A_16 = arith.constant 0 : i32
    %scan3A_17 = arith.constant 32 : i32
    %scan3A_18 = arith.addi %scan3A_16, %scan3A_17 : i32
    %scan3A_19 = arith.constant 1 : i32
    scf.for %scan3A_22 = %scan3A_16 to %scan3A_18 step %scan3A_19  : i32 {
      %mul3A_23 = arith.constant 2 : i32
      %mul3A_24 = arith.muli %mul3A_23, %scan3A_22 : i32
      %add3A_25 = arith.constant 0 : i32
      %add3A_26 = arith.addi %mul3A_24, %add3A_25 : i32
      %dma_wait3A = arith.constant 0 : i32
      %dma_wait3A_27 = tpu.memref_slice %arg5[%dma_wait3A] : memref<25600xi32, #tpu.memory_space<vmem>> -> memref<400xi32, #tpu.memory_space<vmem>>
      %dma_wait3A_28 = arith.constant 0 : i32
      %dma_wait3A_29 = arith.constant 0 : i32
      %dma_wait3A_30 = tpu.memref_slice %arg3[%dma_wait3A_28, %dma_wait3A_29] : memref<1000000x64xf32, #tpu.memory_space<hbm>> -> memref<1000000x64xf32, #tpu.memory_space<hbm>>
      tpu.wait_indirect_dma semaphore(%arg9 : memref<!tpu.dma_semaphore, #tpu.memory_space<semaphore_mem>>) src(%dma_wait3A_30 : memref<1000000x64xf32, #tpu.memory_space<hbm>>) dst(%arg6 : memref<400x64xf32, #tpu.memory_space<vmem>>)
      %scan3A_31 = arith.constant 0 : i32
      %scan3A_32 = arith.constant 0 : i32
      %scan3A_33 = arith.constant 8 : i32
      %scan3A_34 = arith.addi %scan3A_32, %scan3A_33 : i32
      %scan3A_35 = arith.constant 1 : i32
      scf.for %scan3A_59 = %scan3A_32 to %scan3A_34 step %scan3A_35  : i32 {
        %mul3A_60 = arith.constant 50 : i32
        %mul3A_61 = arith.muli %scan3A_59, %mul3A_60 : i32
        %get3A = arith.index_cast %mul3A_61 : i32 to index
        %get3A_62 = arith.constant 0 : index
        %get3A_63 = tpu.vector_load %arg6[%get3A, %get3A_62] {strides = array<i32>} : memref<400x64xf32, #tpu.memory_space<vmem>>, vector<1x16xf32>,
        %get3A_64 = vector.shape_cast %get3A_63 : vector<1x16xf32> to vector<16xf32>
        %get3A_65 = arith.index_cast %mul3A_61 : i32 to index
        %get3A_66 = arith.constant 16 : index
        %get3A_67 = tpu.vector_load %arg6[%get3A_65, %get3A_66] {strides = array<i32>} : memref<400x64xf32, #tpu.memory_space<vmem>>, vector<1x16xf32>,
        %get3A_68 = vector.shape_cast %get3A_67 : vector<1x16xf32> to vector<16xf32>
        %get3A_69 = arith.index_cast %mul3A_61 : i32 to index
        %get3A_70 = arith.constant 32 : index
        %get3A_71 = tpu.vector_load %arg6[%get3A_69, %get3A_70] {strides = array<i32>} : memref<400x64xf32, #tpu.memory_space<vmem>>, vector<1x16xf32>,
        %get3A_72 = vector.shape_cast %get3A_71 : vector<1x16xf32> to vector<16xf32>
        %get3A_73 = arith.index_cast %mul3A_61 : i32 to index
        %get3A_74 = arith.constant 48 : index
        %get3A_75 = tpu.vector_load %arg6[%get3A_73, %get3A_74] {strides = array<i32>} : memref<400x64xf32, #tpu.memory_space<vmem>>, vector<1x16xf32>,
        %get3A_76 = vector.shape_cast %get3A_75 : vector<1x16xf32> to vector<16xf32>
        %add3A_77 = arith.constant 1 : i32
        %add3A_78 = arith.addi %mul3A_61, %add3A_77 : i32
        %get3A_79 = arith.index_cast %add3A_78 : i32 to index
        %get3A_80 = arith.constant 0 : index
        %get3A_81 = tpu.vector_load %arg6[%get3A_79, %get3A_80] {strides = array<i32>} : memref<400x64xf32, #tpu.memory_space<vmem>>, vector<1x16xf32>,
        %get3A_82 = vector.shape_cast %get3A_81 : vector<1x16xf32> to vector<16xf32>
        %add3A_83 = arith.addf %get3A_64, %get3A_82 : vector<16xf32>
        %add3A_84 = arith.constant 1 : i32
        %add3A_85 = arith.addi %mul3A_61, %add3A_84 : i32
        %get3A_86 = arith.index_cast %add3A_85 : i32 to index
        %get3A_87 = arith.constant 16 : index
        %get3A_88 = tpu.vector_load %arg6[%get3A_86, %get3A_87] {strides = array<i32>} : memref<400x64xf32, #tpu.memory_space<vmem>>, vector<1x16xf32>,
        %get3A_89 = vector.shape_cast %get3A_88 : vector<1x16xf32> to vector<16xf32>
        %add3A_90 = arith.addf %get3A_68, %get3A_89 : vector<16xf32>
        %add3A_91 = arith.constant 1 : i32
        %add3A_92 = arith.addi %mul3A_61, %add3A_91 : i32
        %get3A_93 = arith.index_cast %add3A_92 : i32 to index
        %get3A_94 = arith.constant 32 : index
        %get3A_95 = tpu.vector_load %arg6[%get3A_93, %get3A_94] {strides = array<i32>} : memref<400x64xf32, #tpu.memory_space<vmem>>, vector<1x16xf32>,
        %get3A_96 = vector.shape_cast %get3A_95 : vector<1x16xf32> to vector<16xf32>
        %add3A_97 = arith.addf %get3A_72, %get3A_96 : vector<16xf32>
        %add3A_98 = arith.constant 1 : i32
        %add3A_99 = arith.addi %mul3A_61, %add3A_98 : i32
        %get3A_100 = arith.index_cast %add3A_99 : i32 to index
        %get3A_101 = arith.constant 48 : index
        %get3A_102 = tpu.vector_load %arg6[%get3A_100, %get3A_101] {strides = array<i32>} : memref<400x64xf32, #tpu.memory_space<vmem>>, vector<1x16xf32>,
        %get3A_103 = vector.shape_cast %get3A_102 : vector<1x16xf32> to vector<16xf32>
        %add3A_104 = arith.addf %get3A_76, %get3A_103 : vector<16xf32>
        %add3A_105 = arith.constant 2 : i32
        %add3A_106 = arith.addi %mul3A_61, %add3A_105 : i32
        %get3A_107 = arith.index_cast %add3A_106 : i32 to index
        %get3A_108 = arith.constant 0 : index
        %get3A_109 = tpu.vector_load %arg6[%get3A_107, %get3A_108] {strides = array<i32>} : memref<400x64xf32, #tpu.memory_space<vmem>>, vector<1x16xf32>,
        %get3A_110 = vector.shape_cast %get3A_109 : vector<1x16xf32> to vector<16xf32>
        %add3A_111 = arith.addf %add3A_83, %get3A_110 : vector<16xf32>
        %add3A_112 = arith.constant 2 : i32
        %add3A_113 = arith.addi %mul3A_61, %add3A_112 : i32
        %get3A_114 = arith.index_cast %add3A_113 : i32 to index
        %get3A_115 = arith.constant 16 : index
        %get3A_116 = tpu.vector_load %arg6[%get3A_114, %get3A_115] {strides = array<i32>} : memref<400x64xf32, #tpu.memory_space<vmem>>, vector<1x16xf32>,
        %get3A_117 = vector.shape_cast %get3A_116 : vector<1x16xf32> to vector<16xf32>
        %add3A_118 = arith.addf %add3A_90, %get3A_117 : vector<16xf32>
        %add3A_119 = arith.constant 2 : i32
        %add3A_120 = arith.addi %mul3A_61, %add3A_119 : i32
        %get3A_121 = arith.index_cast %add3A_120 : i32 to index
        %get3A_122 = arith.constant 32 : index
        %get3A_123 = tpu.vector_load %arg6[%get3A_121, %get3A_122] {strides = array<i32>} : memref<400x64xf32, #tpu.memory_space<vmem>>, vector<1x16xf32>,
        %get3A_124 = vector.shape_cast %get3A_123 : vector<1x16xf32> to vector<16xf32>
        %add3A_125 = arith.addf %add3A_97, %get3A_124 : vector<16xf32>
        %add3A_126 = arith.constant 2 : i32
        %add3A_127 = arith.addi %mul3A_61, %add3A_126 : i32
        %get3A_128 = arith.index_cast %add3A_127 : i32 to index
        %get3A_129 = arith.constant 48 : index
        %get3A_130 = tpu.vector_load %arg6[%get3A_128, %get3A_129] {strides = array<i32>} : memref<400x64xf32, #tpu.memory_space<vmem>>, vector<1x16xf32>,
        %get3A_131 = vector.shape_cast %get3A_130 : vector<1x16xf32> to vector<16xf32>
        %add3A_132 = arith.addf %add3A_104, %get3A_131 : vector<16xf32>
        %add3A_133 = arith.constant 3 : i32
        %add3A_134 = arith.addi %mul3A_61, %add3A_133 : i32
        %get3A_135 = arith.index_cast %add3A_134 : i32 to index
        %get3A_136 = arith.constant 0 : index
        %get3A_137 = tpu.vector_load %arg6[%get3A_135, %get3A_136] {strides = array<i32>} : memref<400x64xf32, #tpu.memory_space<vmem>>, vector<1x16xf32>,
        %get3A_138 = vector.shape_cast %get3A_137 : vector<1x16xf32> to vector<16xf32>
        %add3A_139 = arith.addf %add3A_111, %get3A_138 : vector<16xf32>
        %add3A_140 = arith.constant 3 : i32
        %add3A_141 = arith.addi %mul3A_61, %add3A_140 : i32
        %get3A_142 = arith.index_cast %add3A_141 : i32 to index
        %get3A_143 = arith.constant 16 : index
        %get3A_144 = tpu.vector_load %arg6[%get3A_142, %get3A_143] {strides = array<i32>} : memref<400x64xf32, #tpu.memory_space<vmem>>, vector<1x16xf32>,
        %get3A_145 = vector.shape_cast %get3A_144 : vector<1x16xf32> to vector<16xf32>
        %add3A_146 = arith.addf %add3A_118, %get3A_145 : vector<16xf32>
        %add3A_147 = arith.constant 3 : i32
        %add3A_148 = arith.addi %mul3A_61, %add3A_147 : i32
        %get3A_149 = arith.index_cast %add3A_148 : i32 to index
        %get3A_150 = arith.constant 32 : index
        %get3A_151 = tpu.vector_load %arg6[%get3A_149, %get3A_150] {strides = array<i32>} : memref<400x64xf32, #tpu.memory_space<vmem>>, vector<1x16xf32>,
        %get3A_152 = vector.shape_cast %get3A_151 : vector<1x16xf32> to vector<16xf32>
        %add3A_153 = arith.addf %add3A_125, %get3A_152 : vector<16xf32>
        %add3A_154 = arith.constant 3 : i32
        %add3A_155 = arith.addi %mul3A_61, %add3A_154 : i32
        %get3A_156 = arith.index_cast %add3A_155 : i32 to index
        %get3A_157 = arith.constant 48 : index
        %get3A_158 = tpu.vector_load %arg6[%get3A_156, %get3A_157] {strides = array<i32>} : memref<400x64xf32, #tpu.memory_space<vmem>>, vector<1x16xf32>,
        %get3A_159 = vector.shape_cast %get3A_158 : vector<1x16xf32> to vector<16xf32>
        %add3A_160 = arith.addf %add3A_132, %get3A_159 : vector<16xf32>
        %add3A_161 = arith.constant 4 : i32
        %add3A_162 = arith.addi %mul3A_61, %add3A_161 : i32
        %get3A_163 = arith.index_cast %add3A_162 : i32 to index
        %get3A_164 = arith.constant 0 : index
        %get3A_165 = tpu.vector_load %arg6[%get3A_163, %get3A_164] {strides = array<i32>} : memref<400x64xf32, #tpu.memory_space<vmem>>, vector<1x16xf32>,
        %get3A_166 = vector.shape_cast %get3A_165 : vector<1x16xf32> to vector<16xf32>
        %add3A_167 = arith.addf %add3A_139, %get3A_166 : vector<16xf32>
        %add3A_168 = arith.constant 4 : i32
        %add3A_169 = arith.addi %mul3A_61, %add3A_168 : i32
        %get3A_170 = arith.index_cast %add3A_169 : i32 to index
        %get3A_171 = arith.constant 16 : index
        %get3A_172 = tpu.vector_load %arg6[%get3A_170, %get3A_171] {strides = array<i32>} : memref<400x64xf32, #tpu.memory_space<vmem>>, vector<1x16xf32>,
        %get3A_173 = vector.shape_cast %get3A_172 : vector<1x16xf32> to vector<16xf32>
        %add3A_174 = arith.addf %add3A_146, %get3A_173 : vector<16xf32>
        %add3A_175 = arith.constant 4 : i32
        %add3A_176 = arith.addi %mul3A_61, %add3A_175 : i32
        %get3A_177 = arith.index_cast %add3A_176 : i32 to index
        %get3A_178 = arith.constant 32 : index
        %get3A_179 = tpu.vector_load %arg6[%get3A_177, %get3A_178] {strides = array<i32>} : memref<400x64xf32, #tpu.memory_space<vmem>>, vector<1x16xf32>,
        %get3A_180 = vector.shape_cast %get3A_179 : vector<1x16xf32> to vector<16xf32>
        %add3A_181 = arith.addf %add3A_153, %get3A_180 : vector<16xf32>
        %add3A_182 = arith.constant 4 : i32
        %add3A_183 = arith.addi %mul3A_61, %add3A_182 : i32
        %get3A_184 = arith.index_cast %add3A_183 : i32 to index
        %get3A_185 = arith.constant 48 : index
        %get3A_186 = tpu.vector_load %arg6[%get3A_184, %get3A_185] {strides = array<i32>} : memref<400x64xf32, #tpu.memory_space<vmem>>, vector<1x16xf32>,
        %get3A_187 = vector.shape_cast %get3A_186 : vector<1x16xf32> to vector<16xf32>
        %add3A_188 = arith.addf %add3A_160, %get3A_187 : vector<16xf32>
        %add3A_189 = arith.constant 5 : i32
        %add3A_190 = arith.addi %mul3A_61, %add3A_189 : i32
        %get3A_191 = arith.index_cast %add3A_190 : i32 to index
        %get3A_192 = arith.constant 0 : index
        %get3A_193 = tpu.vector_load %arg6[%get3A_191, %get3A_192] {strides = array<i32>} : memref<400x64xf32, #tpu.memory_space<vmem>>, vector<1x16xf32>,
        %get3A_194 = vector.shape_cast %get3A_193 : vector<1x16xf32> to vector<16xf32>
        %add3A_195 = arith.addf %add3A_167, %get3A_194 : vector<16xf32>
        %add3A_196 = arith.constant 5 : i32
        %add3A_197 = arith.addi %mul3A_61, %add3A_196 : i32
        %get3A_198 = arith.index_cast %add3A_197 : i32 to index
        %get3A_199 = arith.constant 16 : index
        %get3A_200 = tpu.vector_load %arg6[%get3A_198, %get3A_199] {strides = array<i32>} : memref<400x64xf32, #tpu.memory_space<vmem>>, vector<1x16xf32>,
        %get3A_201 = vector.shape_cast %get3A_200 : vector<1x16xf32> to vector<16xf32>
        %add3A_202 = arith.addf %add3A_174, %get3A_201 : vector<16xf32>
        %add3A_203 = arith.constant 5 : i32
        %add3A_204 = arith.addi %mul3A_61, %add3A_203 : i32
        %get3A_205 = arith.index_cast %add3A_204 : i32 to index
        %get3A_206 = arith.constant 32 : index
        %get3A_207 = tpu.vector_load %arg6[%get3A_205, %get3A_206] {strides = array<i32>} : memref<400x64xf32, #tpu.memory_space<vmem>>, vector<1x16xf32>,
        %get3A_208 = vector.shape_cast %get3A_207 : vector<1x16xf32> to vector<16xf32>
        %add3A_209 = arith.addf %add3A_181, %get3A_208 : vector<16xf32>
        %add3A_210 = arith.constant 5 : i32
        %add3A_211 = arith.addi %mul3A_61, %add3A_210 : i32
        %get3A_212 = arith.index_cast %add3A_211 : i32 to index
        %get3A_213 = arith.constant 48 : index
        %get3A_214 = tpu.vector_load %arg6[%get3A_212, %get3A_213] {strides = array<i32>} : memref<400x64xf32, #tpu.memory_space<vmem>>, vector<1x16xf32>,
        %get3A_215 = vector.shape_cast %get3A_214 : vector<1x16xf32> to vector<16xf32>
        %add3A_216 = arith.addf %add3A_188, %get3A_215 : vector<16xf32>
        %add3A_217 = arith.constant 6 : i32
        %add3A_218 = arith.addi %mul3A_61, %add3A_217 : i32
        %get3A_219 = arith.index_cast %add3A_218 : i32 to index
        %get3A_220 = arith.constant 0 : index
        %get3A_221 = tpu.vector_load %arg6[%get3A_219, %get3A_220] {strides = array<i32>} : memref<400x64xf32, #tpu.memory_space<vmem>>, vector<1x16xf32>,
        %get3A_222 = vector.shape_cast %get3A_221 : vector<1x16xf32> to vector<16xf32>
        %add3A_223 = arith.addf %add3A_195, %get3A_222 : vector<16xf32>
        %add3A_224 = arith.constant 6 : i32
        %add3A_225 = arith.addi %mul3A_61, %add3A_224 : i32
        %get3A_226 = arith.index_cast %add3A_225 : i32 to index
        %get3A_227 = arith.constant 16 : index
        %get3A_228 = tpu.vector_load %arg6[%get3A_226, %get3A_227] {strides = array<i32>} : memref<400x64xf32, #tpu.memory_space<vmem>>, vector<1x16xf32>,
        %get3A_229 = vector.shape_cast %get3A_228 : vector<1x16xf32> to vector<16xf32>
        %add3A_230 = arith.addf %add3A_202, %get3A_229 : vector<16xf32>
        %add3A_231 = arith.constant 6 : i32
        %add3A_232 = arith.addi %mul3A_61, %add3A_231 : i32
        %get3A_233 = arith.index_cast %add3A_232 : i32 to index
        %get3A_234 = arith.constant 32 : index
        %get3A_235 = tpu.vector_load %arg6[%get3A_233, %get3A_234] {strides = array<i32>} : memref<400x64xf32, #tpu.memory_space<vmem>>, vector<1x16xf32>,
        %get3A_236 = vector.shape_cast %get3A_235 : vector<1x16xf32> to vector<16xf32>
        %add3A_237 = arith.addf %add3A_209, %get3A_236 : vector<16xf32>
        %add3A_238 = arith.constant 6 : i32
        %add3A_239 = arith.addi %mul3A_61, %add3A_238 : i32
        %get3A_240 = arith.index_cast %add3A_239 : i32 to index
        %get3A_241 = arith.constant 48 : index
        %get3A_242 = tpu.vector_load %arg6[%get3A_240, %get3A_241] {strides = array<i32>} : memref<400x64xf32, #tpu.memory_space<vmem>>, vector<1x16xf32>,
        %get3A_243 = vector.shape_cast %get3A_242 : vector<1x16xf32> to vector<16xf32>
        %add3A_244 = arith.addf %add3A_216, %get3A_243 : vector<16xf32>
        %add3A_245 = arith.constant 7 : i32
        %add3A_246 = arith.addi %mul3A_61, %add3A_245 : i32
        %get3A_247 = arith.index_cast %add3A_246 : i32 to index
        %get3A_248 = arith.constant 0 : index
        %get3A_249 = tpu.vector_load %arg6[%get3A_247, %get3A_248] {strides = array<i32>} : memref<400x64xf32, #tpu.memory_space<vmem>>, vector<1x16xf32>,
        %get3A_250 = vector.shape_cast %get3A_249 : vector<1x16xf32> to vector<16xf32>
        %add3A_251 = arith.addf %add3A_223, %get3A_250 : vector<16xf32>
        %add3A_252 = arith.constant 7 : i32
        %add3A_253 = arith.addi %mul3A_61, %add3A_252 : i32
        %get3A_254 = arith.index_cast %add3A_253 : i32 to index
        %get3A_255 = arith.constant 16 : index
        %get3A_256 = tpu.vector_load %arg6[%get3A_254, %get3A_255] {strides = array<i32>} : memref<400x64xf32, #tpu.memory_space<vmem>>, vector<1x16xf32>,
        %get3A_257 = vector.shape_cast %get3A_256 : vector<1x16xf32> to vector<16xf32>
        %add3A_258 = arith.addf %add3A_230, %get3A_257 : vector<16xf32>
        %add3A_259 = arith.constant 7 : i32
        %add3A_260 = arith.addi %mul3A_61, %add3A_259 : i32
        %get3A_261 = arith.index_cast %add3A_260 : i32 to index
        %get3A_262 = arith.constant 32 : index
        %get3A_263 = tpu.vector_load %arg6[%get3A_261, %get3A_262] {strides = array<i32>} : memref<400x64xf32, #tpu.memory_space<vmem>>, vector<1x16xf32>,
        %get3A_264 = vector.shape_cast %get3A_263 : vector<1x16xf32> to vector<16xf32>
        %add3A_265 = arith.addf %add3A_237, %get3A_264 : vector<16xf32>
        %add3A_266 = arith.constant 7 : i32
        %add3A_267 = arith.addi %mul3A_61, %add3A_266 : i32
        %get3A_268 = arith.index_cast %add3A_267 : i32 to index
        %get3A_269 = arith.constant 48 : index
        %get3A_270 = tpu.vector_load %arg6[%get3A_268, %get3A_269] {strides = array<i32>} : memref<400x64xf32, #tpu.memory_space<vmem>>, vector<1x16xf32>,
        %get3A_271 = vector.shape_cast %get3A_270 : vector<1x16xf32> to vector<16xf32>
        %add3A_272 = arith.addf %add3A_244, %get3A_271 : vector<16xf32>
        %add3A_273 = arith.constant 8 : i32
        %add3A_274 = arith.addi %mul3A_61, %add3A_273 : i32
        %get3A_275 = arith.index_cast %add3A_274 : i32 to index
        %get3A_276 = arith.constant 0 : index
        %get3A_277 = tpu.vector_load %arg6[%get3A_275, %get3A_276] {strides = array<i32>} : memref<400x64xf32, #tpu.memory_space<vmem>>, vector<1x16xf32>,
        %get3A_278 = vector.shape_cast %get3A_277 : vector<1x16xf32> to vector<16xf32>
        %add3A_279 = arith.addf %add3A_251, %get3A_278 : vector<16xf32>
        %add3A_280 = arith.constant 8 : i32
        %add3A_281 = arith.addi %mul3A_61, %add3A_280 : i32
        %get3A_282 = arith.index_cast %add3A_281 : i32 to index
        %get3A_283 = arith.constant 16 : index
        %get3A_284 = tpu.vector_load %arg6[%get3A_282, %get3A_283] {strides = array<i32>} : memref<400x64xf32, #tpu.memory_space<vmem>>, vector<1x16xf32>,
        %get3A_285 = vector.shape_cast %get3A_284 : vector<1x16xf32> to vector<16xf32>
        %add3A_286 = arith.addf %add3A_258, %get3A_285 : vector<16xf32>
        %add3A_287 = arith.constant 8 : i32
        %add3A_288 = arith.addi %mul3A_61, %add3A_287 : i32
        %get3A_289 = arith.index_cast %add3A_288 : i32 to index
        %get3A_290 = arith.constant 32 : index
        %get3A_291 = tpu.vector_load %arg6[%get3A_289, %get3A_290] {strides = array<i32>} : memref<400x64xf32, #tpu.memory_space<vmem>>, vector<1x16xf32>,
        %get3A_292 = vector.shape_cast %get3A_291 : vector<1x16xf32> to vector<16xf32>
        %add3A_293 = arith.addf %add3A_265, %get3A_292 : vector<16xf32>
        %add3A_294 = arith.constant 8 : i32
        %add3A_295 = arith.addi %mul3A_61, %add3A_294 : i32
        %get3A_296 = arith.index_cast %add3A_295 : i32 to index
        %get3A_297 = arith.constant 48 : index
        %get3A_298 = tpu.vector_load %arg6[%get3A_296, %get3A_297] {strides = array<i32>} : memref<400x64xf32, #tpu.memory_space<vmem>>, vector<1x16xf32>,
        %get3A_299 = vector.shape_cast %get3A_298 : vector<1x16xf32> to vector<16xf32>
        %add3A_300 = arith.addf %add3A_272, %get3A_299 : vector<16xf32>
        %add3A_301 = arith.constant 9 : i32
        %add3A_302 = arith.addi %mul3A_61, %add3A_301 : i32
        %get3A_303 = arith.index_cast %add3A_302 : i32 to index
        %get3A_304 = arith.constant 0 : index
        %get3A_305 = tpu.vector_load %arg6[%get3A_303, %get3A_304] {strides = array<i32>} : memref<400x64xf32, #tpu.memory_space<vmem>>, vector<1x16xf32>,
        %get3A_306 = vector.shape_cast %get3A_305 : vector<1x16xf32> to vector<16xf32>
        %add3A_307 = arith.addf %add3A_279, %get3A_306 : vector<16xf32>
        %add3A_308 = arith.constant 9 : i32
        %add3A_309 = arith.addi %mul3A_61, %add3A_308 : i32
        %get3A_310 = arith.index_cast %add3A_309 : i32 to index
        %get3A_311 = arith.constant 16 : index
        %get3A_312 = tpu.vector_load %arg6[%get3A_310, %get3A_311] {strides = array<i32>} : memref<400x64xf32, #tpu.memory_space<vmem>>, vector<1x16xf32>,
        %get3A_313 = vector.shape_cast %get3A_312 : vector<1x16xf32> to vector<16xf32>
        %add3A_314 = arith.addf %add3A_286, %get3A_313 : vector<16xf32>
        %add3A_315 = arith.constant 9 : i32
        %add3A_316 = arith.addi %mul3A_61, %add3A_315 : i32
        %get3A_317 = arith.index_cast %add3A_316 : i32 to index
        %get3A_318 = arith.constant 32 : index
        %get3A_319 = tpu.vector_load %arg6[%get3A_317, %get3A_318] {strides = array<i32>} : memref<400x64xf32, #tpu.memory_space<vmem>>, vector<1x16xf32>,
        %get3A_320 = vector.shape_cast %get3A_319 : vector<1x16xf32> to vector<16xf32>
        %add3A_321 = arith.addf %add3A_293, %get3A_320 : vector<16xf32>
        %add3A_322 = arith.constant 9 : i32
        %add3A_323 = arith.addi %mul3A_61, %add3A_322 : i32
        %get3A_324 = arith.index_cast %add3A_323 : i32 to index
        %get3A_325 = arith.constant 48 : index
        %get3A_326 = tpu.vector_load %arg6[%get3A_324, %get3A_325] {strides = array<i32>} : memref<400x64xf32, #tpu.memory_space<vmem>>, vector<1x16xf32>,
        %get3A_327 = vector.shape_cast %get3A_326 : vector<1x16xf32> to vector<16xf32>
        %add3A_328 = arith.addf %add3A_300, %get3A_327 : vector<16xf32>
        %add3A_329 = arith.constant 10 : i32
        %add3A_330 = arith.addi %mul3A_61, %add3A_329 : i32
        %get3A_331 = arith.index_cast %add3A_330 : i32 to index
        %get3A_332 = arith.constant 0 : index
        %get3A_333 = tpu.vector_load %arg6[%get3A_331, %get3A_332] {strides = array<i32>} : memref<400x64xf32, #tpu.memory_space<vmem>>, vector<1x16xf32>,
        %get3A_334 = vector.shape_cast %get3A_333 : vector<1x16xf32> to vector<16xf32>
        %add3A_335 = arith.addf %add3A_307, %get3A_334 : vector<16xf32>
        %add3A_336 = arith.constant 10 : i32
        %add3A_337 = arith.addi %mul3A_61, %add3A_336 : i32
        %get3A_338 = arith.index_cast %add3A_337 : i32 to index
        %get3A_339 = arith.constant 16 : index
        %get3A_340 = tpu.vector_load %arg6[%get3A_338, %get3A_339] {strides = array<i32>} : memref<400x64xf32, #tpu.memory_space<vmem>>, vector<1x16xf32>,
        %get3A_341 = vector.shape_cast %get3A_340 : vector<1x16xf32> to vector<16xf32>
        %add3A_342 = arith.addf %add3A_314, %get3A_341 : vector<16xf32>
        %add3A_343 = arith.constant 10 : i32
        %add3A_344 = arith.addi %mul3A_61, %add3A_343 : i32
        %get3A_345 = arith.index_cast %add3A_344 : i32 to index
        %get3A_346 = arith.constant 32 : index
        %get3A_347 = tpu.vector_load %arg6[%get3A_345, %get3A_346] {strides = array<i32>} : memref<400x64xf32, #tpu.memory_space<vmem>>, vector<1x16xf32>,
        %get3A_348 = vector.shape_cast %get3A_347 : vector<1x16xf32> to vector<16xf32>
        %add3A_349 = arith.addf %add3A_321, %get3A_348 : vector<16xf32>
        %add3A_350 = arith.constant 10 : i32
        %add3A_351 = arith.addi %mul3A_61, %add3A_350 : i32
        %get3A_352 = arith.index_cast %add3A_351 : i32 to index
        %get3A_353 = arith.constant 48 : index
        %get3A_354 = tpu.vector_load %arg6[%get3A_352, %get3A_353] {strides = array<i32>} : memref<400x64xf32, #tpu.memory_space<vmem>>, vector<1x16xf32>,
        %get3A_355 = vector.shape_cast %get3A_354 : vector<1x16xf32> to vector<16xf32>
        %add3A_356 = arith.addf %add3A_328, %get3A_355 : vector<16xf32>
        %add3A_357 = arith.constant 11 : i32
        %add3A_358 = arith.addi %mul3A_61, %add3A_357 : i32
        %get3A_359 = arith.index_cast %add3A_358 : i32 to index
        %get3A_360 = arith.constant 0 : index
        %get3A_361 = tpu.vector_load %arg6[%get3A_359, %get3A_360] {strides = array<i32>} : memref<400x64xf32, #tpu.memory_space<vmem>>, vector<1x16xf32>,
        %get3A_362 = vector.shape_cast %get3A_361 : vector<1x16xf32> to vector<16xf32>
        %add3A_363 = arith.addf %add3A_335, %get3A_362 : vector<16xf32>
        %add3A_364 = arith.constant 11 : i32
        %add3A_365 = arith.addi %mul3A_61, %add3A_364 : i32
        %get3A_366 = arith.index_cast %add3A_365 : i32 to index
        %get3A_367 = arith.constant 16 : index
        %get3A_368 = tpu.vector_load %arg6[%get3A_366, %get3A_367] {strides = array<i32>} : memref<400x64xf32, #tpu.memory_space<vmem>>, vector<1x16xf32>,
        %get3A_369 = vector.shape_cast %get3A_368 : vector<1x16xf32> to vector<16xf32>
        %add3A_370 = arith.addf %add3A_342, %get3A_369 : vector<16xf32>
        %add3A_371 = arith.constant 11 : i32
        %add3A_372 = arith.addi %mul3A_61, %add3A_371 : i32
        %get3A_373 = arith.index_cast %add3A_372 : i32 to index
        %get3A_374 = arith.constant 32 : index
        %get3A_375 = tpu.vector_load %arg6[%get3A_373, %get3A_374] {strides = array<i32>} : memref<400x64xf32, #tpu.memory_space<vmem>>, vector<1x16xf32>,
        %get3A_376 = vector.shape_cast %get3A_375 : vector<1x16xf32> to vector<16xf32>
        %add3A_377 = arith.addf %add3A_349, %get3A_376 : vector<16xf32>
        %add3A_378 = arith.constant 11 : i32
        %add3A_379 = arith.addi %mul3A_61, %add3A_378 : i32
        %get3A_380 = arith.index_cast %add3A_379 : i32 to index
        %get3A_381 = arith.constant 48 : index
        %get3A_382 = tpu.vector_load %arg6[%get3A_380, %get3A_381] {strides = array<i32>} : memref<400x64xf32, #tpu.memory_space<vmem>>, vector<1x16xf32>,
        %get3A_383 = vector.shape_cast %get3A_382 : vector<1x16xf32> to vector<16xf32>
        %add3A_384 = arith.addf %add3A_356, %get3A_383 : vector<16xf32>
        %add3A_385 = arith.constant 12 : i32
        %add3A_386 = arith.addi %mul3A_61, %add3A_385 : i32
        %get3A_387 = arith.index_cast %add3A_386 : i32 to index
        %get3A_388 = arith.constant 0 : index
        %get3A_389 = tpu.vector_load %arg6[%get3A_387, %get3A_388] {strides = array<i32>} : memref<400x64xf32, #tpu.memory_space<vmem>>, vector<1x16xf32>,
        %get3A_390 = vector.shape_cast %get3A_389 : vector<1x16xf32> to vector<16xf32>
        %add3A_391 = arith.addf %add3A_363, %get3A_390 : vector<16xf32>
        %add3A_392 = arith.constant 12 : i32
        %add3A_393 = arith.addi %mul3A_61, %add3A_392 : i32
        %get3A_394 = arith.index_cast %add3A_393 : i32 to index
        %get3A_395 = arith.constant 16 : index
        %get3A_396 = tpu.vector_load %arg6[%get3A_394, %get3A_395] {strides = array<i32>} : memref<400x64xf32, #tpu.memory_space<vmem>>, vector<1x16xf32>,
        %get3A_397 = vector.shape_cast %get3A_396 : vector<1x16xf32> to vector<16xf32>
        %add3A_398 = arith.addf %add3A_370, %get3A_397 : vector<16xf32>
        %add3A_399 = arith.constant 12 : i32
        %add3A_400 = arith.addi %mul3A_61, %add3A_399 : i32
        %get3A_401 = arith.index_cast %add3A_400 : i32 to index
        %get3A_402 = arith.constant 32 : index
        %get3A_403 = tpu.vector_load %arg6[%get3A_401, %get3A_402] {strides = array<i32>} : memref<400x64xf32, #tpu.memory_space<vmem>>, vector<1x16xf32>,
        %get3A_404 = vector.shape_cast %get3A_403 : vector<1x16xf32> to vector<16xf32>
        %add3A_405 = arith.addf %add3A_377, %get3A_404 : vector<16xf32>
        %add3A_406 = arith.constant 12 : i32
        %add3A_407 = arith.addi %mul3A_61, %add3A_406 : i32
        %get3A_408 = arith.index_cast %add3A_407 : i32 to index
        %get3A_409 = arith.constant 48 : index
        %get3A_410 = tpu.vector_load %arg6[%get3A_408, %get3A_409] {strides = array<i32>} : memref<400x64xf32, #tpu.memory_space<vmem>>, vector<1x16xf32>,
        %get3A_411 = vector.shape_cast %get3A_410 : vector<1x16xf32> to vector<16xf32>
        %add3A_412 = arith.addf %add3A_384, %get3A_411 : vector<16xf32>
        %add3A_413 = arith.constant 13 : i32
        %add3A_414 = arith.addi %mul3A_61, %add3A_413 : i32
        %get3A_415 = arith.index_cast %add3A_414 : i32 to index
        %get3A_416 = arith.constant 0 : index
        %get3A_417 = tpu.vector_load %arg6[%get3A_415, %get3A_416] {strides = array<i32>} : memref<400x64xf32, #tpu.memory_space<vmem>>, vector<1x16xf32>,
        %get3A_418 = vector.shape_cast %get3A_417 : vector<1x16xf32> to vector<16xf32>
        %add3A_419 = arith.addf %add3A_391, %get3A_418 : vector<16xf32>
        %add3A_420 = arith.constant 13 : i32
        %add3A_421 = arith.addi %mul3A_61, %add3A_420 : i32
        %get3A_422 = arith.index_cast %add3A_421 : i32 to index
        %get3A_423 = arith.constant 16 : index
        %get3A_424 = tpu.vector_load %arg6[%get3A_422, %get3A_423] {strides = array<i32>} : memref<400x64xf32, #tpu.memory_space<vmem>>, vector<1x16xf32>,
        %get3A_425 = vector.shape_cast %get3A_424 : vector<1x16xf32> to vector<16xf32>
        %add3A_426 = arith.addf %add3A_398, %get3A_425 : vector<16xf32>
        %add3A_427 = arith.constant 13 : i32
        %add3A_428 = arith.addi %mul3A_61, %add3A_427 : i32
        %get3A_429 = arith.index_cast %add3A_428 : i32 to index
        %get3A_430 = arith.constant 32 : index
        %get3A_431 = tpu.vector_load %arg6[%get3A_429, %get3A_430] {strides = array<i32>} : memref<400x64xf32, #tpu.memory_space<vmem>>, vector<1x16xf32>,
        %get3A_432 = vector.shape_cast %get3A_431 : vector<1x16xf32> to vector<16xf32>
        %add3A_433 = arith.addf %add3A_405, %get3A_432 : vector<16xf32>
        %add3A_434 = arith.constant 13 : i32
        %add3A_435 = arith.addi %mul3A_61, %add3A_434 : i32
        %get3A_436 = arith.index_cast %add3A_435 : i32 to index
        %get3A_437 = arith.constant 48 : index
        %get3A_438 = tpu.vector_load %arg6[%get3A_436, %get3A_437] {strides = array<i32>} : memref<400x64xf32, #tpu.memory_space<vmem>>, vector<1x16xf32>,
        %get3A_439 = vector.shape_cast %get3A_438 : vector<1x16xf32> to vector<16xf32>
        %add3A_440 = arith.addf %add3A_412, %get3A_439 : vector<16xf32>
        %add3A_441 = arith.constant 14 : i32
        %add3A_442 = arith.addi %mul3A_61, %add3A_441 : i32
        %get3A_443 = arith.index_cast %add3A_442 : i32 to index
        %get3A_444 = arith.constant 0 : index
        %get3A_445 = tpu.vector_load %arg6[%get3A_443, %get3A_444] {strides = array<i32>} : memref<400x64xf32, #tpu.memory_space<vmem>>, vector<1x16xf32>,
        %get3A_446 = vector.shape_cast %get3A_445 : vector<1x16xf32> to vector<16xf32>
        %add3A_447 = arith.addf %add3A_419, %get3A_446 : vector<16xf32>
        %add3A_448 = arith.constant 14 : i32
        %add3A_449 = arith.addi %mul3A_61, %add3A_448 : i32
        %get3A_450 = arith.index_cast %add3A_449 : i32 to index
        %get3A_451 = arith.constant 16 : index
        %get3A_452 = tpu.vector_load %arg6[%get3A_450, %get3A_451] {strides = array<i32>} : memref<400x64xf32, #tpu.memory_space<vmem>>, vector<1x16xf32>,
        %get3A_453 = vector.shape_cast %get3A_452 : vector<1x16xf32> to vector<16xf32>
        %add3A_454 = arith.addf %add3A_426, %get3A_453 : vector<16xf32>
        %add3A_455 = arith.constant 14 : i32
        %add3A_456 = arith.addi %mul3A_61, %add3A_455 : i32
        %get3A_457 = arith.index_cast %add3A_456 : i32 to index
        %get3A_458 = arith.constant 32 : index
        %get3A_459 = tpu.vector_load %arg6[%get3A_457, %get3A_458] {strides = array<i32>} : memref<400x64xf32, #tpu.memory_space<vmem>>, vector<1x16xf32>,
        %get3A_460 = vector.shape_cast %get3A_459 : vector<1x16xf32> to vector<16xf32>
        %add3A_461 = arith.addf %add3A_433, %get3A_460 : vector<16xf32>
        %add3A_462 = arith.constant 14 : i32
        %add3A_463 = arith.addi %mul3A_61, %add3A_462 : i32
        %get3A_464 = arith.index_cast %add3A_463 : i32 to index
        %get3A_465 = arith.constant 48 : index
        %get3A_466 = tpu.vector_load %arg6[%get3A_464, %get3A_465] {strides = array<i32>} : memref<400x64xf32, #tpu.memory_space<vmem>>, vector<1x16xf32>,
        %get3A_467 = vector.shape_cast %get3A_466 : vector<1x16xf32> to vector<16xf32>
        %add3A_468 = arith.addf %add3A_440, %get3A_467 : vector<16xf32>
        %add3A_469 = arith.constant 15 : i32
        %add3A_470 = arith.addi %mul3A_61, %add3A_469 : i32
        %get3A_471 = arith.index_cast %add3A_470 : i32 to index
        %get3A_472 = arith.constant 0 : index
        %get3A_473 = tpu.vector_load %arg6[%get3A_471, %get3A_472] {strides = array<i32>} : memref<400x64xf32, #tpu.memory_space<vmem>>, vector<1x16xf32>,
        %get3A_474 = vector.shape_cast %get3A_473 : vector<1x16xf32> to vector<16xf32>
        %add3A_475 = arith.addf %add3A_447, %get3A_474 : vector<16xf32>
        %add3A_476 = arith.constant 15 : i32
        %add3A_477 = arith.addi %mul3A_61, %add3A_476 : i32
        %get3A_478 = arith.index_cast %add3A_477 : i32 to index
        %get3A_479 = arith.constant 16 : index
        %get3A_480 = tpu.vector_load %arg6[%get3A_478, %get3A_479] {strides = array<i32>} : memref<400x64xf32, #tpu.memory_space<vmem>>, vector<1x16xf32>,
        %get3A_481 = vector.shape_cast %get3A_480 : vector<1x16xf32> to vector<16xf32>
        %add3A_482 = arith.addf %add3A_454, %get3A_481 : vector<16xf32>
        %add3A_483 = arith.constant 15 : i32
        %add3A_484 = arith.addi %mul3A_61, %add3A_483 : i32
        %get3A_485 = arith.index_cast %add3A_484 : i32 to index
        %get3A_486 = arith.constant 32 : index
        %get3A_487 = tpu.vector_load %arg6[%get3A_485, %get3A_486] {strides = array<i32>} : memref<400x64xf32, #tpu.memory_space<vmem>>, vector<1x16xf32>,
        %get3A_488 = vector.shape_cast %get3A_487 : vector<1x16xf32> to vector<16xf32>
        %add3A_489 = arith.addf %add3A_461, %get3A_488 : vector<16xf32>
        %add3A_490 = arith.constant 15 : i32
        %add3A_491 = arith.addi %mul3A_61, %add3A_490 : i32
        %get3A_492 = arith.index_cast %add3A_491 : i32 to index
        %get3A_493 = arith.constant 48 : index
        %get3A_494 = tpu.vector_load %arg6[%get3A_492, %get3A_493] {strides = array<i32>} : memref<400x64xf32, #tpu.memory_space<vmem>>, vector<1x16xf32>,
        %get3A_495 = vector.shape_cast %get3A_494 : vector<1x16xf32> to vector<16xf32>
        %add3A_496 = arith.addf %add3A_468, %get3A_495 : vector<16xf32>
        %add3A_497 = arith.constant 16 : i32
        %add3A_498 = arith.addi %mul3A_61, %add3A_497 : i32
        %get3A_499 = arith.index_cast %add3A_498 : i32 to index
        %get3A_500 = arith.constant 0 : index
        %get3A_501 = tpu.vector_load %arg6[%get3A_499, %get3A_500] {strides = array<i32>} : memref<400x64xf32, #tpu.memory_space<vmem>>, vector<1x16xf32>,
        %get3A_502 = vector.shape_cast %get3A_501 : vector<1x16xf32> to vector<16xf32>
        %add3A_503 = arith.addf %add3A_475, %get3A_502 : vector<16xf32>
        %add3A_504 = arith.constant 16 : i32
        %add3A_505 = arith.addi %mul3A_61, %add3A_504 : i32
        %get3A_506 = arith.index_cast %add3A_505 : i32 to index
        %get3A_507 = arith.constant 16 : index
        %get3A_508 = tpu.vector_load %arg6[%get3A_506, %get3A_507] {strides = array<i32>} : memref<400x64xf32, #tpu.memory_space<vmem>>, vector<1x16xf32>,
        %get3A_509 = vector.shape_cast %get3A_508 : vector<1x16xf32> to vector<16xf32>
        %add3A_510 = arith.addf %add3A_482, %get3A_509 : vector<16xf32>
        %add3A_511 = arith.constant 16 : i32
        %add3A_512 = arith.addi %mul3A_61, %add3A_511 : i32
        %get3A_513 = arith.index_cast %add3A_512 : i32 to index
        %get3A_514 = arith.constant 32 : index
        %get3A_515 = tpu.vector_load %arg6[%get3A_513, %get3A_514] {strides = array<i32>} : memref<400x64xf32, #tpu.memory_space<vmem>>, vector<1x16xf32>,
        %get3A_516 = vector.shape_cast %get3A_515 : vector<1x16xf32> to vector<16xf32>
        %add3A_517 = arith.addf %add3A_489, %get3A_516 : vector<16xf32>
        %add3A_518 = arith.constant 16 : i32
        %add3A_519 = arith.addi %mul3A_61, %add3A_518 : i32
        %get3A_520 = arith.index_cast %add3A_519 : i32 to index
        %get3A_521 = arith.constant 48 : index
        %get3A_522 = tpu.vector_load %arg6[%get3A_520, %get3A_521] {strides = array<i32>} : memref<400x64xf32, #tpu.memory_space<vmem>>, vector<1x16xf32>,
        %get3A_523 = vector.shape_cast %get3A_522 : vector<1x16xf32> to vector<16xf32>
        %add3A_524 = arith.addf %add3A_496, %get3A_523 : vector<16xf32>
        %add3A_525 = arith.constant 17 : i32
        %add3A_526 = arith.addi %mul3A_61, %add3A_525 : i32
        %get3A_527 = arith.index_cast %add3A_526 : i32 to index
        %get3A_528 = arith.constant 0 : index
        %get3A_529 = tpu.vector_load %arg6[%get3A_527, %get3A_528] {strides = array<i32>} : memref<400x64xf32, #tpu.memory_space<vmem>>, vector<1x16xf32>,
        %get3A_530 = vector.shape_cast %get3A_529 : vector<1x16xf32> to vector<16xf32>
        %add3A_531 = arith.addf %add3A_503, %get3A_530 : vector<16xf32>
        %add3A_532 = arith.constant 17 : i32
        %add3A_533 = arith.addi %mul3A_61, %add3A_532 : i32
        %get3A_534 = arith.index_cast %add3A_533 : i32 to index
        %get3A_535 = arith.constant 16 : index
        %get3A_536 = tpu.vector_load %arg6[%get3A_534, %get3A_535] {strides = array<i32>} : memref<400x64xf32, #tpu.memory_space<vmem>>, vector<1x16xf32>,
        %get3A_537 = vector.shape_cast %get3A_536 : vector<1x16xf32> to vector<16xf32>
        %add3A_538 = arith.addf %add3A_510, %get3A_537 : vector<16xf32>
        %add3A_539 = arith.constant 17 : i32
        %add3A_540 = arith.addi %mul3A_61, %add3A_539 : i32
        %get3A_541 = arith.index_cast %add3A_540 : i32 to index
        %get3A_542 = arith.constant 32 : index
        %get3A_543 = tpu.vector_load %arg6[%get3A_541, %get3A_542] {strides = array<i32>} : memref<400x64xf32, #tpu.memory_space<vmem>>, vector<1x16xf32>,
        %get3A_544 = vector.shape_cast %get3A_543 : vector<1x16xf32> to vector<16xf32>
        %add3A_545 = arith.addf %add3A_517, %get3A_544 : vector<16xf32>
        %add3A_546 = arith.constant 17 : i32
        %add3A_547 = arith.addi %mul3A_61, %add3A_546 : i32
        %get3A_548 = arith.index_cast %add3A_547 : i32 to index
        %get3A_549 = arith.constant 48 : index
        %get3A_550 = tpu.vector_load %arg6[%get3A_548, %get3A_549] {strides = array<i32>} : memref<400x64xf32, #tpu.memory_space<vmem>>, vector<1x16xf32>,
        %get3A_551 = vector.shape_cast %get3A_550 : vector<1x16xf32> to vector<16xf32>
        %add3A_552 = arith.addf %add3A_524, %get3A_551 : vector<16xf32>
        %add3A_553 = arith.constant 18 : i32
        %add3A_554 = arith.addi %mul3A_61, %add3A_553 : i32
        %get3A_555 = arith.index_cast %add3A_554 : i32 to index
        %get3A_556 = arith.constant 0 : index
        %get3A_557 = tpu.vector_load %arg6[%get3A_555, %get3A_556] {strides = array<i32>} : memref<400x64xf32, #tpu.memory_space<vmem>>, vector<1x16xf32>,
        %get3A_558 = vector.shape_cast %get3A_557 : vector<1x16xf32> to vector<16xf32>
        %add3A_559 = arith.addf %add3A_531, %get3A_558 : vector<16xf32>
        %add3A_560 = arith.constant 18 : i32
        %add3A_561 = arith.addi %mul3A_61, %add3A_560 : i32
        %get3A_562 = arith.index_cast %add3A_561 : i32 to index
        %get3A_563 = arith.constant 16 : index
        %get3A_564 = tpu.vector_load %arg6[%get3A_562, %get3A_563] {strides = array<i32>} : memref<400x64xf32, #tpu.memory_space<vmem>>, vector<1x16xf32>,
        %get3A_565 = vector.shape_cast %get3A_564 : vector<1x16xf32> to vector<16xf32>
        %add3A_566 = arith.addf %add3A_538, %get3A_565 : vector<16xf32>
        %add3A_567 = arith.constant 18 : i32
        %add3A_568 = arith.addi %mul3A_61, %add3A_567 : i32
        %get3A_569 = arith.index_cast %add3A_568 : i32 to index
        %get3A_570 = arith.constant 32 : index
        %get3A_571 = tpu.vector_load %arg6[%get3A_569, %get3A_570] {strides = array<i32>} : memref<400x64xf32, #tpu.memory_space<vmem>>, vector<1x16xf32>,
        %get3A_572 = vector.shape_cast %get3A_571 : vector<1x16xf32> to vector<16xf32>
        %add3A_573 = arith.addf %add3A_545, %get3A_572 : vector<16xf32>
        %add3A_574 = arith.constant 18 : i32
        %add3A_575 = arith.addi %mul3A_61, %add3A_574 : i32
        %get3A_576 = arith.index_cast %add3A_575 : i32 to index
        %get3A_577 = arith.constant 48 : index
        %get3A_578 = tpu.vector_load %arg6[%get3A_576, %get3A_577] {strides = array<i32>} : memref<400x64xf32, #tpu.memory_space<vmem>>, vector<1x16xf32>,
        %get3A_579 = vector.shape_cast %get3A_578 : vector<1x16xf32> to vector<16xf32>
        %add3A_580 = arith.addf %add3A_552, %get3A_579 : vector<16xf32>
        %add3A_581 = arith.constant 19 : i32
        %add3A_582 = arith.addi %mul3A_61, %add3A_581 : i32
        %get3A_583 = arith.index_cast %add3A_582 : i32 to index
        %get3A_584 = arith.constant 0 : index
        %get3A_585 = tpu.vector_load %arg6[%get3A_583, %get3A_584] {strides = array<i32>} : memref<400x64xf32, #tpu.memory_space<vmem>>, vector<1x16xf32>,
        %get3A_586 = vector.shape_cast %get3A_585 : vector<1x16xf32> to vector<16xf32>
        %add3A_587 = arith.addf %add3A_559, %get3A_586 : vector<16xf32>
        %add3A_588 = arith.constant 19 : i32
        %add3A_589 = arith.addi %mul3A_61, %add3A_588 : i32
        %get3A_590 = arith.index_cast %add3A_589 : i32 to index
        %get3A_591 = arith.constant 16 : index
        %get3A_592 = tpu.vector_load %arg6[%get3A_590, %get3A_591] {strides = array<i32>} : memref<400x64xf32, #tpu.memory_space<vmem>>, vector<1x16xf32>,
        %get3A_593 = vector.shape_cast %get3A_592 : vector<1x16xf32> to vector<16xf32>
        %add3A_594 = arith.addf %add3A_566, %get3A_593 : vector<16xf32>
        %add3A_595 = arith.constant 19 : i32
        %add3A_596 = arith.addi %mul3A_61, %add3A_595 : i32
        %get3A_597 = arith.index_cast %add3A_596 : i32 to index
        %get3A_598 = arith.constant 32 : index
        %get3A_599 = tpu.vector_load %arg6[%get3A_597, %get3A_598] {strides = array<i32>} : memref<400x64xf32, #tpu.memory_space<vmem>>, vector<1x16xf32>,
        %get3A_600 = vector.shape_cast %get3A_599 : vector<1x16xf32> to vector<16xf32>
        %add3A_601 = arith.addf %add3A_573, %get3A_600 : vector<16xf32>
        %add3A_602 = arith.constant 19 : i32
        %add3A_603 = arith.addi %mul3A_61, %add3A_602 : i32
        %get3A_604 = arith.index_cast %add3A_603 : i32 to index
        %get3A_605 = arith.constant 48 : index
        %get3A_606 = tpu.vector_load %arg6[%get3A_604, %get3A_605] {strides = array<i32>} : memref<400x64xf32, #tpu.memory_space<vmem>>, vector<1x16xf32>,
        %get3A_607 = vector.shape_cast %get3A_606 : vector<1x16xf32> to vector<16xf32>
        %add3A_608 = arith.addf %add3A_580, %get3A_607 : vector<16xf32>
        %add3A_609 = arith.constant 20 : i32
        %add3A_610 = arith.addi %mul3A_61, %add3A_609 : i32
        %get3A_611 = arith.index_cast %add3A_610 : i32 to index
        %get3A_612 = arith.constant 0 : index
        %get3A_613 = tpu.vector_load %arg6[%get3A_611, %get3A_612] {strides = array<i32>} : memref<400x64xf32, #tpu.memory_space<vmem>>, vector<1x16xf32>,
        %get3A_614 = vector.shape_cast %get3A_613 : vector<1x16xf32> to vector<16xf32>
        %add3A_615 = arith.addf %add3A_587, %get3A_614 : vector<16xf32>
        %add3A_616 = arith.constant 20 : i32
        %add3A_617 = arith.addi %mul3A_61, %add3A_616 : i32
        %get3A_618 = arith.index_cast %add3A_617 : i32 to index
        %get3A_619 = arith.constant 16 : index
        %get3A_620 = tpu.vector_load %arg6[%get3A_618, %get3A_619] {strides = array<i32>} : memref<400x64xf32, #tpu.memory_space<vmem>>, vector<1x16xf32>,
        %get3A_621 = vector.shape_cast %get3A_620 : vector<1x16xf32> to vector<16xf32>
        %add3A_622 = arith.addf %add3A_594, %get3A_621 : vector<16xf32>
        %add3A_623 = arith.constant 20 : i32
        %add3A_624 = arith.addi %mul3A_61, %add3A_623 : i32
        %get3A_625 = arith.index_cast %add3A_624 : i32 to index
        %get3A_626 = arith.constant 32 : index
        %get3A_627 = tpu.vector_load %arg6[%get3A_625, %get3A_626] {strides = array<i32>} : memref<400x64xf32, #tpu.memory_space<vmem>>, vector<1x16xf32>,
        %get3A_628 = vector.shape_cast %get3A_627 : vector<1x16xf32> to vector<16xf32>
        %add3A_629 = arith.addf %add3A_601, %get3A_628 : vector<16xf32>
        %add3A_630 = arith.constant 20 : i32
        %add3A_631 = arith.addi %mul3A_61, %add3A_630 : i32
        %get3A_632 = arith.index_cast %add3A_631 : i32 to index
        %get3A_633 = arith.constant 48 : index
        %get3A_634 = tpu.vector_load %arg6[%get3A_632, %get3A_633] {strides = array<i32>} : memref<400x64xf32, #tpu.memory_space<vmem>>, vector<1x16xf32>,
        %get3A_635 = vector.shape_cast %get3A_634 : vector<1x16xf32> to vector<16xf32>
        %add3A_636 = arith.addf %add3A_608, %get3A_635 : vector<16xf32>
        %add3A_637 = arith.constant 21 : i32
        %add3A_638 = arith.addi %mul3A_61, %add3A_637 : i32
        %get3A_639 = arith.index_cast %add3A_638 : i32 to index
        %get3A_640 = arith.constant 0 : index
        %get3A_641 = tpu.vector_load %arg6[%get3A_639, %get3A_640] {strides = array<i32>} : memref<400x64xf32, #tpu.memory_space<vmem>>, vector<1x16xf32>,
        %get3A_642 = vector.shape_cast %get3A_641 : vector<1x16xf32> to vector<16xf32>
        %add3A_643 = arith.addf %add3A_615, %get3A_642 : vector<16xf32>
        %add3A_644 = arith.constant 21 : i32
        %add3A_645 = arith.addi %mul3A_61, %add3A_644 : i32
        %get3A_646 = arith.index_cast %add3A_645 : i32 to index
        %get3A_647 = arith.constant 16 : index
        %get3A_648 = tpu.vector_load %arg6[%get3A_646, %get3A_647] {strides = array<i32>} : memref<400x64xf32, #tpu.memory_space<vmem>>, vector<1x16xf32>,
        %get3A_649 = vector.shape_cast %get3A_648 : vector<1x16xf32> to vector<16xf32>
        %add3A_650 = arith.addf %add3A_622, %get3A_649 : vector<16xf32>
        %add3A_651 = arith.constant 21 : i32
        %add3A_652 = arith.addi %mul3A_61, %add3A_651 : i32
        %get3A_653 = arith.index_cast %add3A_652 : i32 to index
        %get3A_654 = arith.constant 32 : index
        %get3A_655 = tpu.vector_load %arg6[%get3A_653, %get3A_654] {strides = array<i32>} : memref<400x64xf32, #tpu.memory_space<vmem>>, vector<1x16xf32>,
        %get3A_656 = vector.shape_cast %get3A_655 : vector<1x16xf32> to vector<16xf32>
        %add3A_657 = arith.addf %add3A_629, %get3A_656 : vector<16xf32>
        %add3A_658 = arith.constant 21 : i32
        %add3A_659 = arith.addi %mul3A_61, %add3A_658 : i32
        %get3A_660 = arith.index_cast %add3A_659 : i32 to index
        %get3A_661 = arith.constant 48 : index
        %get3A_662 = tpu.vector_load %arg6[%get3A_660, %get3A_661] {strides = array<i32>} : memref<400x64xf32, #tpu.memory_space<vmem>>, vector<1x16xf32>,
        %get3A_663 = vector.shape_cast %get3A_662 : vector<1x16xf32> to vector<16xf32>
        %add3A_664 = arith.addf %add3A_636, %get3A_663 : vector<16xf32>
        %add3A_665 = arith.constant 22 : i32
        %add3A_666 = arith.addi %mul3A_61, %add3A_665 : i32
        %get3A_667 = arith.index_cast %add3A_666 : i32 to index
        %get3A_668 = arith.constant 0 : index
        %get3A_669 = tpu.vector_load %arg6[%get3A_667, %get3A_668] {strides = array<i32>} : memref<400x64xf32, #tpu.memory_space<vmem>>, vector<1x16xf32>,
        %get3A_670 = vector.shape_cast %get3A_669 : vector<1x16xf32> to vector<16xf32>
        %add3A_671 = arith.addf %add3A_643, %get3A_670 : vector<16xf32>
        %add3A_672 = arith.constant 22 : i32
        %add3A_673 = arith.addi %mul3A_61, %add3A_672 : i32
        %get3A_674 = arith.index_cast %add3A_673 : i32 to index
        %get3A_675 = arith.constant 16 : index
        %get3A_676 = tpu.vector_load %arg6[%get3A_674, %get3A_675] {strides = array<i32>} : memref<400x64xf32, #tpu.memory_space<vmem>>, vector<1x16xf32>,
        %get3A_677 = vector.shape_cast %get3A_676 : vector<1x16xf32> to vector<16xf32>
        %add3A_678 = arith.addf %add3A_650, %get3A_677 : vector<16xf32>
        %add3A_679 = arith.constant 22 : i32
        %add3A_680 = arith.addi %mul3A_61, %add3A_679 : i32
        %get3A_681 = arith.index_cast %add3A_680 : i32 to index
        %get3A_682 = arith.constant 32 : index
        %get3A_683 = tpu.vector_load %arg6[%get3A_681, %get3A_682] {strides = array<i32>} : memref<400x64xf32, #tpu.memory_space<vmem>>, vector<1x16xf32>,
        %get3A_684 = vector.shape_cast %get3A_683 : vector<1x16xf32> to vector<16xf32>
        %add3A_685 = arith.addf %add3A_657, %get3A_684 : vector<16xf32>
        %add3A_686 = arith.constant 22 : i32
        %add3A_687 = arith.addi %mul3A_61, %add3A_686 : i32
        %get3A_688 = arith.index_cast %add3A_687 : i32 to index
        %get3A_689 = arith.constant 48 : index
        %get3A_690 = tpu.vector_load %arg6[%get3A_688, %get3A_689] {strides = array<i32>} : memref<400x64xf32, #tpu.memory_space<vmem>>, vector<1x16xf32>,
        %get3A_691 = vector.shape_cast %get3A_690 : vector<1x16xf32> to vector<16xf32>
        %add3A_692 = arith.addf %add3A_664, %get3A_691 : vector<16xf32>
        %add3A_693 = arith.constant 23 : i32
        %add3A_694 = arith.addi %mul3A_61, %add3A_693 : i32
        %get3A_695 = arith.index_cast %add3A_694 : i32 to index
        %get3A_696 = arith.constant 0 : index
        %get3A_697 = tpu.vector_load %arg6[%get3A_695, %get3A_696] {strides = array<i32>} : memref<400x64xf32, #tpu.memory_space<vmem>>, vector<1x16xf32>,
        %get3A_698 = vector.shape_cast %get3A_697 : vector<1x16xf32> to vector<16xf32>
        %add3A_699 = arith.addf %add3A_671, %get3A_698 : vector<16xf32>
        %add3A_700 = arith.constant 23 : i32
        %add3A_701 = arith.addi %mul3A_61, %add3A_700 : i32
        %get3A_702 = arith.index_cast %add3A_701 : i32 to index
        %get3A_703 = arith.constant 16 : index
        %get3A_704 = tpu.vector_load %arg6[%get3A_702, %get3A_703] {strides = array<i32>} : memref<400x64xf32, #tpu.memory_space<vmem>>, vector<1x16xf32>,
        %get3A_705 = vector.shape_cast %get3A_704 : vector<1x16xf32> to vector<16xf32>
        %add3A_706 = arith.addf %add3A_678, %get3A_705 : vector<16xf32>
        %add3A_707 = arith.constant 23 : i32
        %add3A_708 = arith.addi %mul3A_61, %add3A_707 : i32
        %get3A_709 = arith.index_cast %add3A_708 : i32 to index
        %get3A_710 = arith.constant 32 : index
        %get3A_711 = tpu.vector_load %arg6[%get3A_709, %get3A_710] {strides = array<i32>} : memref<400x64xf32, #tpu.memory_space<vmem>>, vector<1x16xf32>,
        %get3A_712 = vector.shape_cast %get3A_711 : vector<1x16xf32> to vector<16xf32>
        %add3A_713 = arith.addf %add3A_685, %get3A_712 : vector<16xf32>
        %add3A_714 = arith.constant 23 : i32
        %add3A_715 = arith.addi %mul3A_61, %add3A_714 : i32
        %get3A_716 = arith.index_cast %add3A_715 : i32 to index
        %get3A_717 = arith.constant 48 : index
        %get3A_718 = tpu.vector_load %arg6[%get3A_716, %get3A_717] {strides = array<i32>} : memref<400x64xf32, #tpu.memory_space<vmem>>, vector<1x16xf32>,
        %get3A_719 = vector.shape_cast %get3A_718 : vector<1x16xf32> to vector<16xf32>
        %add3A_720 = arith.addf %add3A_692, %get3A_719 : vector<16xf32>
        %add3A_721 = arith.constant 24 : i32
        %add3A_722 = arith.addi %mul3A_61, %add3A_721 : i32
        %get3A_723 = arith.index_cast %add3A_722 : i32 to index
        %get3A_724 = arith.constant 0 : index
        %get3A_725 = tpu.vector_load %arg6[%get3A_723, %get3A_724] {strides = array<i32>} : memref<400x64xf32, #tpu.memory_space<vmem>>, vector<1x16xf32>,
        %get3A_726 = vector.shape_cast %get3A_725 : vector<1x16xf32> to vector<16xf32>
        %add3A_727 = arith.addf %add3A_699, %get3A_726 : vector<16xf32>
        %add3A_728 = arith.constant 24 : i32
        %add3A_729 = arith.addi %mul3A_61, %add3A_728 : i32
        %get3A_730 = arith.index_cast %add3A_729 : i32 to index
        %get3A_731 = arith.constant 16 : index
        %get3A_732 = tpu.vector_load %arg6[%get3A_730, %get3A_731] {strides = array<i32>} : memref<400x64xf32, #tpu.memory_space<vmem>>, vector<1x16xf32>,
        %get3A_733 = vector.shape_cast %get3A_732 : vector<1x16xf32> to vector<16xf32>
        %add3A_734 = arith.addf %add3A_706, %get3A_733 : vector<16xf32>
        %add3A_735 = arith.constant 24 : i32
        %add3A_736 = arith.addi %mul3A_61, %add3A_735 : i32
        %get3A_737 = arith.index_cast %add3A_736 : i32 to index
        %get3A_738 = arith.constant 32 : index
        %get3A_739 = tpu.vector_load %arg6[%get3A_737, %get3A_738] {strides = array<i32>} : memref<400x64xf32, #tpu.memory_space<vmem>>, vector<1x16xf32>,
        %get3A_740 = vector.shape_cast %get3A_739 : vector<1x16xf32> to vector<16xf32>
        %add3A_741 = arith.addf %add3A_713, %get3A_740 : vector<16xf32>
        %add3A_742 = arith.constant 24 : i32
        %add3A_743 = arith.addi %mul3A_61, %add3A_742 : i32
        %get3A_744 = arith.index_cast %add3A_743 : i32 to index
        %get3A_745 = arith.constant 48 : index
        %get3A_746 = tpu.vector_load %arg6[%get3A_744, %get3A_745] {strides = array<i32>} : memref<400x64xf32, #tpu.memory_space<vmem>>, vector<1x16xf32>,
        %get3A_747 = vector.shape_cast %get3A_746 : vector<1x16xf32> to vector<16xf32>
        %add3A_748 = arith.addf %add3A_720, %get3A_747 : vector<16xf32>
        %add3A_749 = arith.constant 25 : i32
        %add3A_750 = arith.addi %mul3A_61, %add3A_749 : i32
        %get3A_751 = arith.index_cast %add3A_750 : i32 to index
        %get3A_752 = arith.constant 0 : index
        %get3A_753 = tpu.vector_load %arg6[%get3A_751, %get3A_752] {strides = array<i32>} : memref<400x64xf32, #tpu.memory_space<vmem>>, vector<1x16xf32>,
        %get3A_754 = vector.shape_cast %get3A_753 : vector<1x16xf32> to vector<16xf32>
        %add3A_755 = arith.addf %add3A_727, %get3A_754 : vector<16xf32>
        %add3A_756 = arith.constant 25 : i32
        %add3A_757 = arith.addi %mul3A_61, %add3A_756 : i32
        %get3A_758 = arith.index_cast %add3A_757 : i32 to index
        %get3A_759 = arith.constant 16 : index
        %get3A_760 = tpu.vector_load %arg6[%get3A_758, %get3A_759] {strides = array<i32>} : memref<400x64xf32, #tpu.memory_space<vmem>>, vector<1x16xf32>,
        %get3A_761 = vector.shape_cast %get3A_760 : vector<1x16xf32> to vector<16xf32>
        %add3A_762 = arith.addf %add3A_734, %get3A_761 : vector<16xf32>
        %add3A_763 = arith.constant 25 : i32
        %add3A_764 = arith.addi %mul3A_61, %add3A_763 : i32
        %get3A_765 = arith.index_cast %add3A_764 : i32 to index
        %get3A_766 = arith.constant 32 : index
        %get3A_767 = tpu.vector_load %arg6[%get3A_765, %get3A_766] {strides = array<i32>} : memref<400x64xf32, #tpu.memory_space<vmem>>, vector<1x16xf32>,
        %get3A_768 = vector.shape_cast %get3A_767 : vector<1x16xf32> to vector<16xf32>
        %add3A_769 = arith.addf %add3A_741, %get3A_768 : vector<16xf32>
        %add3A_770 = arith.constant 25 : i32
        %add3A_771 = arith.addi %mul3A_61, %add3A_770 : i32
        %get3A_772 = arith.index_cast %add3A_771 : i32 to index
        %get3A_773 = arith.constant 48 : index
        %get3A_774 = tpu.vector_load %arg6[%get3A_772, %get3A_773] {strides = array<i32>} : memref<400x64xf32, #tpu.memory_space<vmem>>, vector<1x16xf32>,
        %get3A_775 = vector.shape_cast %get3A_774 : vector<1x16xf32> to vector<16xf32>
        %add3A_776 = arith.addf %add3A_748, %get3A_775 : vector<16xf32>
        %add3A_777 = arith.constant 26 : i32
        %add3A_778 = arith.addi %mul3A_61, %add3A_777 : i32
        %get3A_779 = arith.index_cast %add3A_778 : i32 to index
        %get3A_780 = arith.constant 0 : index
        %get3A_781 = tpu.vector_load %arg6[%get3A_779, %get3A_780] {strides = array<i32>} : memref<400x64xf32, #tpu.memory_space<vmem>>, vector<1x16xf32>,
        %get3A_782 = vector.shape_cast %get3A_781 : vector<1x16xf32> to vector<16xf32>
        %add3A_783 = arith.addf %add3A_755, %get3A_782 : vector<16xf32>
        %add3A_784 = arith.constant 26 : i32
        %add3A_785 = arith.addi %mul3A_61, %add3A_784 : i32
        %get3A_786 = arith.index_cast %add3A_785 : i32 to index
        %get3A_787 = arith.constant 16 : index
        %get3A_788 = tpu.vector_load %arg6[%get3A_786, %get3A_787] {strides = array<i32>} : memref<400x64xf32, #tpu.memory_space<vmem>>, vector<1x16xf32>,
        %get3A_789 = vector.shape_cast %get3A_788 : vector<1x16xf32> to vector<16xf32>
        %add3A_790 = arith.addf %add3A_762, %get3A_789 : vector<16xf32>
        %add3A_791 = arith.constant 26 : i32
        %add3A_792 = arith.addi %mul3A_61, %add3A_791 : i32
        %get3A_793 = arith.index_cast %add3A_792 : i32 to index
        %get3A_794 = arith.constant 32 : index
        %get3A_795 = tpu.vector_load %arg6[%get3A_793, %get3A_794] {strides = array<i32>} : memref<400x64xf32, #tpu.memory_space<vmem>>, vector<1x16xf32>,
        %get3A_796 = vector.shape_cast %get3A_795 : vector<1x16xf32> to vector<16xf32>
        %add3A_797 = arith.addf %add3A_769, %get3A_796 : vector<16xf32>
        %add3A_798 = arith.constant 26 : i32
        %add3A_799 = arith.addi %mul3A_61, %add3A_798 : i32
        %get3A_800 = arith.index_cast %add3A_799 : i32 to index
        %get3A_801 = arith.constant 48 : index
        %get3A_802 = tpu.vector_load %arg6[%get3A_800, %get3A_801] {strides = array<i32>} : memref<400x64xf32, #tpu.memory_space<vmem>>, vector<1x16xf32>,
        %get3A_803 = vector.shape_cast %get3A_802 : vector<1x16xf32> to vector<16xf32>
        %add3A_804 = arith.addf %add3A_776, %get3A_803 : vector<16xf32>
        %add3A_805 = arith.constant 27 : i32
        %add3A_806 = arith.addi %mul3A_61, %add3A_805 : i32
        %get3A_807 = arith.index_cast %add3A_806 : i32 to index
        %get3A_808 = arith.constant 0 : index
        %get3A_809 = tpu.vector_load %arg6[%get3A_807, %get3A_808] {strides = array<i32>} : memref<400x64xf32, #tpu.memory_space<vmem>>, vector<1x16xf32>,
        %get3A_810 = vector.shape_cast %get3A_809 : vector<1x16xf32> to vector<16xf32>
        %add3A_811 = arith.addf %add3A_783, %get3A_810 : vector<16xf32>
        %add3A_812 = arith.constant 27 : i32
        %add3A_813 = arith.addi %mul3A_61, %add3A_812 : i32
        %get3A_814 = arith.index_cast %add3A_813 : i32 to index
        %get3A_815 = arith.constant 16 : index
        %get3A_816 = tpu.vector_load %arg6[%get3A_814, %get3A_815] {strides = array<i32>} : memref<400x64xf32, #tpu.memory_space<vmem>>, vector<1x16xf32>,
        %get3A_817 = vector.shape_cast %get3A_816 : vector<1x16xf32> to vector<16xf32>
        %add3A_818 = arith.addf %add3A_790, %get3A_817 : vector<16xf32>
        %add3A_819 = arith.constant 27 : i32
        %add3A_820 = arith.addi %mul3A_61, %add3A_819 : i32
        %get3A_821 = arith.index_cast %add3A_820 : i32 to index
        %get3A_822 = arith.constant 32 : index
        %get3A_823 = tpu.vector_load %arg6[%get3A_821, %get3A_822] {strides = array<i32>} : memref<400x64xf32, #tpu.memory_space<vmem>>, vector<1x16xf32>,
        %get3A_824 = vector.shape_cast %get3A_823 : vector<1x16xf32> to vector<16xf32>
        %add3A_825 = arith.addf %add3A_797, %get3A_824 : vector<16xf32>
        %add3A_826 = arith.constant 27 : i32
        %add3A_827 = arith.addi %mul3A_61, %add3A_826 : i32
        %get3A_828 = arith.index_cast %add3A_827 : i32 to index
        %get3A_829 = arith.constant 48 : index
        %get3A_830 = tpu.vector_load %arg6[%get3A_828, %get3A_829] {strides = array<i32>} : memref<400x64xf32, #tpu.memory_space<vmem>>, vector<1x16xf32>,
        %get3A_831 = vector.shape_cast %get3A_830 : vector<1x16xf32> to vector<16xf32>
        %add3A_832 = arith.addf %add3A_804, %get3A_831 : vector<16xf32>
        %add3A_833 = arith.constant 28 : i32
        %add3A_834 = arith.addi %mul3A_61, %add3A_833 : i32
        %get3A_835 = arith.index_cast %add3A_834 : i32 to index
        %get3A_836 = arith.constant 0 : index
        %get3A_837 = tpu.vector_load %arg6[%get3A_835, %get3A_836] {strides = array<i32>} : memref<400x64xf32, #tpu.memory_space<vmem>>, vector<1x16xf32>,
        %get3A_838 = vector.shape_cast %get3A_837 : vector<1x16xf32> to vector<16xf32>
        %add3A_839 = arith.addf %add3A_811, %get3A_838 : vector<16xf32>
        %add3A_840 = arith.constant 28 : i32
        %add3A_841 = arith.addi %mul3A_61, %add3A_840 : i32
        %get3A_842 = arith.index_cast %add3A_841 : i32 to index
        %get3A_843 = arith.constant 16 : index
        %get3A_844 = tpu.vector_load %arg6[%get3A_842, %get3A_843] {strides = array<i32>} : memref<400x64xf32, #tpu.memory_space<vmem>>, vector<1x16xf32>,
        %get3A_845 = vector.shape_cast %get3A_844 : vector<1x16xf32> to vector<16xf32>
        %add3A_846 = arith.addf %add3A_818, %get3A_845 : vector<16xf32>
        %add3A_847 = arith.constant 28 : i32
        %add3A_848 = arith.addi %mul3A_61, %add3A_847 : i32
        %get3A_849 = arith.index_cast %add3A_848 : i32 to index
        %get3A_850 = arith.constant 32 : index
        %get3A_851 = tpu.vector_load %arg6[%get3A_849, %get3A_850] {strides = array<i32>} : memref<400x64xf32, #tpu.memory_space<vmem>>, vector<1x16xf32>,
        %get3A_852 = vector.shape_cast %get3A_851 : vector<1x16xf32> to vector<16xf32>
        %add3A_853 = arith.addf %add3A_825, %get3A_852 : vector<16xf32>
        %add3A_854 = arith.constant 28 : i32
        %add3A_855 = arith.addi %mul3A_61, %add3A_854 : i32
        %get3A_856 = arith.index_cast %add3A_855 : i32 to index
        %get3A_857 = arith.constant 48 : index
        %get3A_858 = tpu.vector_load %arg6[%get3A_856, %get3A_857] {strides = array<i32>} : memref<400x64xf32, #tpu.memory_space<vmem>>, vector<1x16xf32>,
        %get3A_859 = vector.shape_cast %get3A_858 : vector<1x16xf32> to vector<16xf32>
        %add3A_860 = arith.addf %add3A_832, %get3A_859 : vector<16xf32>
        %add3A_861 = arith.constant 29 : i32
        %add3A_862 = arith.addi %mul3A_61, %add3A_861 : i32
        %get3A_863 = arith.index_cast %add3A_862 : i32 to index
        %get3A_864 = arith.constant 0 : index
        %get3A_865 = tpu.vector_load %arg6[%get3A_863, %get3A_864] {strides = array<i32>} : memref<400x64xf32, #tpu.memory_space<vmem>>, vector<1x16xf32>,
        %get3A_866 = vector.shape_cast %get3A_865 : vector<1x16xf32> to vector<16xf32>
        %add3A_867 = arith.addf %add3A_839, %get3A_866 : vector<16xf32>
        %add3A_868 = arith.constant 29 : i32
        %add3A_869 = arith.addi %mul3A_61, %add3A_868 : i32
        %get3A_870 = arith.index_cast %add3A_869 : i32 to index
        %get3A_871 = arith.constant 16 : index
        %get3A_872 = tpu.vector_load %arg6[%get3A_870, %get3A_871] {strides = array<i32>} : memref<400x64xf32, #tpu.memory_space<vmem>>, vector<1x16xf32>,
        %get3A_873 = vector.shape_cast %get3A_872 : vector<1x16xf32> to vector<16xf32>
        %add3A_874 = arith.addf %add3A_846, %get3A_873 : vector<16xf32>
        %add3A_875 = arith.constant 29 : i32
        %add3A_876 = arith.addi %mul3A_61, %add3A_875 : i32
        %get3A_877 = arith.index_cast %add3A_876 : i32 to index
        %get3A_878 = arith.constant 32 : index
        %get3A_879 = tpu.vector_load %arg6[%get3A_877, %get3A_878] {strides = array<i32>} : memref<400x64xf32, #tpu.memory_space<vmem>>, vector<1x16xf32>,
        %get3A_880 = vector.shape_cast %get3A_879 : vector<1x16xf32> to vector<16xf32>
        %add3A_881 = arith.addf %add3A_853, %get3A_880 : vector<16xf32>
        %add3A_882 = arith.constant 29 : i32
        %add3A_883 = arith.addi %mul3A_61, %add3A_882 : i32
        %get3A_884 = arith.index_cast %add3A_883 : i32 to index
        %get3A_885 = arith.constant 48 : index
        %get3A_886 = tpu.vector_load %arg6[%get3A_884, %get3A_885] {strides = array<i32>} : memref<400x64xf32, #tpu.memory_space<vmem>>, vector<1x16xf32>,
        %get3A_887 = vector.shape_cast %get3A_886 : vector<1x16xf32> to vector<16xf32>
        %add3A_888 = arith.addf %add3A_860, %get3A_887 : vector<16xf32>
        %add3A_889 = arith.constant 30 : i32
        %add3A_890 = arith.addi %mul3A_61, %add3A_889 : i32
        %get3A_891 = arith.index_cast %add3A_890 : i32 to index
        %get3A_892 = arith.constant 0 : index
        %get3A_893 = tpu.vector_load %arg6[%get3A_891, %get3A_892] {strides = array<i32>} : memref<400x64xf32, #tpu.memory_space<vmem>>, vector<1x16xf32>,
        %get3A_894 = vector.shape_cast %get3A_893 : vector<1x16xf32> to vector<16xf32>
        %add3A_895 = arith.addf %add3A_867, %get3A_894 : vector<16xf32>
        %add3A_896 = arith.constant 30 : i32
        %add3A_897 = arith.addi %mul3A_61, %add3A_896 : i32
        %get3A_898 = arith.index_cast %add3A_897 : i32 to index
        %get3A_899 = arith.constant 16 : index
        %get3A_900 = tpu.vector_load %arg6[%get3A_898, %get3A_899] {strides = array<i32>} : memref<400x64xf32, #tpu.memory_space<vmem>>, vector<1x16xf32>,
        %get3A_901 = vector.shape_cast %get3A_900 : vector<1x16xf32> to vector<16xf32>
        %add3A_902 = arith.addf %add3A_874, %get3A_901 : vector<16xf32>
        %add3A_903 = arith.constant 30 : i32
        %add3A_904 = arith.addi %mul3A_61, %add3A_903 : i32
        %get3A_905 = arith.index_cast %add3A_904 : i32 to index
        %get3A_906 = arith.constant 32 : index
        %get3A_907 = tpu.vector_load %arg6[%get3A_905, %get3A_906] {strides = array<i32>} : memref<400x64xf32, #tpu.memory_space<vmem>>, vector<1x16xf32>,
        %get3A_908 = vector.shape_cast %get3A_907 : vector<1x16xf32> to vector<16xf32>
        %add3A_909 = arith.addf %add3A_881, %get3A_908 : vector<16xf32>
        %add3A_910 = arith.constant 30 : i32
        %add3A_911 = arith.addi %mul3A_61, %add3A_910 : i32
        %get3A_912 = arith.index_cast %add3A_911 : i32 to index
        %get3A_913 = arith.constant 48 : index
        %get3A_914 = tpu.vector_load %arg6[%get3A_912, %get3A_913] {strides = array<i32>} : memref<400x64xf32, #tpu.memory_space<vmem>>, vector<1x16xf32>,
        %get3A_915 = vector.shape_cast %get3A_914 : vector<1x16xf32> to vector<16xf32>
        %add3A_916 = arith.addf %add3A_888, %get3A_915 : vector<16xf32>
        %add3A_917 = arith.constant 31 : i32
        %add3A_918 = arith.addi %mul3A_61, %add3A_917 : i32
        %get3A_919 = arith.index_cast %add3A_918 : i32 to index
        %get3A_920 = arith.constant 0 : index
        %get3A_921 = tpu.vector_load %arg6[%get3A_919, %get3A_920] {strides = array<i32>} : memref<400x64xf32, #tpu.memory_space<vmem>>, vector<1x16xf32>,
        %get3A_922 = vector.shape_cast %get3A_921 : vector<1x16xf32> to vector<16xf32>
        %add3A_923 = arith.addf %add3A_895, %get3A_922 : vector<16xf32>
        %add3A_924 = arith.constant 31 : i32
        %add3A_925 = arith.addi %mul3A_61, %add3A_924 : i32
        %get3A_926 = arith.index_cast %add3A_925 : i32 to index
        %get3A_927 = arith.constant 16 : index
        %get3A_928 = tpu.vector_load %arg6[%get3A_926, %get3A_927] {strides = array<i32>} : memref<400x64xf32, #tpu.memory_space<vmem>>, vector<1x16xf32>,
        %get3A_929 = vector.shape_cast %get3A_928 : vector<1x16xf32> to vector<16xf32>
        %add3A_930 = arith.addf %add3A_902, %get3A_929 : vector<16xf32>
        %add3A_931 = arith.constant 31 : i32
        %add3A_932 = arith.addi %mul3A_61, %add3A_931 : i32
        %get3A_933 = arith.index_cast %add3A_932 : i32 to index
        %get3A_934 = arith.constant 32 : index
        %get3A_935 = tpu.vector_load %arg6[%get3A_933, %get3A_934] {strides = array<i32>} : memref<400x64xf32, #tpu.memory_space<vmem>>, vector<1x16xf32>,
        %get3A_936 = vector.shape_cast %get3A_935 : vector<1x16xf32> to vector<16xf32>
        %add3A_937 = arith.addf %add3A_909, %get3A_936 : vector<16xf32>
        %add3A_938 = arith.constant 31 : i32
        %add3A_939 = arith.addi %mul3A_61, %add3A_938 : i32
        %get3A_940 = arith.index_cast %add3A_939 : i32 to index
        %get3A_941 = arith.constant 48 : index
        %get3A_942 = tpu.vector_load %arg6[%get3A_940, %get3A_941] {strides = array<i32>} : memref<400x64xf32, #tpu.memory_space<vmem>>, vector<1x16xf32>,
        %get3A_943 = vector.shape_cast %get3A_942 : vector<1x16xf32> to vector<16xf32>
        %add3A_944 = arith.addf %add3A_916, %get3A_943 : vector<16xf32>
        %add3A_945 = arith.constant 32 : i32
        %add3A_946 = arith.addi %mul3A_61, %add3A_945 : i32
        %get3A_947 = arith.index_cast %add3A_946 : i32 to index
        %get3A_948 = arith.constant 0 : index
        %get3A_949 = tpu.vector_load %arg6[%get3A_947, %get3A_948] {strides = array<i32>} : memref<400x64xf32, #tpu.memory_space<vmem>>, vector<1x16xf32>,
        %get3A_950 = vector.shape_cast %get3A_949 : vector<1x16xf32> to vector<16xf32>
        %add3A_951 = arith.addf %add3A_923, %get3A_950 : vector<16xf32>
        %add3A_952 = arith.constant 32 : i32
        %add3A_953 = arith.addi %mul3A_61, %add3A_952 : i32
        %get3A_954 = arith.index_cast %add3A_953 : i32 to index
        %get3A_955 = arith.constant 16 : index
        %get3A_956 = tpu.vector_load %arg6[%get3A_954, %get3A_955] {strides = array<i32>} : memref<400x64xf32, #tpu.memory_space<vmem>>, vector<1x16xf32>,
        %get3A_957 = vector.shape_cast %get3A_956 : vector<1x16xf32> to vector<16xf32>
        %add3A_958 = arith.addf %add3A_930, %get3A_957 : vector<16xf32>
        %add3A_959 = arith.constant 32 : i32
        %add3A_960 = arith.addi %mul3A_61, %add3A_959 : i32
        %get3A_961 = arith.index_cast %add3A_960 : i32 to index
        %get3A_962 = arith.constant 32 : index
        %get3A_963 = tpu.vector_load %arg6[%get3A_961, %get3A_962] {strides = array<i32>} : memref<400x64xf32, #tpu.memory_space<vmem>>, vector<1x16xf32>,
        %get3A_964 = vector.shape_cast %get3A_963 : vector<1x16xf32> to vector<16xf32>
        %add3A_965 = arith.addf %add3A_937, %get3A_964 : vector<16xf32>
        %add3A_966 = arith.constant 32 : i32
        %add3A_967 = arith.addi %mul3A_61, %add3A_966 : i32
        %get3A_968 = arith.index_cast %add3A_967 : i32 to index
        %get3A_969 = arith.constant 48 : index
        %get3A_970 = tpu.vector_load %arg6[%get3A_968, %get3A_969] {strides = array<i32>} : memref<400x64xf32, #tpu.memory_space<vmem>>, vector<1x16xf32>,
        %get3A_971 = vector.shape_cast %get3A_970 : vector<1x16xf32> to vector<16xf32>
        %add3A_972 = arith.addf %add3A_944, %get3A_971 : vector<16xf32>
        %add3A_973 = arith.constant 33 : i32
        %add3A_974 = arith.addi %mul3A_61, %add3A_973 : i32
        %get3A_975 = arith.index_cast %add3A_974 : i32 to index
        %get3A_976 = arith.constant 0 : index
        %get3A_977 = tpu.vector_load %arg6[%get3A_975, %get3A_976] {strides = array<i32>} : memref<400x64xf32, #tpu.memory_space<vmem>>, vector<1x16xf32>,
        %get3A_978 = vector.shape_cast %get3A_977 : vector<1x16xf32> to vector<16xf32>
        %add3A_979 = arith.addf %add3A_951, %get3A_978 : vector<16xf32>
        %add3A_980 = arith.constant 33 : i32
        %add3A_981 = arith.addi %mul3A_61, %add3A_980 : i32
        %get3A_982 = arith.index_cast %add3A_981 : i32 to index
        %get3A_983 = arith.constant 16 : index
        %get3A_984 = tpu.vector_load %arg6[%get3A_982, %get3A_983] {strides = array<i32>} : memref<400x64xf32, #tpu.memory_space<vmem>>, vector<1x16xf32>,
        %get3A_985 = vector.shape_cast %get3A_984 : vector<1x16xf32> to vector<16xf32>
        %add3A_986 = arith.addf %add3A_958, %get3A_985 : vector<16xf32>
        %add3A_987 = arith.constant 33 : i32
        %add3A_988 = arith.addi %mul3A_61, %add3A_987 : i32
        %get3A_989 = arith.index_cast %add3A_988 : i32 to index
        %get3A_990 = arith.constant 32 : index
        %get3A_991 = tpu.vector_load %arg6[%get3A_989, %get3A_990] {strides = array<i32>} : memref<400x64xf32, #tpu.memory_space<vmem>>, vector<1x16xf32>,
        %get3A_992 = vector.shape_cast %get3A_991 : vector<1x16xf32> to vector<16xf32>
        %add3A_993 = arith.addf %add3A_965, %get3A_992 : vector<16xf32>
        %add3A_994 = arith.constant 33 : i32
        %add3A_995 = arith.addi %mul3A_61, %add3A_994 : i32
        %get3A_996 = arith.index_cast %add3A_995 : i32 to index
        %get3A_997 = arith.constant 48 : index
        %get3A_998 = tpu.vector_load %arg6[%get3A_996, %get3A_997] {strides = array<i32>} : memref<400x64xf32, #tpu.memory_space<vmem>>, vector<1x16xf32>,
        %get3A_999 = vector.shape_cast %get3A_998 : vector<1x16xf32> to vector<16xf32>
        %add3A_1000 = arith.addf %add3A_972, %get3A_999 : vector<16xf32>
        %add3A_1001 = arith.constant 34 : i32
        %add3A_1002 = arith.addi %mul3A_61, %add3A_1001 : i32
        %get3A_1003 = arith.index_cast %add3A_1002 : i32 to index
        %get3A_1004 = arith.constant 0 : index
        %get3A_1005 = tpu.vector_load %arg6[%get3A_1003, %get3A_1004] {strides = array<i32>} : memref<400x64xf32, #tpu.memory_space<vmem>>, vector<1x16xf32>,
        %get3A_1006 = vector.shape_cast %get3A_1005 : vector<1x16xf32> to vector<16xf32>
        %add3A_1007 = arith.addf %add3A_979, %get3A_1006 : vector<16xf32>
        %add3A_1008 = arith.constant 34 : i32
        %add3A_1009 = arith.addi %mul3A_61, %add3A_1008 : i32
        %get3A_1010 = arith.index_cast %add3A_1009 : i32 to index
        %get3A_1011 = arith.constant 16 : index
        %get3A_1012 = tpu.vector_load %arg6[%get3A_1010, %get3A_1011] {strides = array<i32>} : memref<400x64xf32, #tpu.memory_space<vmem>>, vector<1x16xf32>,
        %get3A_1013 = vector.shape_cast %get3A_1012 : vector<1x16xf32> to vector<16xf32>
        %add3A_1014 = arith.addf %add3A_986, %get3A_1013 : vector<16xf32>
        %add3A_1015 = arith.constant 34 : i32
        %add3A_1016 = arith.addi %mul3A_61, %add3A_1015 : i32
        %get3A_1017 = arith.index_cast %add3A_1016 : i32 to index
        %get3A_1018 = arith.constant 32 : index
        %get3A_1019 = tpu.vector_load %arg6[%get3A_1017, %get3A_1018] {strides = array<i32>} : memref<400x64xf32, #tpu.memory_space<vmem>>, vector<1x16xf32>,
        %get3A_1020 = vector.shape_cast %get3A_1019 : vector<1x16xf32> to vector<16xf32>
        %add3A_1021 = arith.addf %add3A_993, %get3A_1020 : vector<16xf32>
        %add3A_1022 = arith.constant 34 : i32
        %add3A_1023 = arith.addi %mul3A_61, %add3A_1022 : i32
        %get3A_1024 = arith.index_cast %add3A_1023 : i32 to index
        %get3A_1025 = arith.constant 48 : index
        %get3A_1026 = tpu.vector_load %arg6[%get3A_1024, %get3A_1025] {strides = array<i32>} : memref<400x64xf32, #tpu.memory_space<vmem>>, vector<1x16xf32>,
        %get3A_1027 = vector.shape_cast %get3A_1026 : vector<1x16xf32> to vector<16xf32>
        %add3A_1028 = arith.addf %add3A_1000, %get3A_1027 : vector<16xf32>
        %add3A_1029 = arith.constant 35 : i32
        %add3A_1030 = arith.addi %mul3A_61, %add3A_1029 : i32
        %get3A_1031 = arith.index_cast %add3A_1030 : i32 to index
        %get3A_1032 = arith.constant 0 : index
        %get3A_1033 = tpu.vector_load %arg6[%get3A_1031, %get3A_1032] {strides = array<i32>} : memref<400x64xf32, #tpu.memory_space<vmem>>, vector<1x16xf32>,
        %get3A_1034 = vector.shape_cast %get3A_1033 : vector<1x16xf32> to vector<16xf32>
        %add3A_1035 = arith.addf %add3A_1007, %get3A_1034 : vector<16xf32>
        %add3A_1036 = arith.constant 35 : i32
        %add3A_1037 = arith.addi %mul3A_61, %add3A_1036 : i32
        %get3A_1038 = arith.index_cast %add3A_1037 : i32 to index
        %get3A_1039 = arith.constant 16 : index
        %get3A_1040 = tpu.vector_load %arg6[%get3A_1038, %get3A_1039] {strides = array<i32>} : memref<400x64xf32, #tpu.memory_space<vmem>>, vector<1x16xf32>,
        %get3A_1041 = vector.shape_cast %get3A_1040 : vector<1x16xf32> to vector<16xf32>
        %add3A_1042 = arith.addf %add3A_1014, %get3A_1041 : vector<16xf32>
        %add3A_1043 = arith.constant 35 : i32
        %add3A_1044 = arith.addi %mul3A_61, %add3A_1043 : i32
        %get3A_1045 = arith.index_cast %add3A_1044 : i32 to index
        %get3A_1046 = arith.constant 32 : index
        %get3A_1047 = tpu.vector_load %arg6[%get3A_1045, %get3A_1046] {strides = array<i32>} : memref<400x64xf32, #tpu.memory_space<vmem>>, vector<1x16xf32>,
        %get3A_1048 = vector.shape_cast %get3A_1047 : vector<1x16xf32> to vector<16xf32>
        %add3A_1049 = arith.addf %add3A_1021, %get3A_1048 : vector<16xf32>
        %add3A_1050 = arith.constant 35 : i32
        %add3A_1051 = arith.addi %mul3A_61, %add3A_1050 : i32
        %get3A_1052 = arith.index_cast %add3A_1051 : i32 to index
        %get3A_1053 = arith.constant 48 : index
        %get3A_1054 = tpu.vector_load %arg6[%get3A_1052, %get3A_1053] {strides = array<i32>} : memref<400x64xf32, #tpu.memory_space<vmem>>, vector<1x16xf32>,
        %get3A_1055 = vector.shape_cast %get3A_1054 : vector<1x16xf32> to vector<16xf32>
        %add3A_1056 = arith.addf %add3A_1028, %get3A_1055 : vector<16xf32>
        %add3A_1057 = arith.constant 36 : i32
        %add3A_1058 = arith.addi %mul3A_61, %add3A_1057 : i32
        %get3A_1059 = arith.index_cast %add3A_1058 : i32 to index
        %get3A_1060 = arith.constant 0 : index
        %get3A_1061 = tpu.vector_load %arg6[%get3A_1059, %get3A_1060] {strides = array<i32>} : memref<400x64xf32, #tpu.memory_space<vmem>>, vector<1x16xf32>,
        %get3A_1062 = vector.shape_cast %get3A_1061 : vector<1x16xf32> to vector<16xf32>
        %add3A_1063 = arith.addf %add3A_1035, %get3A_1062 : vector<16xf32>
        %add3A_1064 = arith.constant 36 : i32
        %add3A_1065 = arith.addi %mul3A_61, %add3A_1064 : i32
        %get3A_1066 = arith.index_cast %add3A_1065 : i32 to index
        %get3A_1067 = arith.constant 16 : index
        %get3A_1068 = tpu.vector_load %arg6[%get3A_1066, %get3A_1067] {strides = array<i32>} : memref<400x64xf32, #tpu.memory_space<vmem>>, vector<1x16xf32>,
        %get3A_1069 = vector.shape_cast %get3A_1068 : vector<1x16xf32> to vector<16xf32>
        %add3A_1070 = arith.addf %add3A_1042, %get3A_1069 : vector<16xf32>
        %add3A_1071 = arith.constant 36 : i32
        %add3A_1072 = arith.addi %mul3A_61, %add3A_1071 : i32
        %get3A_1073 = arith.index_cast %add3A_1072 : i32 to index
        %get3A_1074 = arith.constant 32 : index
        %get3A_1075 = tpu.vector_load %arg6[%get3A_1073, %get3A_1074] {strides = array<i32>} : memref<400x64xf32, #tpu.memory_space<vmem>>, vector<1x16xf32>,
        %get3A_1076 = vector.shape_cast %get3A_1075 : vector<1x16xf32> to vector<16xf32>
        %add3A_1077 = arith.addf %add3A_1049, %get3A_1076 : vector<16xf32>
        %add3A_1078 = arith.constant 36 : i32
        %add3A_1079 = arith.addi %mul3A_61, %add3A_1078 : i32
        %get3A_1080 = arith.index_cast %add3A_1079 : i32 to index
        %get3A_1081 = arith.constant 48 : index
        %get3A_1082 = tpu.vector_load %arg6[%get3A_1080, %get3A_1081] {strides = array<i32>} : memref<400x64xf32, #tpu.memory_space<vmem>>, vector<1x16xf32>,
        %get3A_1083 = vector.shape_cast %get3A_1082 : vector<1x16xf32> to vector<16xf32>
        %add3A_1084 = arith.addf %add3A_1056, %get3A_1083 : vector<16xf32>
        %add3A_1085 = arith.constant 37 : i32
        %add3A_1086 = arith.addi %mul3A_61, %add3A_1085 : i32
        %get3A_1087 = arith.index_cast %add3A_1086 : i32 to index
        %get3A_1088 = arith.constant 0 : index
        %get3A_1089 = tpu.vector_load %arg6[%get3A_1087, %get3A_1088] {strides = array<i32>} : memref<400x64xf32, #tpu.memory_space<vmem>>, vector<1x16xf32>,
        %get3A_1090 = vector.shape_cast %get3A_1089 : vector<1x16xf32> to vector<16xf32>
        %add3A_1091 = arith.addf %add3A_1063, %get3A_1090 : vector<16xf32>
        %add3A_1092 = arith.constant 37 : i32
        %add3A_1093 = arith.addi %mul3A_61, %add3A_1092 : i32
        %get3A_1094 = arith.index_cast %add3A_1093 : i32 to index
        %get3A_1095 = arith.constant 16 : index
        %get3A_1096 = tpu.vector_load %arg6[%get3A_1094, %get3A_1095] {strides = array<i32>} : memref<400x64xf32, #tpu.memory_space<vmem>>, vector<1x16xf32>,
        %get3A_1097 = vector.shape_cast %get3A_1096 : vector<1x16xf32> to vector<16xf32>
        %add3A_1098 = arith.addf %add3A_1070, %get3A_1097 : vector<16xf32>
        %add3A_1099 = arith.constant 37 : i32
        %add3A_1100 = arith.addi %mul3A_61, %add3A_1099 : i32
        %get3A_1101 = arith.index_cast %add3A_1100 : i32 to index
        %get3A_1102 = arith.constant 32 : index
        %get3A_1103 = tpu.vector_load %arg6[%get3A_1101, %get3A_1102] {strides = array<i32>} : memref<400x64xf32, #tpu.memory_space<vmem>>, vector<1x16xf32>,
        %get3A_1104 = vector.shape_cast %get3A_1103 : vector<1x16xf32> to vector<16xf32>
        %add3A_1105 = arith.addf %add3A_1077, %get3A_1104 : vector<16xf32>
        %add3A_1106 = arith.constant 37 : i32
        %add3A_1107 = arith.addi %mul3A_61, %add3A_1106 : i32
        %get3A_1108 = arith.index_cast %add3A_1107 : i32 to index
        %get3A_1109 = arith.constant 48 : index
        %get3A_1110 = tpu.vector_load %arg6[%get3A_1108, %get3A_1109] {strides = array<i32>} : memref<400x64xf32, #tpu.memory_space<vmem>>, vector<1x16xf32>,
        %get3A_1111 = vector.shape_cast %get3A_1110 : vector<1x16xf32> to vector<16xf32>
        %add3A_1112 = arith.addf %add3A_1084, %get3A_1111 : vector<16xf32>
        %add3A_1113 = arith.constant 38 : i32
        %add3A_1114 = arith.addi %mul3A_61, %add3A_1113 : i32
        %get3A_1115 = arith.index_cast %add3A_1114 : i32 to index
        %get3A_1116 = arith.constant 0 : index
        %get3A_1117 = tpu.vector_load %arg6[%get3A_1115, %get3A_1116] {strides = array<i32>} : memref<400x64xf32, #tpu.memory_space<vmem>>, vector<1x16xf32>,
        %get3A_1118 = vector.shape_cast %get3A_1117 : vector<1x16xf32> to vector<16xf32>
        %add3A_1119 = arith.addf %add3A_1091, %get3A_1118 : vector<16xf32>
        %add3A_1120 = arith.constant 38 : i32
        %add3A_1121 = arith.addi %mul3A_61, %add3A_1120 : i32
        %get3A_1122 = arith.index_cast %add3A_1121 : i32 to index
        %get3A_1123 = arith.constant 16 : index
        %get3A_1124 = tpu.vector_load %arg6[%get3A_1122, %get3A_1123] {strides = array<i32>} : memref<400x64xf32, #tpu.memory_space<vmem>>, vector<1x16xf32>,
        %get3A_1125 = vector.shape_cast %get3A_1124 : vector<1x16xf32> to vector<16xf32>
        %add3A_1126 = arith.addf %add3A_1098, %get3A_1125 : vector<16xf32>
        %add3A_1127 = arith.constant 38 : i32
        %add3A_1128 = arith.addi %mul3A_61, %add3A_1127 : i32
        %get3A_1129 = arith.index_cast %add3A_1128 : i32 to index
        %get3A_1130 = arith.constant 32 : index
        %get3A_1131 = tpu.vector_load %arg6[%get3A_1129, %get3A_1130] {strides = array<i32>} : memref<400x64xf32, #tpu.memory_space<vmem>>, vector<1x16xf32>,
        %get3A_1132 = vector.shape_cast %get3A_1131 : vector<1x16xf32> to vector<16xf32>
        %add3A_1133 = arith.addf %add3A_1105, %get3A_1132 : vector<16xf32>
        %add3A_1134 = arith.constant 38 : i32
        %add3A_1135 = arith.addi %mul3A_61, %add3A_1134 : i32
        %get3A_1136 = arith.index_cast %add3A_1135 : i32 to index
        %get3A_1137 = arith.constant 48 : index
        %get3A_1138 = tpu.vector_load %arg6[%get3A_1136, %get3A_1137] {strides = array<i32>} : memref<400x64xf32, #tpu.memory_space<vmem>>, vector<1x16xf32>,
        %get3A_1139 = vector.shape_cast %get3A_1138 : vector<1x16xf32> to vector<16xf32>
        %add3A_1140 = arith.addf %add3A_1112, %get3A_1139 : vector<16xf32>
        %add3A_1141 = arith.constant 39 : i32
        %add3A_1142 = arith.addi %mul3A_61, %add3A_1141 : i32
        %get3A_1143 = arith.index_cast %add3A_1142 : i32 to index
        %get3A_1144 = arith.constant 0 : index
        %get3A_1145 = tpu.vector_load %arg6[%get3A_1143, %get3A_1144] {strides = array<i32>} : memref<400x64xf32, #tpu.memory_space<vmem>>, vector<1x16xf32>,
        %get3A_1146 = vector.shape_cast %get3A_1145 : vector<1x16xf32> to vector<16xf32>
        %add3A_1147 = arith.addf %add3A_1119, %get3A_1146 : vector<16xf32>
        %add3A_1148 = arith.constant 39 : i32
        %add3A_1149 = arith.addi %mul3A_61, %add3A_1148 : i32
        %get3A_1150 = arith.index_cast %add3A_1149 : i32 to index
        %get3A_1151 = arith.constant 16 : index
        %get3A_1152 = tpu.vector_load %arg6[%get3A_1150, %get3A_1151] {strides = array<i32>} : memref<400x64xf32, #tpu.memory_space<vmem>>, vector<1x16xf32>,
        %get3A_1153 = vector.shape_cast %get3A_1152 : vector<1x16xf32> to vector<16xf32>
        %add3A_1154 = arith.addf %add3A_1126, %get3A_1153 : vector<16xf32>
        %add3A_1155 = arith.constant 39 : i32
        %add3A_1156 = arith.addi %mul3A_61, %add3A_1155 : i32
        %get3A_1157 = arith.index_cast %add3A_1156 : i32 to index
        %get3A_1158 = arith.constant 32 : index
        %get3A_1159 = tpu.vector_load %arg6[%get3A_1157, %get3A_1158] {strides = array<i32>} : memref<400x64xf32, #tpu.memory_space<vmem>>, vector<1x16xf32>,
        %get3A_1160 = vector.shape_cast %get3A_1159 : vector<1x16xf32> to vector<16xf32>
        %add3A_1161 = arith.addf %add3A_1133, %get3A_1160 : vector<16xf32>
        %add3A_1162 = arith.constant 39 : i32
        %add3A_1163 = arith.addi %mul3A_61, %add3A_1162 : i32
        %get3A_1164 = arith.index_cast %add3A_1163 : i32 to index
        %get3A_1165 = arith.constant 48 : index
        %get3A_1166 = tpu.vector_load %arg6[%get3A_1164, %get3A_1165] {strides = array<i32>} : memref<400x64xf32, #tpu.memory_space<vmem>>, vector<1x16xf32>,
        %get3A_1167 = vector.shape_cast %get3A_1166 : vector<1x16xf32> to vector<16xf32>
        %add3A_1168 = arith.addf %add3A_1140, %get3A_1167 : vector<16xf32>
        %add3A_1169 = arith.constant 40 : i32
        %add3A_1170 = arith.addi %mul3A_61, %add3A_1169 : i32
        %get3A_1171 = arith.index_cast %add3A_1170 : i32 to index
        %get3A_1172 = arith.constant 0 : index
        %get3A_1173 = tpu.vector_load %arg6[%get3A_1171, %get3A_1172] {strides = array<i32>} : memref<400x64xf32, #tpu.memory_space<vmem>>, vector<1x16xf32>,
        %get3A_1174 = vector.shape_cast %get3A_1173 : vector<1x16xf32> to vector<16xf32>
        %add3A_1175 = arith.addf %add3A_1147, %get3A_1174 : vector<16xf32>
        %add3A_1176 = arith.constant 40 : i32
        %add3A_1177 = arith.addi %mul3A_61, %add3A_1176 : i32
        %get3A_1178 = arith.index_cast %add3A_1177 : i32 to index
        %get3A_1179 = arith.constant 16 : index
        %get3A_1180 = tpu.vector_load %arg6[%get3A_1178, %get3A_1179] {strides = array<i32>} : memref<400x64xf32, #tpu.memory_space<vmem>>, vector<1x16xf32>,
        %get3A_1181 = vector.shape_cast %get3A_1180 : vector<1x16xf32> to vector<16xf32>
        %add3A_1182 = arith.addf %add3A_1154, %get3A_1181 : vector<16xf32>
        %add3A_1183 = arith.constant 40 : i32
        %add3A_1184 = arith.addi %mul3A_61, %add3A_1183 : i32
        %get3A_1185 = arith.index_cast %add3A_1184 : i32 to index
        %get3A_1186 = arith.constant 32 : index
        %get3A_1187 = tpu.vector_load %arg6[%get3A_1185, %get3A_1186] {strides = array<i32>} : memref<400x64xf32, #tpu.memory_space<vmem>>, vector<1x16xf32>,
        %get3A_1188 = vector.shape_cast %get3A_1187 : vector<1x16xf32> to vector<16xf32>
        %add3A_1189 = arith.addf %add3A_1161, %get3A_1188 : vector<16xf32>
        %add3A_1190 = arith.constant 40 : i32
        %add3A_1191 = arith.addi %mul3A_61, %add3A_1190 : i32
        %get3A_1192 = arith.index_cast %add3A_1191 : i32 to index
        %get3A_1193 = arith.constant 48 : index
        %get3A_1194 = tpu.vector_load %arg6[%get3A_1192, %get3A_1193] {strides = array<i32>} : memref<400x64xf32, #tpu.memory_space<vmem>>, vector<1x16xf32>,
        %get3A_1195 = vector.shape_cast %get3A_1194 : vector<1x16xf32> to vector<16xf32>
        %add3A_1196 = arith.addf %add3A_1168, %get3A_1195 : vector<16xf32>
        %add3A_1197 = arith.constant 41 : i32
        %add3A_1198 = arith.addi %mul3A_61, %add3A_1197 : i32
        %get3A_1199 = arith.index_cast %add3A_1198 : i32 to index
        %get3A_1200 = arith.constant 0 : index
        %get3A_1201 = tpu.vector_load %arg6[%get3A_1199, %get3A_1200] {strides = array<i32>} : memref<400x64xf32, #tpu.memory_space<vmem>>, vector<1x16xf32>,
        %get3A_1202 = vector.shape_cast %get3A_1201 : vector<1x16xf32> to vector<16xf32>
        %add3A_1203 = arith.addf %add3A_1175, %get3A_1202 : vector<16xf32>
        %add3A_1204 = arith.constant 41 : i32
        %add3A_1205 = arith.addi %mul3A_61, %add3A_1204 : i32
        %get3A_1206 = arith.index_cast %add3A_1205 : i32 to index
        %get3A_1207 = arith.constant 16 : index
        %get3A_1208 = tpu.vector_load %arg6[%get3A_1206, %get3A_1207] {strides = array<i32>} : memref<400x64xf32, #tpu.memory_space<vmem>>, vector<1x16xf32>,
        %get3A_1209 = vector.shape_cast %get3A_1208 : vector<1x16xf32> to vector<16xf32>
        %add3A_1210 = arith.addf %add3A_1182, %get3A_1209 : vector<16xf32>
        %add3A_1211 = arith.constant 41 : i32
        %add3A_1212 = arith.addi %mul3A_61, %add3A_1211 : i32
        %get3A_1213 = arith.index_cast %add3A_1212 : i32 to index
        %get3A_1214 = arith.constant 32 : index
        %get3A_1215 = tpu.vector_load %arg6[%get3A_1213, %get3A_1214] {strides = array<i32>} : memref<400x64xf32, #tpu.memory_space<vmem>>, vector<1x16xf32>,
        %get3A_1216 = vector.shape_cast %get3A_1215 : vector<1x16xf32> to vector<16xf32>
        %add3A_1217 = arith.addf %add3A_1189, %get3A_1216 : vector<16xf32>
        %add3A_1218 = arith.constant 41 : i32
        %add3A_1219 = arith.addi %mul3A_61, %add3A_1218 : i32
        %get3A_1220 = arith.index_cast %add3A_1219 : i32 to index
        %get3A_1221 = arith.constant 48 : index
        %get3A_1222 = tpu.vector_load %arg6[%get3A_1220, %get3A_1221] {strides = array<i32>} : memref<400x64xf32, #tpu.memory_space<vmem>>, vector<1x16xf32>,
        %get3A_1223 = vector.shape_cast %get3A_1222 : vector<1x16xf32> to vector<16xf32>
        %add3A_1224 = arith.addf %add3A_1196, %get3A_1223 : vector<16xf32>
        %add3A_1225 = arith.constant 42 : i32
        %add3A_1226 = arith.addi %mul3A_61, %add3A_1225 : i32
        %get3A_1227 = arith.index_cast %add3A_1226 : i32 to index
        %get3A_1228 = arith.constant 0 : index
        %get3A_1229 = tpu.vector_load %arg6[%get3A_1227, %get3A_1228] {strides = array<i32>} : memref<400x64xf32, #tpu.memory_space<vmem>>, vector<1x16xf32>,
        %get3A_1230 = vector.shape_cast %get3A_1229 : vector<1x16xf32> to vector<16xf32>
        %add3A_1231 = arith.addf %add3A_1203, %get3A_1230 : vector<16xf32>
        %add3A_1232 = arith.constant 42 : i32
        %add3A_1233 = arith.addi %mul3A_61, %add3A_1232 : i32
        %get3A_1234 = arith.index_cast %add3A_1233 : i32 to index
        %get3A_1235 = arith.constant 16 : index
        %get3A_1236 = tpu.vector_load %arg6[%get3A_1234, %get3A_1235] {strides = array<i32>} : memref<400x64xf32, #tpu.memory_space<vmem>>, vector<1x16xf32>,
        %get3A_1237 = vector.shape_cast %get3A_1236 : vector<1x16xf32> to vector<16xf32>
        %add3A_1238 = arith.addf %add3A_1210, %get3A_1237 : vector<16xf32>
        %add3A_1239 = arith.constant 42 : i32
        %add3A_1240 = arith.addi %mul3A_61, %add3A_1239 : i32
        %get3A_1241 = arith.index_cast %add3A_1240 : i32 to index
        %get3A_1242 = arith.constant 32 : index
        %get3A_1243 = tpu.vector_load %arg6[%get3A_1241, %get3A_1242] {strides = array<i32>} : memref<400x64xf32, #tpu.memory_space<vmem>>, vector<1x16xf32>,
        %get3A_1244 = vector.shape_cast %get3A_1243 : vector<1x16xf32> to vector<16xf32>
        %add3A_1245 = arith.addf %add3A_1217, %get3A_1244 : vector<16xf32>
        %add3A_1246 = arith.constant 42 : i32
        %add3A_1247 = arith.addi %mul3A_61, %add3A_1246 : i32
        %get3A_1248 = arith.index_cast %add3A_1247 : i32 to index
        %get3A_1249 = arith.constant 48 : index
        %get3A_1250 = tpu.vector_load %arg6[%get3A_1248, %get3A_1249] {strides = array<i32>} : memref<400x64xf32, #tpu.memory_space<vmem>>, vector<1x16xf32>,
        %get3A_1251 = vector.shape_cast %get3A_1250 : vector<1x16xf32> to vector<16xf32>
        %add3A_1252 = arith.addf %add3A_1224, %get3A_1251 : vector<16xf32>
        %add3A_1253 = arith.constant 43 : i32
        %add3A_1254 = arith.addi %mul3A_61, %add3A_1253 : i32
        %get3A_1255 = arith.index_cast %add3A_1254 : i32 to index
        %get3A_1256 = arith.constant 0 : index
        %get3A_1257 = tpu.vector_load %arg6[%get3A_1255, %get3A_1256] {strides = array<i32>} : memref<400x64xf32, #tpu.memory_space<vmem>>, vector<1x16xf32>,
        %get3A_1258 = vector.shape_cast %get3A_1257 : vector<1x16xf32> to vector<16xf32>
        %add3A_1259 = arith.addf %add3A_1231, %get3A_1258 : vector<16xf32>
        %add3A_1260 = arith.constant 43 : i32
        %add3A_1261 = arith.addi %mul3A_61, %add3A_1260 : i32
        %get3A_1262 = arith.index_cast %add3A_1261 : i32 to index
        %get3A_1263 = arith.constant 16 : index
        %get3A_1264 = tpu.vector_load %arg6[%get3A_1262, %get3A_1263] {strides = array<i32>} : memref<400x64xf32, #tpu.memory_space<vmem>>, vector<1x16xf32>,
        %get3A_1265 = vector.shape_cast %get3A_1264 : vector<1x16xf32> to vector<16xf32>
        %add3A_1266 = arith.addf %add3A_1238, %get3A_1265 : vector<16xf32>
        %add3A_1267 = arith.constant 43 : i32
        %add3A_1268 = arith.addi %mul3A_61, %add3A_1267 : i32
        %get3A_1269 = arith.index_cast %add3A_1268 : i32 to index
        %get3A_1270 = arith.constant 32 : index
        %get3A_1271 = tpu.vector_load %arg6[%get3A_1269, %get3A_1270] {strides = array<i32>} : memref<400x64xf32, #tpu.memory_space<vmem>>, vector<1x16xf32>,
        %get3A_1272 = vector.shape_cast %get3A_1271 : vector<1x16xf32> to vector<16xf32>
        %add3A_1273 = arith.addf %add3A_1245, %get3A_1272 : vector<16xf32>
        %add3A_1274 = arith.constant 43 : i32
        %add3A_1275 = arith.addi %mul3A_61, %add3A_1274 : i32
        %get3A_1276 = arith.index_cast %add3A_1275 : i32 to index
        %get3A_1277 = arith.constant 48 : index
        %get3A_1278 = tpu.vector_load %arg6[%get3A_1276, %get3A_1277] {strides = array<i32>} : memref<400x64xf32, #tpu.memory_space<vmem>>, vector<1x16xf32>,
        %get3A_1279 = vector.shape_cast %get3A_1278 : vector<1x16xf32> to vector<16xf32>
        %add3A_1280 = arith.addf %add3A_1252, %get3A_1279 : vector<16xf32>
        %add3A_1281 = arith.constant 44 : i32
        %add3A_1282 = arith.addi %mul3A_61, %add3A_1281 : i32
        %get3A_1283 = arith.index_cast %add3A_1282 : i32 to index
        %get3A_1284 = arith.constant 0 : index
        %get3A_1285 = tpu.vector_load %arg6[%get3A_1283, %get3A_1284] {strides = array<i32>} : memref<400x64xf32, #tpu.memory_space<vmem>>, vector<1x16xf32>,
        %get3A_1286 = vector.shape_cast %get3A_1285 : vector<1x16xf32> to vector<16xf32>
        %add3A_1287 = arith.addf %add3A_1259, %get3A_1286 : vector<16xf32>
        %add3A_1288 = arith.constant 44 : i32
        %add3A_1289 = arith.addi %mul3A_61, %add3A_1288 : i32
        %get3A_1290 = arith.index_cast %add3A_1289 : i32 to index
        %get3A_1291 = arith.constant 16 : index
        %get3A_1292 = tpu.vector_load %arg6[%get3A_1290, %get3A_1291] {strides = array<i32>} : memref<400x64xf32, #tpu.memory_space<vmem>>, vector<1x16xf32>,
        %get3A_1293 = vector.shape_cast %get3A_1292 : vector<1x16xf32> to vector<16xf32>
        %add3A_1294 = arith.addf %add3A_1266, %get3A_1293 : vector<16xf32>
        %add3A_1295 = arith.constant 44 : i32
        %add3A_1296 = arith.addi %mul3A_61, %add3A_1295 : i32
        %get3A_1297 = arith.index_cast %add3A_1296 : i32 to index
        %get3A_1298 = arith.constant 32 : index
        %get3A_1299 = tpu.vector_load %arg6[%get3A_1297, %get3A_1298] {strides = array<i32>} : memref<400x64xf32, #tpu.memory_space<vmem>>, vector<1x16xf32>,
        %get3A_1300 = vector.shape_cast %get3A_1299 : vector<1x16xf32> to vector<16xf32>
        %add3A_1301 = arith.addf %add3A_1273, %get3A_1300 : vector<16xf32>
        %add3A_1302 = arith.constant 44 : i32
        %add3A_1303 = arith.addi %mul3A_61, %add3A_1302 : i32
        %get3A_1304 = arith.index_cast %add3A_1303 : i32 to index
        %get3A_1305 = arith.constant 48 : index
        %get3A_1306 = tpu.vector_load %arg6[%get3A_1304, %get3A_1305] {strides = array<i32>} : memref<400x64xf32, #tpu.memory_space<vmem>>, vector<1x16xf32>,
        %get3A_1307 = vector.shape_cast %get3A_1306 : vector<1x16xf32> to vector<16xf32>
        %add3A_1308 = arith.addf %add3A_1280, %get3A_1307 : vector<16xf32>
        %add3A_1309 = arith.constant 45 : i32
        %add3A_1310 = arith.addi %mul3A_61, %add3A_1309 : i32
        %get3A_1311 = arith.index_cast %add3A_1310 : i32 to index
        %get3A_1312 = arith.constant 0 : index
        %get3A_1313 = tpu.vector_load %arg6[%get3A_1311, %get3A_1312] {strides = array<i32>} : memref<400x64xf32, #tpu.memory_space<vmem>>, vector<1x16xf32>,
        %get3A_1314 = vector.shape_cast %get3A_1313 : vector<1x16xf32> to vector<16xf32>
        %add3A_1315 = arith.addf %add3A_1287, %get3A_1314 : vector<16xf32>
        %add3A_1316 = arith.constant 45 : i32
        %add3A_1317 = arith.addi %mul3A_61, %add3A_1316 : i32
        %get3A_1318 = arith.index_cast %add3A_1317 : i32 to index
        %get3A_1319 = arith.constant 16 : index
        %get3A_1320 = tpu.vector_load %arg6[%get3A_1318, %get3A_1319] {strides = array<i32>} : memref<400x64xf32, #tpu.memory_space<vmem>>, vector<1x16xf32>,
        %get3A_1321 = vector.shape_cast %get3A_1320 : vector<1x16xf32> to vector<16xf32>
        %add3A_1322 = arith.addf %add3A_1294, %get3A_1321 : vector<16xf32>
        %add3A_1323 = arith.constant 45 : i32
        %add3A_1324 = arith.addi %mul3A_61, %add3A_1323 : i32
        %get3A_1325 = arith.index_cast %add3A_1324 : i32 to index
        %get3A_1326 = arith.constant 32 : index
        %get3A_1327 = tpu.vector_load %arg6[%get3A_1325, %get3A_1326] {strides = array<i32>} : memref<400x64xf32, #tpu.memory_space<vmem>>, vector<1x16xf32>,
        %get3A_1328 = vector.shape_cast %get3A_1327 : vector<1x16xf32> to vector<16xf32>
        %add3A_1329 = arith.addf %add3A_1301, %get3A_1328 : vector<16xf32>
        %add3A_1330 = arith.constant 45 : i32
        %add3A_1331 = arith.addi %mul3A_61, %add3A_1330 : i32
        %get3A_1332 = arith.index_cast %add3A_1331 : i32 to index
        %get3A_1333 = arith.constant 48 : index
        %get3A_1334 = tpu.vector_load %arg6[%get3A_1332, %get3A_1333] {strides = array<i32>} : memref<400x64xf32, #tpu.memory_space<vmem>>, vector<1x16xf32>,
        %get3A_1335 = vector.shape_cast %get3A_1334 : vector<1x16xf32> to vector<16xf32>
        %add3A_1336 = arith.addf %add3A_1308, %get3A_1335 : vector<16xf32>
        %add3A_1337 = arith.constant 46 : i32
        %add3A_1338 = arith.addi %mul3A_61, %add3A_1337 : i32
        %get3A_1339 = arith.index_cast %add3A_1338 : i32 to index
        %get3A_1340 = arith.constant 0 : index
        %get3A_1341 = tpu.vector_load %arg6[%get3A_1339, %get3A_1340] {strides = array<i32>} : memref<400x64xf32, #tpu.memory_space<vmem>>, vector<1x16xf32>,
        %get3A_1342 = vector.shape_cast %get3A_1341 : vector<1x16xf32> to vector<16xf32>
        %add3A_1343 = arith.addf %add3A_1315, %get3A_1342 : vector<16xf32>
        %add3A_1344 = arith.constant 46 : i32
        %add3A_1345 = arith.addi %mul3A_61, %add3A_1344 : i32
        %get3A_1346 = arith.index_cast %add3A_1345 : i32 to index
        %get3A_1347 = arith.constant 16 : index
        %get3A_1348 = tpu.vector_load %arg6[%get3A_1346, %get3A_1347] {strides = array<i32>} : memref<400x64xf32, #tpu.memory_space<vmem>>, vector<1x16xf32>,
        %get3A_1349 = vector.shape_cast %get3A_1348 : vector<1x16xf32> to vector<16xf32>
        %add3A_1350 = arith.addf %add3A_1322, %get3A_1349 : vector<16xf32>
        %add3A_1351 = arith.constant 46 : i32
        %add3A_1352 = arith.addi %mul3A_61, %add3A_1351 : i32
        %get3A_1353 = arith.index_cast %add3A_1352 : i32 to index
        %get3A_1354 = arith.constant 32 : index
        %get3A_1355 = tpu.vector_load %arg6[%get3A_1353, %get3A_1354] {strides = array<i32>} : memref<400x64xf32, #tpu.memory_space<vmem>>, vector<1x16xf32>,
        %get3A_1356 = vector.shape_cast %get3A_1355 : vector<1x16xf32> to vector<16xf32>
        %add3A_1357 = arith.addf %add3A_1329, %get3A_1356 : vector<16xf32>
        %add3A_1358 = arith.constant 46 : i32
        %add3A_1359 = arith.addi %mul3A_61, %add3A_1358 : i32
        %get3A_1360 = arith.index_cast %add3A_1359 : i32 to index
        %get3A_1361 = arith.constant 48 : index
        %get3A_1362 = tpu.vector_load %arg6[%get3A_1360, %get3A_1361] {strides = array<i32>} : memref<400x64xf32, #tpu.memory_space<vmem>>, vector<1x16xf32>,
        %get3A_1363 = vector.shape_cast %get3A_1362 : vector<1x16xf32> to vector<16xf32>
        %add3A_1364 = arith.addf %add3A_1336, %get3A_1363 : vector<16xf32>
        %add3A_1365 = arith.constant 47 : i32
        %add3A_1366 = arith.addi %mul3A_61, %add3A_1365 : i32
        %get3A_1367 = arith.index_cast %add3A_1366 : i32 to index
        %get3A_1368 = arith.constant 0 : index
        %get3A_1369 = tpu.vector_load %arg6[%get3A_1367, %get3A_1368] {strides = array<i32>} : memref<400x64xf32, #tpu.memory_space<vmem>>, vector<1x16xf32>,
        %get3A_1370 = vector.shape_cast %get3A_1369 : vector<1x16xf32> to vector<16xf32>
        %add3A_1371 = arith.addf %add3A_1343, %get3A_1370 : vector<16xf32>
        %add3A_1372 = arith.constant 47 : i32
        %add3A_1373 = arith.addi %mul3A_61, %add3A_1372 : i32
        %get3A_1374 = arith.index_cast %add3A_1373 : i32 to index
        %get3A_1375 = arith.constant 16 : index
        %get3A_1376 = tpu.vector_load %arg6[%get3A_1374, %get3A_1375] {strides = array<i32>} : memref<400x64xf32, #tpu.memory_space<vmem>>, vector<1x16xf32>,
        %get3A_1377 = vector.shape_cast %get3A_1376 : vector<1x16xf32> to vector<16xf32>
        %add3A_1378 = arith.addf %add3A_1350, %get3A_1377 : vector<16xf32>
        %add3A_1379 = arith.constant 47 : i32
        %add3A_1380 = arith.addi %mul3A_61, %add3A_1379 : i32
        %get3A_1381 = arith.index_cast %add3A_1380 : i32 to index
        %get3A_1382 = arith.constant 32 : index
        %get3A_1383 = tpu.vector_load %arg6[%get3A_1381, %get3A_1382] {strides = array<i32>} : memref<400x64xf32, #tpu.memory_space<vmem>>, vector<1x16xf32>,
        %get3A_1384 = vector.shape_cast %get3A_1383 : vector<1x16xf32> to vector<16xf32>
        %add3A_1385 = arith.addf %add3A_1357, %get3A_1384 : vector<16xf32>
        %add3A_1386 = arith.constant 47 : i32
        %add3A_1387 = arith.addi %mul3A_61, %add3A_1386 : i32
        %get3A_1388 = arith.index_cast %add3A_1387 : i32 to index
        %get3A_1389 = arith.constant 48 : index
        %get3A_1390 = tpu.vector_load %arg6[%get3A_1388, %get3A_1389] {strides = array<i32>} : memref<400x64xf32, #tpu.memory_space<vmem>>, vector<1x16xf32>,
        %get3A_1391 = vector.shape_cast %get3A_1390 : vector<1x16xf32> to vector<16xf32>
        %add3A_1392 = arith.addf %add3A_1364, %get3A_1391 : vector<16xf32>
        %add3A_1393 = arith.constant 48 : i32
        %add3A_1394 = arith.addi %mul3A_61, %add3A_1393 : i32
        %get3A_1395 = arith.index_cast %add3A_1394 : i32 to index
        %get3A_1396 = arith.constant 0 : index
        %get3A_1397 = tpu.vector_load %arg6[%get3A_1395, %get3A_1396] {strides = array<i32>} : memref<400x64xf32, #tpu.memory_space<vmem>>, vector<1x16xf32>,
        %get3A_1398 = vector.shape_cast %get3A_1397 : vector<1x16xf32> to vector<16xf32>
        %add3A_1399 = arith.addf %add3A_1371, %get3A_1398 : vector<16xf32>
        %add3A_1400 = arith.constant 48 : i32
        %add3A_1401 = arith.addi %mul3A_61, %add3A_1400 : i32
        %get3A_1402 = arith.index_cast %add3A_1401 : i32 to index
        %get3A_1403 = arith.constant 16 : index
        %get3A_1404 = tpu.vector_load %arg6[%get3A_1402, %get3A_1403] {strides = array<i32>} : memref<400x64xf32, #tpu.memory_space<vmem>>, vector<1x16xf32>,
        %get3A_1405 = vector.shape_cast %get3A_1404 : vector<1x16xf32> to vector<16xf32>
        %add3A_1406 = arith.addf %add3A_1378, %get3A_1405 : vector<16xf32>
        %add3A_1407 = arith.constant 48 : i32
        %add3A_1408 = arith.addi %mul3A_61, %add3A_1407 : i32
        %get3A_1409 = arith.index_cast %add3A_1408 : i32 to index
        %get3A_1410 = arith.constant 32 : index
        %get3A_1411 = tpu.vector_load %arg6[%get3A_1409, %get3A_1410] {strides = array<i32>} : memref<400x64xf32, #tpu.memory_space<vmem>>, vector<1x16xf32>,
        %get3A_1412 = vector.shape_cast %get3A_1411 : vector<1x16xf32> to vector<16xf32>
        %add3A_1413 = arith.addf %add3A_1385, %get3A_1412 : vector<16xf32>
        %add3A_1414 = arith.constant 48 : i32
        %add3A_1415 = arith.addi %mul3A_61, %add3A_1414 : i32
        %get3A_1416 = arith.index_cast %add3A_1415 : i32 to index
        %get3A_1417 = arith.constant 48 : index
        %get3A_1418 = tpu.vector_load %arg6[%get3A_1416, %get3A_1417] {strides = array<i32>} : memref<400x64xf32, #tpu.memory_space<vmem>>, vector<1x16xf32>,
        %get3A_1419 = vector.shape_cast %get3A_1418 : vector<1x16xf32> to vector<16xf32>
        %add3A_1420 = arith.addf %add3A_1392, %get3A_1419 : vector<16xf32>
        %add3A_1421 = arith.constant 49 : i32
        %add3A_1422 = arith.addi %mul3A_61, %add3A_1421 : i32
        %get3A_1423 = arith.index_cast %add3A_1422 : i32 to index
        %get3A_1424 = arith.constant 0 : index
        %get3A_1425 = tpu.vector_load %arg6[%get3A_1423, %get3A_1424] {strides = array<i32>} : memref<400x64xf32, #tpu.memory_space<vmem>>, vector<1x16xf32>,
        %get3A_1426 = vector.shape_cast %get3A_1425 : vector<1x16xf32> to vector<16xf32>
        %add3A_1427 = arith.addf %add3A_1399, %get3A_1426 : vector<16xf32>
        %add3A_1428 = arith.constant 49 : i32
        %add3A_1429 = arith.addi %mul3A_61, %add3A_1428 : i32
        %get3A_1430 = arith.index_cast %add3A_1429 : i32 to index
        %get3A_1431 = arith.constant 16 : index
        %get3A_1432 = tpu.vector_load %arg6[%get3A_1430, %get3A_1431] {strides = array<i32>} : memref<400x64xf32, #tpu.memory_space<vmem>>, vector<1x16xf32>,
        %get3A_1433 = vector.shape_cast %get3A_1432 : vector<1x16xf32> to vector<16xf32>
        %add3A_1434 = arith.addf %add3A_1406, %get3A_1433 : vector<16xf32>
        %add3A_1435 = arith.constant 49 : i32
        %add3A_1436 = arith.addi %mul3A_61, %add3A_1435 : i32
        %get3A_1437 = arith.index_cast %add3A_1436 : i32 to index
        %get3A_1438 = arith.constant 32 : index
        %get3A_1439 = tpu.vector_load %arg6[%get3A_1437, %get3A_1438] {strides = array<i32>} : memref<400x64xf32, #tpu.memory_space<vmem>>, vector<1x16xf32>,
        %get3A_1440 = vector.shape_cast %get3A_1439 : vector<1x16xf32> to vector<16xf32>
        %add3A_1441 = arith.addf %add3A_1413, %get3A_1440 : vector<16xf32>
        %add3A_1442 = arith.constant 49 : i32
        %add3A_1443 = arith.addi %mul3A_61, %add3A_1442 : i32
        %get3A_1444 = arith.index_cast %add3A_1443 : i32 to index
        %get3A_1445 = arith.constant 48 : index
        %get3A_1446 = tpu.vector_load %arg6[%get3A_1444, %get3A_1445] {strides = array<i32>} : memref<400x64xf32, #tpu.memory_space<vmem>>, vector<1x16xf32>,
        %get3A_1447 = vector.shape_cast %get3A_1446 : vector<1x16xf32> to vector<16xf32>
        %add3A_1448 = arith.addf %add3A_1420, %get3A_1447 : vector<16xf32>
        %mul3A_1449 = arith.constant 8 : i32
        %mul3A_1450 = arith.muli %add3A_26, %mul3A_1449 : i32
        %add3A_1451 = arith.addi %mul3A_1450, %scan3A_59 : i32
        %swap3A = arith.index_cast %add3A_1451 : i32 to index
        %swap3A_1452 = arith.constant 0 : index
        %swap3A_1453 = tpu.vector_load %arg8[%swap3A, %swap3A_1452] {strides = array<i32>} : memref<512x64xf32, #tpu.memory_space<vmem>>, vector<1x16xf32>,
        %swap3A_1454 = vector.shape_cast %swap3A_1453 : vector<1x16xf32> to vector<16xf32>
        %swap3A_1455 = vector.shape_cast %add3A_1427 : vector<16xf32> to vector<1x16xf32>
        tpu.vector_store %arg8[%swap3A, %swap3A_1452], %swap3A_1455 {strides = array<i32>} : memref<512x64xf32, #tpu.memory_space<vmem>>, vector<1x16xf32>,
        %swap3A_1456 = arith.index_cast %add3A_1451 : i32 to index
        %swap3A_1457 = arith.constant 16 : index
        %swap3A_1458 = tpu.vector_load %arg8[%swap3A_1456, %swap3A_1457] {strides = array<i32>} : memref<512x64xf32, #tpu.memory_space<vmem>>, vector<1x16xf32>,
        %swap3A_1459 = vector.shape_cast %swap3A_1458 : vector<1x16xf32> to vector<16xf32>
        %swap3A_1460 = vector.shape_cast %add3A_1434 : vector<16xf32> to vector<1x16xf32>
        tpu.vector_store %arg8[%swap3A_1456, %swap3A_1457], %swap3A_1460 {strides = array<i32>} : memref<512x64xf32, #tpu.memory_space<vmem>>, vector<1x16xf32>,
        %swap3A_1461 = arith.index_cast %add3A_1451 : i32 to index
        %swap3A_1462 = arith.constant 32 : index
        %swap3A_1463 = tpu.vector_load %arg8[%swap3A_1461, %swap3A_1462] {strides = array<i32>} : memref<512x64xf32, #tpu.memory_space<vmem>>, vector<1x16xf32>,
        %swap3A_1464 = vector.shape_cast %swap3A_1463 : vector<1x16xf32> to vector<16xf32>
        %swap3A_1465 = vector.shape_cast %add3A_1441 : vector<16xf32> to vector<1x16xf32>
        tpu.vector_store %arg8[%swap3A_1461, %swap3A_1462], %swap3A_1465 {strides = array<i32>} : memref<512x64xf32, #tpu.memory_space<vmem>>, vector<1x16xf32>,
        %swap3A_1466 = arith.index_cast %add3A_1451 : i32 to index
        %swap3A_1467 = arith.constant 48 : index
        %swap3A_1468 = tpu.vector_load %arg8[%swap3A_1466, %swap3A_1467] {strides = array<i32>} : memref<512x64xf32, #tpu.memory_space<vmem>>, vector<1x16xf32>,
        %swap3A_1469 = vector.shape_cast %swap3A_1468 : vector<1x16xf32> to vector<16xf32>
        %swap3A_1470 = vector.shape_cast %add3A_1448 : vector<16xf32> to vector<1x16xf32>
        tpu.vector_store %arg8[%swap3A_1466, %swap3A_1467], %swap3A_1470 {strides = array<i32>} : memref<512x64xf32, #tpu.memory_space<vmem>>, vector<1x16xf32>,
      }
      %scan3A_36 = arith.constant 8 : i32
      %lt3A = arith.constant 31 : i32
      %lt3A_37 = arith.cmpi slt, %scan3A_22, %lt3A : i32
      %convert_element_type3A = arith.extui %lt3A_37 : i1 to i32
      %cond3A = arith.constant 0 : i32
      %cond3A_38 = arith.cmpi ne, %convert_element_type3A, %cond3A : i32
      scf.if %cond3A_38 {
        %add3A_59 = arith.constant 2 : i32
        %add3A_60 = arith.addi %add3A_26, %add3A_59 : i32
        %mul3A_61 = arith.constant 400 : i32
        %mul3A_62 = arith.muli %add3A_60, %mul3A_61 : i32
        %multiple_of3A_63 = tpu.assume_multiple %mul3A_62, 8 : i32
        %dma_start3A_64 = tpu.memref_slice %arg5[%multiple_of3A_63] : memref<25600xi32, #tpu.memory_space<vmem>> -> memref<400xi32, #tpu.memory_space<vmem>>
        %dma_start3A_65 = arith.constant 0 : i32
        %dma_start3A_66 = arith.constant 0 : i32
        %dma_start3A_67 = tpu.memref_slice %arg3[%dma_start3A_65, %dma_start3A_66] : memref<1000000x64xf32, #tpu.memory_space<hbm>> -> memref<1000000x64xf32, #tpu.memory_space<hbm>>
        tpu.enqueue_indirect_dma source(%dma_start3A_67 : memref<1000000x64xf32, #tpu.memory_space<hbm>>) target(%arg6 : memref<400x64xf32, #tpu.memory_space<vmem>>) offsets(%dma_start3A_64 : memref<400xi32, #tpu.memory_space<vmem>>) semaphore(%arg9 : memref<!tpu.dma_semaphore, #tpu.memory_space<semaphore_mem>>)
      } else {
      }
      %mul3A_39 = arith.constant 2 : i32
      %mul3A_40 = arith.muli %mul3A_39, %scan3A_22 : i32
      %add3A_41 = arith.constant 1 : i32
      %add3A_42 = arith.addi %mul3A_40, %add3A_41 : i32
      %dma_wait3A_43 = arith.constant 0 : i32
      %dma_wait3A_44 = tpu.memref_slice %arg5[%dma_wait3A_43] : memref<25600xi32, #tpu.memory_space<vmem>> -> memref<400xi32, #tpu.memory_space<vmem>>
      %dma_wait3A_45 = arith.constant 0 : i32
      %dma_wait3A_46 = arith.constant 0 : i32
      %dma_wait3A_47 = tpu.memref_slice %arg3[%dma_wait3A_45, %dma_wait3A_46] : memref<1000000x64xf32, #tpu.memory_space<hbm>> -> memref<1000000x64xf32, #tpu.memory_space<hbm>>
      tpu.wait_indirect_dma semaphore(%arg10 : memref<!tpu.dma_semaphore, #tpu.memory_space<semaphore_mem>>) src(%dma_wait3A_47 : memref<1000000x64xf32, #tpu.memory_space<hbm>>) dst(%arg7 : memref<400x64xf32, #tpu.memory_space<vmem>>)
      %scan3A_48 = arith.constant 0 : i32
      %scan3A_49 = arith.constant 0 : i32
      %scan3A_50 = arith.constant 8 : i32
      %scan3A_51 = arith.addi %scan3A_49, %scan3A_50 : i32
      %scan3A_52 = arith.constant 1 : i32
      scf.for %scan3A_59 = %scan3A_49 to %scan3A_51 step %scan3A_52  : i32 {
        %mul3A_60 = arith.constant 50 : i32
        %mul3A_61 = arith.muli %scan3A_59, %mul3A_60 : i32
        %get3A = arith.index_cast %mul3A_61 : i32 to index
        %get3A_62 = arith.constant 0 : index
        %get3A_63 = tpu.vector_load %arg7[%get3A, %get3A_62] {strides = array<i32>} : memref<400x64xf32, #tpu.memory_space<vmem>>, vector<1x16xf32>,
        %get3A_64 = vector.shape_cast %get3A_63 : vector<1x16xf32> to vector<16xf32>
        %get3A_65 = arith.index_cast %mul3A_61 : i32 to index
        %get3A_66 = arith.constant 16 : index
        %get3A_67 = tpu.vector_load %arg7[%get3A_65, %get3A_66] {strides = array<i32>} : memref<400x64xf32, #tpu.memory_space<vmem>>, vector<1x16xf32>,
        %get3A_68 = vector.shape_cast %get3A_67 : vector<1x16xf32> to vector<16xf32>
        %get3A_69 = arith.index_cast %mul3A_61 : i32 to index
        %get3A_70 = arith.constant 32 : index
        %get3A_71 = tpu.vector_load %arg7[%get3A_69, %get3A_70] {strides = array<i32>} : memref<400x64xf32, #tpu.memory_space<vmem>>, vector<1x16xf32>,
        %get3A_72 = vector.shape_cast %get3A_71 : vector<1x16xf32> to vector<16xf32>
        %get3A_73 = arith.index_cast %mul3A_61 : i32 to index
        %get3A_74 = arith.constant 48 : index
        %get3A_75 = tpu.vector_load %arg7[%get3A_73, %get3A_74] {strides = array<i32>} : memref<400x64xf32, #tpu.memory_space<vmem>>, vector<1x16xf32>,
        %get3A_76 = vector.shape_cast %get3A_75 : vector<1x16xf32> to vector<16xf32>
        %add3A_77 = arith.constant 1 : i32
        %add3A_78 = arith.addi %mul3A_61, %add3A_77 : i32
        %get3A_79 = arith.index_cast %add3A_78 : i32 to index
        %get3A_80 = arith.constant 0 : index
        %get3A_81 = tpu.vector_load %arg7[%get3A_79, %get3A_80] {strides = array<i32>} : memref<400x64xf32, #tpu.memory_space<vmem>>, vector<1x16xf32>,
        %get3A_82 = vector.shape_cast %get3A_81 : vector<1x16xf32> to vector<16xf32>
        %add3A_83 = arith.addf %get3A_64, %get3A_82 : vector<16xf32>
        %add3A_84 = arith.constant 1 : i32
        %add3A_85 = arith.addi %mul3A_61, %add3A_84 : i32
        %get3A_86 = arith.index_cast %add3A_85 : i32 to index
        %get3A_87 = arith.constant 16 : index
        %get3A_88 = tpu.vector_load %arg7[%get3A_86, %get3A_87] {strides = array<i32>} : memref<400x64xf32, #tpu.memory_space<vmem>>, vector<1x16xf32>,
        %get3A_89 = vector.shape_cast %get3A_88 : vector<1x16xf32> to vector<16xf32>
        %add3A_90 = arith.addf %get3A_68, %get3A_89 : vector<16xf32>
        %add3A_91 = arith.constant 1 : i32
        %add3A_92 = arith.addi %mul3A_61, %add3A_91 : i32
        %get3A_93 = arith.index_cast %add3A_92 : i32 to index
        %get3A_94 = arith.constant 32 : index
        %get3A_95 = tpu.vector_load %arg7[%get3A_93, %get3A_94] {strides = array<i32>} : memref<400x64xf32, #tpu.memory_space<vmem>>, vector<1x16xf32>,
        %get3A_96 = vector.shape_cast %get3A_95 : vector<1x16xf32> to vector<16xf32>
        %add3A_97 = arith.addf %get3A_72, %get3A_96 : vector<16xf32>
        %add3A_98 = arith.constant 1 : i32
        %add3A_99 = arith.addi %mul3A_61, %add3A_98 : i32
        %get3A_100 = arith.index_cast %add3A_99 : i32 to index
        %get3A_101 = arith.constant 48 : index
        %get3A_102 = tpu.vector_load %arg7[%get3A_100, %get3A_101] {strides = array<i32>} : memref<400x64xf32, #tpu.memory_space<vmem>>, vector<1x16xf32>,
        %get3A_103 = vector.shape_cast %get3A_102 : vector<1x16xf32> to vector<16xf32>
        %add3A_104 = arith.addf %get3A_76, %get3A_103 : vector<16xf32>
        %add3A_105 = arith.constant 2 : i32
        %add3A_106 = arith.addi %mul3A_61, %add3A_105 : i32
        %get3A_107 = arith.index_cast %add3A_106 : i32 to index
        %get3A_108 = arith.constant 0 : index
        %get3A_109 = tpu.vector_load %arg7[%get3A_107, %get3A_108] {strides = array<i32>} : memref<400x64xf32, #tpu.memory_space<vmem>>, vector<1x16xf32>,
        %get3A_110 = vector.shape_cast %get3A_109 : vector<1x16xf32> to vector<16xf32>
        %add3A_111 = arith.addf %add3A_83, %get3A_110 : vector<16xf32>
        %add3A_112 = arith.constant 2 : i32
        %add3A_113 = arith.addi %mul3A_61, %add3A_112 : i32
        %get3A_114 = arith.index_cast %add3A_113 : i32 to index
        %get3A_115 = arith.constant 16 : index
        %get3A_116 = tpu.vector_load %arg7[%get3A_114, %get3A_115] {strides = array<i32>} : memref<400x64xf32, #tpu.memory_space<vmem>>, vector<1x16xf32>,
        %get3A_117 = vector.shape_cast %get3A_116 : vector<1x16xf32> to vector<16xf32>
        %add3A_118 = arith.addf %add3A_90, %get3A_117 : vector<16xf32>
        %add3A_119 = arith.constant 2 : i32
        %add3A_120 = arith.addi %mul3A_61, %add3A_119 : i32
        %get3A_121 = arith.index_cast %add3A_120 : i32 to index
        %get3A_122 = arith.constant 32 : index
        %get3A_123 = tpu.vector_load %arg7[%get3A_121, %get3A_122] {strides = array<i32>} : memref<400x64xf32, #tpu.memory_space<vmem>>, vector<1x16xf32>,
        %get3A_124 = vector.shape_cast %get3A_123 : vector<1x16xf32> to vector<16xf32>
        %add3A_125 = arith.addf %add3A_97, %get3A_124 : vector<16xf32>
        %add3A_126 = arith.constant 2 : i32
        %add3A_127 = arith.addi %mul3A_61, %add3A_126 : i32
        %get3A_128 = arith.index_cast %add3A_127 : i32 to index
        %get3A_129 = arith.constant 48 : index
        %get3A_130 = tpu.vector_load %arg7[%get3A_128, %get3A_129] {strides = array<i32>} : memref<400x64xf32, #tpu.memory_space<vmem>>, vector<1x16xf32>,
        %get3A_131 = vector.shape_cast %get3A_130 : vector<1x16xf32> to vector<16xf32>
        %add3A_132 = arith.addf %add3A_104, %get3A_131 : vector<16xf32>
        %add3A_133 = arith.constant 3 : i32
        %add3A_134 = arith.addi %mul3A_61, %add3A_133 : i32
        %get3A_135 = arith.index_cast %add3A_134 : i32 to index
        %get3A_136 = arith.constant 0 : index
        %get3A_137 = tpu.vector_load %arg7[%get3A_135, %get3A_136] {strides = array<i32>} : memref<400x64xf32, #tpu.memory_space<vmem>>, vector<1x16xf32>,
        %get3A_138 = vector.shape_cast %get3A_137 : vector<1x16xf32> to vector<16xf32>
        %add3A_139 = arith.addf %add3A_111, %get3A_138 : vector<16xf32>
        %add3A_140 = arith.constant 3 : i32
        %add3A_141 = arith.addi %mul3A_61, %add3A_140 : i32
        %get3A_142 = arith.index_cast %add3A_141 : i32 to index
        %get3A_143 = arith.constant 16 : index
        %get3A_144 = tpu.vector_load %arg7[%get3A_142, %get3A_143] {strides = array<i32>} : memref<400x64xf32, #tpu.memory_space<vmem>>, vector<1x16xf32>,
        %get3A_145 = vector.shape_cast %get3A_144 : vector<1x16xf32> to vector<16xf32>
        %add3A_146 = arith.addf %add3A_118, %get3A_145 : vector<16xf32>
        %add3A_147 = arith.constant 3 : i32
        %add3A_148 = arith.addi %mul3A_61, %add3A_147 : i32
        %get3A_149 = arith.index_cast %add3A_148 : i32 to index
        %get3A_150 = arith.constant 32 : index
        %get3A_151 = tpu.vector_load %arg7[%get3A_149, %get3A_150] {strides = array<i32>} : memref<400x64xf32, #tpu.memory_space<vmem>>, vector<1x16xf32>,
        %get3A_152 = vector.shape_cast %get3A_151 : vector<1x16xf32> to vector<16xf32>
        %add3A_153 = arith.addf %add3A_125, %get3A_152 : vector<16xf32>
        %add3A_154 = arith.constant 3 : i32
        %add3A_155 = arith.addi %mul3A_61, %add3A_154 : i32
        %get3A_156 = arith.index_cast %add3A_155 : i32 to index
        %get3A_157 = arith.constant 48 : index
        %get3A_158 = tpu.vector_load %arg7[%get3A_156, %get3A_157] {strides = array<i32>} : memref<400x64xf32, #tpu.memory_space<vmem>>, vector<1x16xf32>,
        %get3A_159 = vector.shape_cast %get3A_158 : vector<1x16xf32> to vector<16xf32>
        %add3A_160 = arith.addf %add3A_132, %get3A_159 : vector<16xf32>
        %add3A_161 = arith.constant 4 : i32
        %add3A_162 = arith.addi %mul3A_61, %add3A_161 : i32
        %get3A_163 = arith.index_cast %add3A_162 : i32 to index
        %get3A_164 = arith.constant 0 : index
        %get3A_165 = tpu.vector_load %arg7[%get3A_163, %get3A_164] {strides = array<i32>} : memref<400x64xf32, #tpu.memory_space<vmem>>, vector<1x16xf32>,
        %get3A_166 = vector.shape_cast %get3A_165 : vector<1x16xf32> to vector<16xf32>
        %add3A_167 = arith.addf %add3A_139, %get3A_166 : vector<16xf32>
        %add3A_168 = arith.constant 4 : i32
        %add3A_169 = arith.addi %mul3A_61, %add3A_168 : i32
        %get3A_170 = arith.index_cast %add3A_169 : i32 to index
        %get3A_171 = arith.constant 16 : index
        %get3A_172 = tpu.vector_load %arg7[%get3A_170, %get3A_171] {strides = array<i32>} : memref<400x64xf32, #tpu.memory_space<vmem>>, vector<1x16xf32>,
        %get3A_173 = vector.shape_cast %get3A_172 : vector<1x16xf32> to vector<16xf32>
        %add3A_174 = arith.addf %add3A_146, %get3A_173 : vector<16xf32>
        %add3A_175 = arith.constant 4 : i32
        %add3A_176 = arith.addi %mul3A_61, %add3A_175 : i32
        %get3A_177 = arith.index_cast %add3A_176 : i32 to index
        %get3A_178 = arith.constant 32 : index
        %get3A_179 = tpu.vector_load %arg7[%get3A_177, %get3A_178] {strides = array<i32>} : memref<400x64xf32, #tpu.memory_space<vmem>>, vector<1x16xf32>,
        %get3A_180 = vector.shape_cast %get3A_179 : vector<1x16xf32> to vector<16xf32>
        %add3A_181 = arith.addf %add3A_153, %get3A_180 : vector<16xf32>
        %add3A_182 = arith.constant 4 : i32
        %add3A_183 = arith.addi %mul3A_61, %add3A_182 : i32
        %get3A_184 = arith.index_cast %add3A_183 : i32 to index
        %get3A_185 = arith.constant 48 : index
        %get3A_186 = tpu.vector_load %arg7[%get3A_184, %get3A_185] {strides = array<i32>} : memref<400x64xf32, #tpu.memory_space<vmem>>, vector<1x16xf32>,
        %get3A_187 = vector.shape_cast %get3A_186 : vector<1x16xf32> to vector<16xf32>
        %add3A_188 = arith.addf %add3A_160, %get3A_187 : vector<16xf32>
        %add3A_189 = arith.constant 5 : i32
        %add3A_190 = arith.addi %mul3A_61, %add3A_189 : i32
        %get3A_191 = arith.index_cast %add3A_190 : i32 to index
        %get3A_192 = arith.constant 0 : index
        %get3A_193 = tpu.vector_load %arg7[%get3A_191, %get3A_192] {strides = array<i32>} : memref<400x64xf32, #tpu.memory_space<vmem>>, vector<1x16xf32>,
        %get3A_194 = vector.shape_cast %get3A_193 : vector<1x16xf32> to vector<16xf32>
        %add3A_195 = arith.addf %add3A_167, %get3A_194 : vector<16xf32>
        %add3A_196 = arith.constant 5 : i32
        %add3A_197 = arith.addi %mul3A_61, %add3A_196 : i32
        %get3A_198 = arith.index_cast %add3A_197 : i32 to index
        %get3A_199 = arith.constant 16 : index
        %get3A_200 = tpu.vector_load %arg7[%get3A_198, %get3A_199] {strides = array<i32>} : memref<400x64xf32, #tpu.memory_space<vmem>>, vector<1x16xf32>,
        %get3A_201 = vector.shape_cast %get3A_200 : vector<1x16xf32> to vector<16xf32>
        %add3A_202 = arith.addf %add3A_174, %get3A_201 : vector<16xf32>
        %add3A_203 = arith.constant 5 : i32
        %add3A_204 = arith.addi %mul3A_61, %add3A_203 : i32
        %get3A_205 = arith.index_cast %add3A_204 : i32 to index
        %get3A_206 = arith.constant 32 : index
        %get3A_207 = tpu.vector_load %arg7[%get3A_205, %get3A_206] {strides = array<i32>} : memref<400x64xf32, #tpu.memory_space<vmem>>, vector<1x16xf32>,
        %get3A_208 = vector.shape_cast %get3A_207 : vector<1x16xf32> to vector<16xf32>
        %add3A_209 = arith.addf %add3A_181, %get3A_208 : vector<16xf32>
        %add3A_210 = arith.constant 5 : i32
        %add3A_211 = arith.addi %mul3A_61, %add3A_210 : i32
        %get3A_212 = arith.index_cast %add3A_211 : i32 to index
        %get3A_213 = arith.constant 48 : index
        %get3A_214 = tpu.vector_load %arg7[%get3A_212, %get3A_213] {strides = array<i32>} : memref<400x64xf32, #tpu.memory_space<vmem>>, vector<1x16xf32>,
        %get3A_215 = vector.shape_cast %get3A_214 : vector<1x16xf32> to vector<16xf32>
        %add3A_216 = arith.addf %add3A_188, %get3A_215 : vector<16xf32>
        %add3A_217 = arith.constant 6 : i32
        %add3A_218 = arith.addi %mul3A_61, %add3A_217 : i32
        %get3A_219 = arith.index_cast %add3A_218 : i32 to index
        %get3A_220 = arith.constant 0 : index
        %get3A_221 = tpu.vector_load %arg7[%get3A_219, %get3A_220] {strides = array<i32>} : memref<400x64xf32, #tpu.memory_space<vmem>>, vector<1x16xf32>,
        %get3A_222 = vector.shape_cast %get3A_221 : vector<1x16xf32> to vector<16xf32>
        %add3A_223 = arith.addf %add3A_195, %get3A_222 : vector<16xf32>
        %add3A_224 = arith.constant 6 : i32
        %add3A_225 = arith.addi %mul3A_61, %add3A_224 : i32
        %get3A_226 = arith.index_cast %add3A_225 : i32 to index
        %get3A_227 = arith.constant 16 : index
        %get3A_228 = tpu.vector_load %arg7[%get3A_226, %get3A_227] {strides = array<i32>} : memref<400x64xf32, #tpu.memory_space<vmem>>, vector<1x16xf32>,
        %get3A_229 = vector.shape_cast %get3A_228 : vector<1x16xf32> to vector<16xf32>
        %add3A_230 = arith.addf %add3A_202, %get3A_229 : vector<16xf32>
        %add3A_231 = arith.constant 6 : i32
        %add3A_232 = arith.addi %mul3A_61, %add3A_231 : i32
        %get3A_233 = arith.index_cast %add3A_232 : i32 to index
        %get3A_234 = arith.constant 32 : index
        %get3A_235 = tpu.vector_load %arg7[%get3A_233, %get3A_234] {strides = array<i32>} : memref<400x64xf32, #tpu.memory_space<vmem>>, vector<1x16xf32>,
        %get3A_236 = vector.shape_cast %get3A_235 : vector<1x16xf32> to vector<16xf32>
        %add3A_237 = arith.addf %add3A_209, %get3A_236 : vector<16xf32>
        %add3A_238 = arith.constant 6 : i32
        %add3A_239 = arith.addi %mul3A_61, %add3A_238 : i32
        %get3A_240 = arith.index_cast %add3A_239 : i32 to index
        %get3A_241 = arith.constant 48 : index
        %get3A_242 = tpu.vector_load %arg7[%get3A_240, %get3A_241] {strides = array<i32>} : memref<400x64xf32, #tpu.memory_space<vmem>>, vector<1x16xf32>,
        %get3A_243 = vector.shape_cast %get3A_242 : vector<1x16xf32> to vector<16xf32>
        %add3A_244 = arith.addf %add3A_216, %get3A_243 : vector<16xf32>
        %add3A_245 = arith.constant 7 : i32
        %add3A_246 = arith.addi %mul3A_61, %add3A_245 : i32
        %get3A_247 = arith.index_cast %add3A_246 : i32 to index
        %get3A_248 = arith.constant 0 : index
        %get3A_249 = tpu.vector_load %arg7[%get3A_247, %get3A_248] {strides = array<i32>} : memref<400x64xf32, #tpu.memory_space<vmem>>, vector<1x16xf32>,
        %get3A_250 = vector.shape_cast %get3A_249 : vector<1x16xf32> to vector<16xf32>
        %add3A_251 = arith.addf %add3A_223, %get3A_250 : vector<16xf32>
        %add3A_252 = arith.constant 7 : i32
        %add3A_253 = arith.addi %mul3A_61, %add3A_252 : i32
        %get3A_254 = arith.index_cast %add3A_253 : i32 to index
        %get3A_255 = arith.constant 16 : index
        %get3A_256 = tpu.vector_load %arg7[%get3A_254, %get3A_255] {strides = array<i32>} : memref<400x64xf32, #tpu.memory_space<vmem>>, vector<1x16xf32>,
        %get3A_257 = vector.shape_cast %get3A_256 : vector<1x16xf32> to vector<16xf32>
        %add3A_258 = arith.addf %add3A_230, %get3A_257 : vector<16xf32>
        %add3A_259 = arith.constant 7 : i32
        %add3A_260 = arith.addi %mul3A_61, %add3A_259 : i32
        %get3A_261 = arith.index_cast %add3A_260 : i32 to index
        %get3A_262 = arith.constant 32 : index
        %get3A_263 = tpu.vector_load %arg7[%get3A_261, %get3A_262] {strides = array<i32>} : memref<400x64xf32, #tpu.memory_space<vmem>>, vector<1x16xf32>,
        %get3A_264 = vector.shape_cast %get3A_263 : vector<1x16xf32> to vector<16xf32>
        %add3A_265 = arith.addf %add3A_237, %get3A_264 : vector<16xf32>
        %add3A_266 = arith.constant 7 : i32
        %add3A_267 = arith.addi %mul3A_61, %add3A_266 : i32
        %get3A_268 = arith.index_cast %add3A_267 : i32 to index
        %get3A_269 = arith.constant 48 : index
        %get3A_270 = tpu.vector_load %arg7[%get3A_268, %get3A_269] {strides = array<i32>} : memref<400x64xf32, #tpu.memory_space<vmem>>, vector<1x16xf32>,
        %get3A_271 = vector.shape_cast %get3A_270 : vector<1x16xf32> to vector<16xf32>
        %add3A_272 = arith.addf %add3A_244, %get3A_271 : vector<16xf32>
        %add3A_273 = arith.constant 8 : i32
        %add3A_274 = arith.addi %mul3A_61, %add3A_273 : i32
        %get3A_275 = arith.index_cast %add3A_274 : i32 to index
        %get3A_276 = arith.constant 0 : index
        %get3A_277 = tpu.vector_load %arg7[%get3A_275, %get3A_276] {strides = array<i32>} : memref<400x64xf32, #tpu.memory_space<vmem>>, vector<1x16xf32>,
        %get3A_278 = vector.shape_cast %get3A_277 : vector<1x16xf32> to vector<16xf32>
        %add3A_279 = arith.addf %add3A_251, %get3A_278 : vector<16xf32>
        %add3A_280 = arith.constant 8 : i32
        %add3A_281 = arith.addi %mul3A_61, %add3A_280 : i32
        %get3A_282 = arith.index_cast %add3A_281 : i32 to index
        %get3A_283 = arith.constant 16 : index
        %get3A_284 = tpu.vector_load %arg7[%get3A_282, %get3A_283] {strides = array<i32>} : memref<400x64xf32, #tpu.memory_space<vmem>>, vector<1x16xf32>,
        %get3A_285 = vector.shape_cast %get3A_284 : vector<1x16xf32> to vector<16xf32>
        %add3A_286 = arith.addf %add3A_258, %get3A_285 : vector<16xf32>
        %add3A_287 = arith.constant 8 : i32
        %add3A_288 = arith.addi %mul3A_61, %add3A_287 : i32
        %get3A_289 = arith.index_cast %add3A_288 : i32 to index
        %get3A_290 = arith.constant 32 : index
        %get3A_291 = tpu.vector_load %arg7[%get3A_289, %get3A_290] {strides = array<i32>} : memref<400x64xf32, #tpu.memory_space<vmem>>, vector<1x16xf32>,
        %get3A_292 = vector.shape_cast %get3A_291 : vector<1x16xf32> to vector<16xf32>
        %add3A_293 = arith.addf %add3A_265, %get3A_292 : vector<16xf32>
        %add3A_294 = arith.constant 8 : i32
        %add3A_295 = arith.addi %mul3A_61, %add3A_294 : i32
        %get3A_296 = arith.index_cast %add3A_295 : i32 to index
        %get3A_297 = arith.constant 48 : index
        %get3A_298 = tpu.vector_load %arg7[%get3A_296, %get3A_297] {strides = array<i32>} : memref<400x64xf32, #tpu.memory_space<vmem>>, vector<1x16xf32>,
        %get3A_299 = vector.shape_cast %get3A_298 : vector<1x16xf32> to vector<16xf32>
        %add3A_300 = arith.addf %add3A_272, %get3A_299 : vector<16xf32>
        %add3A_301 = arith.constant 9 : i32
        %add3A_302 = arith.addi %mul3A_61, %add3A_301 : i32
        %get3A_303 = arith.index_cast %add3A_302 : i32 to index
        %get3A_304 = arith.constant 0 : index
        %get3A_305 = tpu.vector_load %arg7[%get3A_303, %get3A_304] {strides = array<i32>} : memref<400x64xf32, #tpu.memory_space<vmem>>, vector<1x16xf32>,
        %get3A_306 = vector.shape_cast %get3A_305 : vector<1x16xf32> to vector<16xf32>
        %add3A_307 = arith.addf %add3A_279, %get3A_306 : vector<16xf32>
        %add3A_308 = arith.constant 9 : i32
        %add3A_309 = arith.addi %mul3A_61, %add3A_308 : i32
        %get3A_310 = arith.index_cast %add3A_309 : i32 to index
        %get3A_311 = arith.constant 16 : index
        %get3A_312 = tpu.vector_load %arg7[%get3A_310, %get3A_311] {strides = array<i32>} : memref<400x64xf32, #tpu.memory_space<vmem>>, vector<1x16xf32>,
        %get3A_313 = vector.shape_cast %get3A_312 : vector<1x16xf32> to vector<16xf32>
        %add3A_314 = arith.addf %add3A_286, %get3A_313 : vector<16xf32>
        %add3A_315 = arith.constant 9 : i32
        %add3A_316 = arith.addi %mul3A_61, %add3A_315 : i32
        %get3A_317 = arith.index_cast %add3A_316 : i32 to index
        %get3A_318 = arith.constant 32 : index
        %get3A_319 = tpu.vector_load %arg7[%get3A_317, %get3A_318] {strides = array<i32>} : memref<400x64xf32, #tpu.memory_space<vmem>>, vector<1x16xf32>,
        %get3A_320 = vector.shape_cast %get3A_319 : vector<1x16xf32> to vector<16xf32>
        %add3A_321 = arith.addf %add3A_293, %get3A_320 : vector<16xf32>
        %add3A_322 = arith.constant 9 : i32
        %add3A_323 = arith.addi %mul3A_61, %add3A_322 : i32
        %get3A_324 = arith.index_cast %add3A_323 : i32 to index
        %get3A_325 = arith.constant 48 : index
        %get3A_326 = tpu.vector_load %arg7[%get3A_324, %get3A_325] {strides = array<i32>} : memref<400x64xf32, #tpu.memory_space<vmem>>, vector<1x16xf32>,
        %get3A_327 = vector.shape_cast %get3A_326 : vector<1x16xf32> to vector<16xf32>
        %add3A_328 = arith.addf %add3A_300, %get3A_327 : vector<16xf32>
        %add3A_329 = arith.constant 10 : i32
        %add3A_330 = arith.addi %mul3A_61, %add3A_329 : i32
        %get3A_331 = arith.index_cast %add3A_330 : i32 to index
        %get3A_332 = arith.constant 0 : index
        %get3A_333 = tpu.vector_load %arg7[%get3A_331, %get3A_332] {strides = array<i32>} : memref<400x64xf32, #tpu.memory_space<vmem>>, vector<1x16xf32>,
        %get3A_334 = vector.shape_cast %get3A_333 : vector<1x16xf32> to vector<16xf32>
        %add3A_335 = arith.addf %add3A_307, %get3A_334 : vector<16xf32>
        %add3A_336 = arith.constant 10 : i32
        %add3A_337 = arith.addi %mul3A_61, %add3A_336 : i32
        %get3A_338 = arith.index_cast %add3A_337 : i32 to index
        %get3A_339 = arith.constant 16 : index
        %get3A_340 = tpu.vector_load %arg7[%get3A_338, %get3A_339] {strides = array<i32>} : memref<400x64xf32, #tpu.memory_space<vmem>>, vector<1x16xf32>,
        %get3A_341 = vector.shape_cast %get3A_340 : vector<1x16xf32> to vector<16xf32>
        %add3A_342 = arith.addf %add3A_314, %get3A_341 : vector<16xf32>
        %add3A_343 = arith.constant 10 : i32
        %add3A_344 = arith.addi %mul3A_61, %add3A_343 : i32
        %get3A_345 = arith.index_cast %add3A_344 : i32 to index
        %get3A_346 = arith.constant 32 : index
        %get3A_347 = tpu.vector_load %arg7[%get3A_345, %get3A_346] {strides = array<i32>} : memref<400x64xf32, #tpu.memory_space<vmem>>, vector<1x16xf32>,
        %get3A_348 = vector.shape_cast %get3A_347 : vector<1x16xf32> to vector<16xf32>
        %add3A_349 = arith.addf %add3A_321, %get3A_348 : vector<16xf32>
        %add3A_350 = arith.constant 10 : i32
        %add3A_351 = arith.addi %mul3A_61, %add3A_350 : i32
        %get3A_352 = arith.index_cast %add3A_351 : i32 to index
        %get3A_353 = arith.constant 48 : index
        %get3A_354 = tpu.vector_load %arg7[%get3A_352, %get3A_353] {strides = array<i32>} : memref<400x64xf32, #tpu.memory_space<vmem>>, vector<1x16xf32>,
        %get3A_355 = vector.shape_cast %get3A_354 : vector<1x16xf32> to vector<16xf32>
        %add3A_356 = arith.addf %add3A_328, %get3A_355 : vector<16xf32>
        %add3A_357 = arith.constant 11 : i32
        %add3A_358 = arith.addi %mul3A_61, %add3A_357 : i32
        %get3A_359 = arith.index_cast %add3A_358 : i32 to index
        %get3A_360 = arith.constant 0 : index
        %get3A_361 = tpu.vector_load %arg7[%get3A_359, %get3A_360] {strides = array<i32>} : memref<400x64xf32, #tpu.memory_space<vmem>>, vector<1x16xf32>,
        %get3A_362 = vector.shape_cast %get3A_361 : vector<1x16xf32> to vector<16xf32>
        %add3A_363 = arith.addf %add3A_335, %get3A_362 : vector<16xf32>
        %add3A_364 = arith.constant 11 : i32
        %add3A_365 = arith.addi %mul3A_61, %add3A_364 : i32
        %get3A_366 = arith.index_cast %add3A_365 : i32 to index
        %get3A_367 = arith.constant 16 : index
        %get3A_368 = tpu.vector_load %arg7[%get3A_366, %get3A_367] {strides = array<i32>} : memref<400x64xf32, #tpu.memory_space<vmem>>, vector<1x16xf32>,
        %get3A_369 = vector.shape_cast %get3A_368 : vector<1x16xf32> to vector<16xf32>
        %add3A_370 = arith.addf %add3A_342, %get3A_369 : vector<16xf32>
        %add3A_371 = arith.constant 11 : i32
        %add3A_372 = arith.addi %mul3A_61, %add3A_371 : i32
        %get3A_373 = arith.index_cast %add3A_372 : i32 to index
        %get3A_374 = arith.constant 32 : index
        %get3A_375 = tpu.vector_load %arg7[%get3A_373, %get3A_374] {strides = array<i32>} : memref<400x64xf32, #tpu.memory_space<vmem>>, vector<1x16xf32>,
        %get3A_376 = vector.shape_cast %get3A_375 : vector<1x16xf32> to vector<16xf32>
        %add3A_377 = arith.addf %add3A_349, %get3A_376 : vector<16xf32>
        %add3A_378 = arith.constant 11 : i32
        %add3A_379 = arith.addi %mul3A_61, %add3A_378 : i32
        %get3A_380 = arith.index_cast %add3A_379 : i32 to index
        %get3A_381 = arith.constant 48 : index
        %get3A_382 = tpu.vector_load %arg7[%get3A_380, %get3A_381] {strides = array<i32>} : memref<400x64xf32, #tpu.memory_space<vmem>>, vector<1x16xf32>,
        %get3A_383 = vector.shape_cast %get3A_382 : vector<1x16xf32> to vector<16xf32>
        %add3A_384 = arith.addf %add3A_356, %get3A_383 : vector<16xf32>
        %add3A_385 = arith.constant 12 : i32
        %add3A_386 = arith.addi %mul3A_61, %add3A_385 : i32
        %get3A_387 = arith.index_cast %add3A_386 : i32 to index
        %get3A_388 = arith.constant 0 : index
        %get3A_389 = tpu.vector_load %arg7[%get3A_387, %get3A_388] {strides = array<i32>} : memref<400x64xf32, #tpu.memory_space<vmem>>, vector<1x16xf32>,
        %get3A_390 = vector.shape_cast %get3A_389 : vector<1x16xf32> to vector<16xf32>
        %add3A_391 = arith.addf %add3A_363, %get3A_390 : vector<16xf32>
        %add3A_392 = arith.constant 12 : i32
        %add3A_393 = arith.addi %mul3A_61, %add3A_392 : i32
        %get3A_394 = arith.index_cast %add3A_393 : i32 to index
        %get3A_395 = arith.constant 16 : index
        %get3A_396 = tpu.vector_load %arg7[%get3A_394, %get3A_395] {strides = array<i32>} : memref<400x64xf32, #tpu.memory_space<vmem>>, vector<1x16xf32>,
        %get3A_397 = vector.shape_cast %get3A_396 : vector<1x16xf32> to vector<16xf32>
        %add3A_398 = arith.addf %add3A_370, %get3A_397 : vector<16xf32>
        %add3A_399 = arith.constant 12 : i32
        %add3A_400 = arith.addi %mul3A_61, %add3A_399 : i32
        %get3A_401 = arith.index_cast %add3A_400 : i32 to index
        %get3A_402 = arith.constant 32 : index
        %get3A_403 = tpu.vector_load %arg7[%get3A_401, %get3A_402] {strides = array<i32>} : memref<400x64xf32, #tpu.memory_space<vmem>>, vector<1x16xf32>,
        %get3A_404 = vector.shape_cast %get3A_403 : vector<1x16xf32> to vector<16xf32>
        %add3A_405 = arith.addf %add3A_377, %get3A_404 : vector<16xf32>
        %add3A_406 = arith.constant 12 : i32
        %add3A_407 = arith.addi %mul3A_61, %add3A_406 : i32
        %get3A_408 = arith.index_cast %add3A_407 : i32 to index
        %get3A_409 = arith.constant 48 : index
        %get3A_410 = tpu.vector_load %arg7[%get3A_408, %get3A_409] {strides = array<i32>} : memref<400x64xf32, #tpu.memory_space<vmem>>, vector<1x16xf32>,
        %get3A_411 = vector.shape_cast %get3A_410 : vector<1x16xf32> to vector<16xf32>
        %add3A_412 = arith.addf %add3A_384, %get3A_411 : vector<16xf32>
        %add3A_413 = arith.constant 13 : i32
        %add3A_414 = arith.addi %mul3A_61, %add3A_413 : i32
        %get3A_415 = arith.index_cast %add3A_414 : i32 to index
        %get3A_416 = arith.constant 0 : index
        %get3A_417 = tpu.vector_load %arg7[%get3A_415, %get3A_416] {strides = array<i32>} : memref<400x64xf32, #tpu.memory_space<vmem>>, vector<1x16xf32>,
        %get3A_418 = vector.shape_cast %get3A_417 : vector<1x16xf32> to vector<16xf32>
        %add3A_419 = arith.addf %add3A_391, %get3A_418 : vector<16xf32>
        %add3A_420 = arith.constant 13 : i32
        %add3A_421 = arith.addi %mul3A_61, %add3A_420 : i32
        %get3A_422 = arith.index_cast %add3A_421 : i32 to index
        %get3A_423 = arith.constant 16 : index
        %get3A_424 = tpu.vector_load %arg7[%get3A_422, %get3A_423] {strides = array<i32>} : memref<400x64xf32, #tpu.memory_space<vmem>>, vector<1x16xf32>,
        %get3A_425 = vector.shape_cast %get3A_424 : vector<1x16xf32> to vector<16xf32>
        %add3A_426 = arith.addf %add3A_398, %get3A_425 : vector<16xf32>
        %add3A_427 = arith.constant 13 : i32
        %add3A_428 = arith.addi %mul3A_61, %add3A_427 : i32
        %get3A_429 = arith.index_cast %add3A_428 : i32 to index
        %get3A_430 = arith.constant 32 : index
        %get3A_431 = tpu.vector_load %arg7[%get3A_429, %get3A_430] {strides = array<i32>} : memref<400x64xf32, #tpu.memory_space<vmem>>, vector<1x16xf32>,
        %get3A_432 = vector.shape_cast %get3A_431 : vector<1x16xf32> to vector<16xf32>
        %add3A_433 = arith.addf %add3A_405, %get3A_432 : vector<16xf32>
        %add3A_434 = arith.constant 13 : i32
        %add3A_435 = arith.addi %mul3A_61, %add3A_434 : i32
        %get3A_436 = arith.index_cast %add3A_435 : i32 to index
        %get3A_437 = arith.constant 48 : index
        %get3A_438 = tpu.vector_load %arg7[%get3A_436, %get3A_437] {strides = array<i32>} : memref<400x64xf32, #tpu.memory_space<vmem>>, vector<1x16xf32>,
        %get3A_439 = vector.shape_cast %get3A_438 : vector<1x16xf32> to vector<16xf32>
        %add3A_440 = arith.addf %add3A_412, %get3A_439 : vector<16xf32>
        %add3A_441 = arith.constant 14 : i32
        %add3A_442 = arith.addi %mul3A_61, %add3A_441 : i32
        %get3A_443 = arith.index_cast %add3A_442 : i32 to index
        %get3A_444 = arith.constant 0 : index
        %get3A_445 = tpu.vector_load %arg7[%get3A_443, %get3A_444] {strides = array<i32>} : memref<400x64xf32, #tpu.memory_space<vmem>>, vector<1x16xf32>,
        %get3A_446 = vector.shape_cast %get3A_445 : vector<1x16xf32> to vector<16xf32>
        %add3A_447 = arith.addf %add3A_419, %get3A_446 : vector<16xf32>
        %add3A_448 = arith.constant 14 : i32
        %add3A_449 = arith.addi %mul3A_61, %add3A_448 : i32
        %get3A_450 = arith.index_cast %add3A_449 : i32 to index
        %get3A_451 = arith.constant 16 : index
        %get3A_452 = tpu.vector_load %arg7[%get3A_450, %get3A_451] {strides = array<i32>} : memref<400x64xf32, #tpu.memory_space<vmem>>, vector<1x16xf32>,
        %get3A_453 = vector.shape_cast %get3A_452 : vector<1x16xf32> to vector<16xf32>
        %add3A_454 = arith.addf %add3A_426, %get3A_453 : vector<16xf32>
        %add3A_455 = arith.constant 14 : i32
        %add3A_456 = arith.addi %mul3A_61, %add3A_455 : i32
        %get3A_457 = arith.index_cast %add3A_456 : i32 to index
        %get3A_458 = arith.constant 32 : index
        %get3A_459 = tpu.vector_load %arg7[%get3A_457, %get3A_458] {strides = array<i32>} : memref<400x64xf32, #tpu.memory_space<vmem>>, vector<1x16xf32>,
        %get3A_460 = vector.shape_cast %get3A_459 : vector<1x16xf32> to vector<16xf32>
        %add3A_461 = arith.addf %add3A_433, %get3A_460 : vector<16xf32>
        %add3A_462 = arith.constant 14 : i32
        %add3A_463 = arith.addi %mul3A_61, %add3A_462 : i32
        %get3A_464 = arith.index_cast %add3A_463 : i32 to index
        %get3A_465 = arith.constant 48 : index
        %get3A_466 = tpu.vector_load %arg7[%get3A_464, %get3A_465] {strides = array<i32>} : memref<400x64xf32, #tpu.memory_space<vmem>>, vector<1x16xf32>,
        %get3A_467 = vector.shape_cast %get3A_466 : vector<1x16xf32> to vector<16xf32>
        %add3A_468 = arith.addf %add3A_440, %get3A_467 : vector<16xf32>
        %add3A_469 = arith.constant 15 : i32
        %add3A_470 = arith.addi %mul3A_61, %add3A_469 : i32
        %get3A_471 = arith.index_cast %add3A_470 : i32 to index
        %get3A_472 = arith.constant 0 : index
        %get3A_473 = tpu.vector_load %arg7[%get3A_471, %get3A_472] {strides = array<i32>} : memref<400x64xf32, #tpu.memory_space<vmem>>, vector<1x16xf32>,
        %get3A_474 = vector.shape_cast %get3A_473 : vector<1x16xf32> to vector<16xf32>
        %add3A_475 = arith.addf %add3A_447, %get3A_474 : vector<16xf32>
        %add3A_476 = arith.constant 15 : i32
        %add3A_477 = arith.addi %mul3A_61, %add3A_476 : i32
        %get3A_478 = arith.index_cast %add3A_477 : i32 to index
        %get3A_479 = arith.constant 16 : index
        %get3A_480 = tpu.vector_load %arg7[%get3A_478, %get3A_479] {strides = array<i32>} : memref<400x64xf32, #tpu.memory_space<vmem>>, vector<1x16xf32>,
        %get3A_481 = vector.shape_cast %get3A_480 : vector<1x16xf32> to vector<16xf32>
        %add3A_482 = arith.addf %add3A_454, %get3A_481 : vector<16xf32>
        %add3A_483 = arith.constant 15 : i32
        %add3A_484 = arith.addi %mul3A_61, %add3A_483 : i32
        %get3A_485 = arith.index_cast %add3A_484 : i32 to index
        %get3A_486 = arith.constant 32 : index
        %get3A_487 = tpu.vector_load %arg7[%get3A_485, %get3A_486] {strides = array<i32>} : memref<400x64xf32, #tpu.memory_space<vmem>>, vector<1x16xf32>,
        %get3A_488 = vector.shape_cast %get3A_487 : vector<1x16xf32> to vector<16xf32>
        %add3A_489 = arith.addf %add3A_461, %get3A_488 : vector<16xf32>
        %add3A_490 = arith.constant 15 : i32
        %add3A_491 = arith.addi %mul3A_61, %add3A_490 : i32
        %get3A_492 = arith.index_cast %add3A_491 : i32 to index
        %get3A_493 = arith.constant 48 : index
        %get3A_494 = tpu.vector_load %arg7[%get3A_492, %get3A_493] {strides = array<i32>} : memref<400x64xf32, #tpu.memory_space<vmem>>, vector<1x16xf32>,
        %get3A_495 = vector.shape_cast %get3A_494 : vector<1x16xf32> to vector<16xf32>
        %add3A_496 = arith.addf %add3A_468, %get3A_495 : vector<16xf32>
        %add3A_497 = arith.constant 16 : i32
        %add3A_498 = arith.addi %mul3A_61, %add3A_497 : i32
        %get3A_499 = arith.index_cast %add3A_498 : i32 to index
        %get3A_500 = arith.constant 0 : index
        %get3A_501 = tpu.vector_load %arg7[%get3A_499, %get3A_500] {strides = array<i32>} : memref<400x64xf32, #tpu.memory_space<vmem>>, vector<1x16xf32>,
        %get3A_502 = vector.shape_cast %get3A_501 : vector<1x16xf32> to vector<16xf32>
        %add3A_503 = arith.addf %add3A_475, %get3A_502 : vector<16xf32>
        %add3A_504 = arith.constant 16 : i32
        %add3A_505 = arith.addi %mul3A_61, %add3A_504 : i32
        %get3A_506 = arith.index_cast %add3A_505 : i32 to index
        %get3A_507 = arith.constant 16 : index
        %get3A_508 = tpu.vector_load %arg7[%get3A_506, %get3A_507] {strides = array<i32>} : memref<400x64xf32, #tpu.memory_space<vmem>>, vector<1x16xf32>,
        %get3A_509 = vector.shape_cast %get3A_508 : vector<1x16xf32> to vector<16xf32>
        %add3A_510 = arith.addf %add3A_482, %get3A_509 : vector<16xf32>
        %add3A_511 = arith.constant 16 : i32
        %add3A_512 = arith.addi %mul3A_61, %add3A_511 : i32
        %get3A_513 = arith.index_cast %add3A_512 : i32 to index
        %get3A_514 = arith.constant 32 : index
        %get3A_515 = tpu.vector_load %arg7[%get3A_513, %get3A_514] {strides = array<i32>} : memref<400x64xf32, #tpu.memory_space<vmem>>, vector<1x16xf32>,
        %get3A_516 = vector.shape_cast %get3A_515 : vector<1x16xf32> to vector<16xf32>
        %add3A_517 = arith.addf %add3A_489, %get3A_516 : vector<16xf32>
        %add3A_518 = arith.constant 16 : i32
        %add3A_519 = arith.addi %mul3A_61, %add3A_518 : i32
        %get3A_520 = arith.index_cast %add3A_519 : i32 to index
        %get3A_521 = arith.constant 48 : index
        %get3A_522 = tpu.vector_load %arg7[%get3A_520, %get3A_521] {strides = array<i32>} : memref<400x64xf32, #tpu.memory_space<vmem>>, vector<1x16xf32>,
        %get3A_523 = vector.shape_cast %get3A_522 : vector<1x16xf32> to vector<16xf32>
        %add3A_524 = arith.addf %add3A_496, %get3A_523 : vector<16xf32>
        %add3A_525 = arith.constant 17 : i32
        %add3A_526 = arith.addi %mul3A_61, %add3A_525 : i32
        %get3A_527 = arith.index_cast %add3A_526 : i32 to index
        %get3A_528 = arith.constant 0 : index
        %get3A_529 = tpu.vector_load %arg7[%get3A_527, %get3A_528] {strides = array<i32>} : memref<400x64xf32, #tpu.memory_space<vmem>>, vector<1x16xf32>,
        %get3A_530 = vector.shape_cast %get3A_529 : vector<1x16xf32> to vector<16xf32>
        %add3A_531 = arith.addf %add3A_503, %get3A_530 : vector<16xf32>
        %add3A_532 = arith.constant 17 : i32
        %add3A_533 = arith.addi %mul3A_61, %add3A_532 : i32
        %get3A_534 = arith.index_cast %add3A_533 : i32 to index
        %get3A_535 = arith.constant 16 : index
        %get3A_536 = tpu.vector_load %arg7[%get3A_534, %get3A_535] {strides = array<i32>} : memref<400x64xf32, #tpu.memory_space<vmem>>, vector<1x16xf32>,
        %get3A_537 = vector.shape_cast %get3A_536 : vector<1x16xf32> to vector<16xf32>
        %add3A_538 = arith.addf %add3A_510, %get3A_537 : vector<16xf32>
        %add3A_539 = arith.constant 17 : i32
        %add3A_540 = arith.addi %mul3A_61, %add3A_539 : i32
        %get3A_541 = arith.index_cast %add3A_540 : i32 to index
        %get3A_542 = arith.constant 32 : index
        %get3A_543 = tpu.vector_load %arg7[%get3A_541, %get3A_542] {strides = array<i32>} : memref<400x64xf32, #tpu.memory_space<vmem>>, vector<1x16xf32>,
        %get3A_544 = vector.shape_cast %get3A_543 : vector<1x16xf32> to vector<16xf32>
        %add3A_545 = arith.addf %add3A_517, %get3A_544 : vector<16xf32>
        %add3A_546 = arith.constant 17 : i32
        %add3A_547 = arith.addi %mul3A_61, %add3A_546 : i32
        %get3A_548 = arith.index_cast %add3A_547 : i32 to index
        %get3A_549 = arith.constant 48 : index
        %get3A_550 = tpu.vector_load %arg7[%get3A_548, %get3A_549] {strides = array<i32>} : memref<400x64xf32, #tpu.memory_space<vmem>>, vector<1x16xf32>,
        %get3A_551 = vector.shape_cast %get3A_550 : vector<1x16xf32> to vector<16xf32>
        %add3A_552 = arith.addf %add3A_524, %get3A_551 : vector<16xf32>
        %add3A_553 = arith.constant 18 : i32
        %add3A_554 = arith.addi %mul3A_61, %add3A_553 : i32
        %get3A_555 = arith.index_cast %add3A_554 : i32 to index
        %get3A_556 = arith.constant 0 : index
        %get3A_557 = tpu.vector_load %arg7[%get3A_555, %get3A_556] {strides = array<i32>} : memref<400x64xf32, #tpu.memory_space<vmem>>, vector<1x16xf32>,
        %get3A_558 = vector.shape_cast %get3A_557 : vector<1x16xf32> to vector<16xf32>
        %add3A_559 = arith.addf %add3A_531, %get3A_558 : vector<16xf32>
        %add3A_560 = arith.constant 18 : i32
        %add3A_561 = arith.addi %mul3A_61, %add3A_560 : i32
        %get3A_562 = arith.index_cast %add3A_561 : i32 to index
        %get3A_563 = arith.constant 16 : index
        %get3A_564 = tpu.vector_load %arg7[%get3A_562, %get3A_563] {strides = array<i32>} : memref<400x64xf32, #tpu.memory_space<vmem>>, vector<1x16xf32>,
        %get3A_565 = vector.shape_cast %get3A_564 : vector<1x16xf32> to vector<16xf32>
        %add3A_566 = arith.addf %add3A_538, %get3A_565 : vector<16xf32>
        %add3A_567 = arith.constant 18 : i32
        %add3A_568 = arith.addi %mul3A_61, %add3A_567 : i32
        %get3A_569 = arith.index_cast %add3A_568 : i32 to index
        %get3A_570 = arith.constant 32 : index
        %get3A_571 = tpu.vector_load %arg7[%get3A_569, %get3A_570] {strides = array<i32>} : memref<400x64xf32, #tpu.memory_space<vmem>>, vector<1x16xf32>,
        %get3A_572 = vector.shape_cast %get3A_571 : vector<1x16xf32> to vector<16xf32>
        %add3A_573 = arith.addf %add3A_545, %get3A_572 : vector<16xf32>
        %add3A_574 = arith.constant 18 : i32
        %add3A_575 = arith.addi %mul3A_61, %add3A_574 : i32
        %get3A_576 = arith.index_cast %add3A_575 : i32 to index
        %get3A_577 = arith.constant 48 : index
        %get3A_578 = tpu.vector_load %arg7[%get3A_576, %get3A_577] {strides = array<i32>} : memref<400x64xf32, #tpu.memory_space<vmem>>, vector<1x16xf32>,
        %get3A_579 = vector.shape_cast %get3A_578 : vector<1x16xf32> to vector<16xf32>
        %add3A_580 = arith.addf %add3A_552, %get3A_579 : vector<16xf32>
        %add3A_581 = arith.constant 19 : i32
        %add3A_582 = arith.addi %mul3A_61, %add3A_581 : i32
        %get3A_583 = arith.index_cast %add3A_582 : i32 to index
        %get3A_584 = arith.constant 0 : index
        %get3A_585 = tpu.vector_load %arg7[%get3A_583, %get3A_584] {strides = array<i32>} : memref<400x64xf32, #tpu.memory_space<vmem>>, vector<1x16xf32>,
        %get3A_586 = vector.shape_cast %get3A_585 : vector<1x16xf32> to vector<16xf32>
        %add3A_587 = arith.addf %add3A_559, %get3A_586 : vector<16xf32>
        %add3A_588 = arith.constant 19 : i32
        %add3A_589 = arith.addi %mul3A_61, %add3A_588 : i32
        %get3A_590 = arith.index_cast %add3A_589 : i32 to index
        %get3A_591 = arith.constant 16 : index
        %get3A_592 = tpu.vector_load %arg7[%get3A_590, %get3A_591] {strides = array<i32>} : memref<400x64xf32, #tpu.memory_space<vmem>>, vector<1x16xf32>,
        %get3A_593 = vector.shape_cast %get3A_592 : vector<1x16xf32> to vector<16xf32>
        %add3A_594 = arith.addf %add3A_566, %get3A_593 : vector<16xf32>
        %add3A_595 = arith.constant 19 : i32
        %add3A_596 = arith.addi %mul3A_61, %add3A_595 : i32
        %get3A_597 = arith.index_cast %add3A_596 : i32 to index
        %get3A_598 = arith.constant 32 : index
        %get3A_599 = tpu.vector_load %arg7[%get3A_597, %get3A_598] {strides = array<i32>} : memref<400x64xf32, #tpu.memory_space<vmem>>, vector<1x16xf32>,
        %get3A_600 = vector.shape_cast %get3A_599 : vector<1x16xf32> to vector<16xf32>
        %add3A_601 = arith.addf %add3A_573, %get3A_600 : vector<16xf32>
        %add3A_602 = arith.constant 19 : i32
        %add3A_603 = arith.addi %mul3A_61, %add3A_602 : i32
        %get3A_604 = arith.index_cast %add3A_603 : i32 to index
        %get3A_605 = arith.constant 48 : index
        %get3A_606 = tpu.vector_load %arg7[%get3A_604, %get3A_605] {strides = array<i32>} : memref<400x64xf32, #tpu.memory_space<vmem>>, vector<1x16xf32>,
        %get3A_607 = vector.shape_cast %get3A_606 : vector<1x16xf32> to vector<16xf32>
        %add3A_608 = arith.addf %add3A_580, %get3A_607 : vector<16xf32>
        %add3A_609 = arith.constant 20 : i32
        %add3A_610 = arith.addi %mul3A_61, %add3A_609 : i32
        %get3A_611 = arith.index_cast %add3A_610 : i32 to index
        %get3A_612 = arith.constant 0 : index
        %get3A_613 = tpu.vector_load %arg7[%get3A_611, %get3A_612] {strides = array<i32>} : memref<400x64xf32, #tpu.memory_space<vmem>>, vector<1x16xf32>,
        %get3A_614 = vector.shape_cast %get3A_613 : vector<1x16xf32> to vector<16xf32>
        %add3A_615 = arith.addf %add3A_587, %get3A_614 : vector<16xf32>
        %add3A_616 = arith.constant 20 : i32
        %add3A_617 = arith.addi %mul3A_61, %add3A_616 : i32
        %get3A_618 = arith.index_cast %add3A_617 : i32 to index
        %get3A_619 = arith.constant 16 : index
        %get3A_620 = tpu.vector_load %arg7[%get3A_618, %get3A_619] {strides = array<i32>} : memref<400x64xf32, #tpu.memory_space<vmem>>, vector<1x16xf32>,
        %get3A_621 = vector.shape_cast %get3A_620 : vector<1x16xf32> to vector<16xf32>
        %add3A_622 = arith.addf %add3A_594, %get3A_621 : vector<16xf32>
        %add3A_623 = arith.constant 20 : i32
        %add3A_624 = arith.addi %mul3A_61, %add3A_623 : i32
        %get3A_625 = arith.index_cast %add3A_624 : i32 to index
        %get3A_626 = arith.constant 32 : index
        %get3A_627 = tpu.vector_load %arg7[%get3A_625, %get3A_626] {strides = array<i32>} : memref<400x64xf32, #tpu.memory_space<vmem>>, vector<1x16xf32>,
        %get3A_628 = vector.shape_cast %get3A_627 : vector<1x16xf32> to vector<16xf32>
        %add3A_629 = arith.addf %add3A_601, %get3A_628 : vector<16xf32>
        %add3A_630 = arith.constant 20 : i32
        %add3A_631 = arith.addi %mul3A_61, %add3A_630 : i32
        %get3A_632 = arith.index_cast %add3A_631 : i32 to index
        %get3A_633 = arith.constant 48 : index
        %get3A_634 = tpu.vector_load %arg7[%get3A_632, %get3A_633] {strides = array<i32>} : memref<400x64xf32, #tpu.memory_space<vmem>>, vector<1x16xf32>,
        %get3A_635 = vector.shape_cast %get3A_634 : vector<1x16xf32> to vector<16xf32>
        %add3A_636 = arith.addf %add3A_608, %get3A_635 : vector<16xf32>
        %add3A_637 = arith.constant 21 : i32
        %add3A_638 = arith.addi %mul3A_61, %add3A_637 : i32
        %get3A_639 = arith.index_cast %add3A_638 : i32 to index
        %get3A_640 = arith.constant 0 : index
        %get3A_641 = tpu.vector_load %arg7[%get3A_639, %get3A_640] {strides = array<i32>} : memref<400x64xf32, #tpu.memory_space<vmem>>, vector<1x16xf32>,
        %get3A_642 = vector.shape_cast %get3A_641 : vector<1x16xf32> to vector<16xf32>
        %add3A_643 = arith.addf %add3A_615, %get3A_642 : vector<16xf32>
        %add3A_644 = arith.constant 21 : i32
        %add3A_645 = arith.addi %mul3A_61, %add3A_644 : i32
        %get3A_646 = arith.index_cast %add3A_645 : i32 to index
        %get3A_647 = arith.constant 16 : index
        %get3A_648 = tpu.vector_load %arg7[%get3A_646, %get3A_647] {strides = array<i32>} : memref<400x64xf32, #tpu.memory_space<vmem>>, vector<1x16xf32>,
        %get3A_649 = vector.shape_cast %get3A_648 : vector<1x16xf32> to vector<16xf32>
        %add3A_650 = arith.addf %add3A_622, %get3A_649 : vector<16xf32>
        %add3A_651 = arith.constant 21 : i32
        %add3A_652 = arith.addi %mul3A_61, %add3A_651 : i32
        %get3A_653 = arith.index_cast %add3A_652 : i32 to index
        %get3A_654 = arith.constant 32 : index
        %get3A_655 = tpu.vector_load %arg7[%get3A_653, %get3A_654] {strides = array<i32>} : memref<400x64xf32, #tpu.memory_space<vmem>>, vector<1x16xf32>,
        %get3A_656 = vector.shape_cast %get3A_655 : vector<1x16xf32> to vector<16xf32>
        %add3A_657 = arith.addf %add3A_629, %get3A_656 : vector<16xf32>
        %add3A_658 = arith.constant 21 : i32
        %add3A_659 = arith.addi %mul3A_61, %add3A_658 : i32
        %get3A_660 = arith.index_cast %add3A_659 : i32 to index
        %get3A_661 = arith.constant 48 : index
        %get3A_662 = tpu.vector_load %arg7[%get3A_660, %get3A_661] {strides = array<i32>} : memref<400x64xf32, #tpu.memory_space<vmem>>, vector<1x16xf32>,
        %get3A_663 = vector.shape_cast %get3A_662 : vector<1x16xf32> to vector<16xf32>
        %add3A_664 = arith.addf %add3A_636, %get3A_663 : vector<16xf32>
        %add3A_665 = arith.constant 22 : i32
        %add3A_666 = arith.addi %mul3A_61, %add3A_665 : i32
        %get3A_667 = arith.index_cast %add3A_666 : i32 to index
        %get3A_668 = arith.constant 0 : index
        %get3A_669 = tpu.vector_load %arg7[%get3A_667, %get3A_668] {strides = array<i32>} : memref<400x64xf32, #tpu.memory_space<vmem>>, vector<1x16xf32>,
        %get3A_670 = vector.shape_cast %get3A_669 : vector<1x16xf32> to vector<16xf32>
        %add3A_671 = arith.addf %add3A_643, %get3A_670 : vector<16xf32>
        %add3A_672 = arith.constant 22 : i32
        %add3A_673 = arith.addi %mul3A_61, %add3A_672 : i32
        %get3A_674 = arith.index_cast %add3A_673 : i32 to index
        %get3A_675 = arith.constant 16 : index
        %get3A_676 = tpu.vector_load %arg7[%get3A_674, %get3A_675] {strides = array<i32>} : memref<400x64xf32, #tpu.memory_space<vmem>>, vector<1x16xf32>,
        %get3A_677 = vector.shape_cast %get3A_676 : vector<1x16xf32> to vector<16xf32>
        %add3A_678 = arith.addf %add3A_650, %get3A_677 : vector<16xf32>
        %add3A_679 = arith.constant 22 : i32
        %add3A_680 = arith.addi %mul3A_61, %add3A_679 : i32
        %get3A_681 = arith.index_cast %add3A_680 : i32 to index
        %get3A_682 = arith.constant 32 : index
        %get3A_683 = tpu.vector_load %arg7[%get3A_681, %get3A_682] {strides = array<i32>} : memref<400x64xf32, #tpu.memory_space<vmem>>, vector<1x16xf32>,
        %get3A_684 = vector.shape_cast %get3A_683 : vector<1x16xf32> to vector<16xf32>
        %add3A_685 = arith.addf %add3A_657, %get3A_684 : vector<16xf32>
        %add3A_686 = arith.constant 22 : i32
        %add3A_687 = arith.addi %mul3A_61, %add3A_686 : i32
        %get3A_688 = arith.index_cast %add3A_687 : i32 to index
        %get3A_689 = arith.constant 48 : index
        %get3A_690 = tpu.vector_load %arg7[%get3A_688, %get3A_689] {strides = array<i32>} : memref<400x64xf32, #tpu.memory_space<vmem>>, vector<1x16xf32>,
        %get3A_691 = vector.shape_cast %get3A_690 : vector<1x16xf32> to vector<16xf32>
        %add3A_692 = arith.addf %add3A_664, %get3A_691 : vector<16xf32>
        %add3A_693 = arith.constant 23 : i32
        %add3A_694 = arith.addi %mul3A_61, %add3A_693 : i32
        %get3A_695 = arith.index_cast %add3A_694 : i32 to index
        %get3A_696 = arith.constant 0 : index
        %get3A_697 = tpu.vector_load %arg7[%get3A_695, %get3A_696] {strides = array<i32>} : memref<400x64xf32, #tpu.memory_space<vmem>>, vector<1x16xf32>,
        %get3A_698 = vector.shape_cast %get3A_697 : vector<1x16xf32> to vector<16xf32>
        %add3A_699 = arith.addf %add3A_671, %get3A_698 : vector<16xf32>
        %add3A_700 = arith.constant 23 : i32
        %add3A_701 = arith.addi %mul3A_61, %add3A_700 : i32
        %get3A_702 = arith.index_cast %add3A_701 : i32 to index
        %get3A_703 = arith.constant 16 : index
        %get3A_704 = tpu.vector_load %arg7[%get3A_702, %get3A_703] {strides = array<i32>} : memref<400x64xf32, #tpu.memory_space<vmem>>, vector<1x16xf32>,
        %get3A_705 = vector.shape_cast %get3A_704 : vector<1x16xf32> to vector<16xf32>
        %add3A_706 = arith.addf %add3A_678, %get3A_705 : vector<16xf32>
        %add3A_707 = arith.constant 23 : i32
        %add3A_708 = arith.addi %mul3A_61, %add3A_707 : i32
        %get3A_709 = arith.index_cast %add3A_708 : i32 to index
        %get3A_710 = arith.constant 32 : index
        %get3A_711 = tpu.vector_load %arg7[%get3A_709, %get3A_710] {strides = array<i32>} : memref<400x64xf32, #tpu.memory_space<vmem>>, vector<1x16xf32>,
        %get3A_712 = vector.shape_cast %get3A_711 : vector<1x16xf32> to vector<16xf32>
        %add3A_713 = arith.addf %add3A_685, %get3A_712 : vector<16xf32>
        %add3A_714 = arith.constant 23 : i32
        %add3A_715 = arith.addi %mul3A_61, %add3A_714 : i32
        %get3A_716 = arith.index_cast %add3A_715 : i32 to index
        %get3A_717 = arith.constant 48 : index
        %get3A_718 = tpu.vector_load %arg7[%get3A_716, %get3A_717] {strides = array<i32>} : memref<400x64xf32, #tpu.memory_space<vmem>>, vector<1x16xf32>,
        %get3A_719 = vector.shape_cast %get3A_718 : vector<1x16xf32> to vector<16xf32>
        %add3A_720 = arith.addf %add3A_692, %get3A_719 : vector<16xf32>
        %add3A_721 = arith.constant 24 : i32
        %add3A_722 = arith.addi %mul3A_61, %add3A_721 : i32
        %get3A_723 = arith.index_cast %add3A_722 : i32 to index
        %get3A_724 = arith.constant 0 : index
        %get3A_725 = tpu.vector_load %arg7[%get3A_723, %get3A_724] {strides = array<i32>} : memref<400x64xf32, #tpu.memory_space<vmem>>, vector<1x16xf32>,
        %get3A_726 = vector.shape_cast %get3A_725 : vector<1x16xf32> to vector<16xf32>
        %add3A_727 = arith.addf %add3A_699, %get3A_726 : vector<16xf32>
        %add3A_728 = arith.constant 24 : i32
        %add3A_729 = arith.addi %mul3A_61, %add3A_728 : i32
        %get3A_730 = arith.index_cast %add3A_729 : i32 to index
        %get3A_731 = arith.constant 16 : index
        %get3A_732 = tpu.vector_load %arg7[%get3A_730, %get3A_731] {strides = array<i32>} : memref<400x64xf32, #tpu.memory_space<vmem>>, vector<1x16xf32>,
        %get3A_733 = vector.shape_cast %get3A_732 : vector<1x16xf32> to vector<16xf32>
        %add3A_734 = arith.addf %add3A_706, %get3A_733 : vector<16xf32>
        %add3A_735 = arith.constant 24 : i32
        %add3A_736 = arith.addi %mul3A_61, %add3A_735 : i32
        %get3A_737 = arith.index_cast %add3A_736 : i32 to index
        %get3A_738 = arith.constant 32 : index
        %get3A_739 = tpu.vector_load %arg7[%get3A_737, %get3A_738] {strides = array<i32>} : memref<400x64xf32, #tpu.memory_space<vmem>>, vector<1x16xf32>,
        %get3A_740 = vector.shape_cast %get3A_739 : vector<1x16xf32> to vector<16xf32>
        %add3A_741 = arith.addf %add3A_713, %get3A_740 : vector<16xf32>
        %add3A_742 = arith.constant 24 : i32
        %add3A_743 = arith.addi %mul3A_61, %add3A_742 : i32
        %get3A_744 = arith.index_cast %add3A_743 : i32 to index
        %get3A_745 = arith.constant 48 : index
        %get3A_746 = tpu.vector_load %arg7[%get3A_744, %get3A_745] {strides = array<i32>} : memref<400x64xf32, #tpu.memory_space<vmem>>, vector<1x16xf32>,
        %get3A_747 = vector.shape_cast %get3A_746 : vector<1x16xf32> to vector<16xf32>
        %add3A_748 = arith.addf %add3A_720, %get3A_747 : vector<16xf32>
        %add3A_749 = arith.constant 25 : i32
        %add3A_750 = arith.addi %mul3A_61, %add3A_749 : i32
        %get3A_751 = arith.index_cast %add3A_750 : i32 to index
        %get3A_752 = arith.constant 0 : index
        %get3A_753 = tpu.vector_load %arg7[%get3A_751, %get3A_752] {strides = array<i32>} : memref<400x64xf32, #tpu.memory_space<vmem>>, vector<1x16xf32>,
        %get3A_754 = vector.shape_cast %get3A_753 : vector<1x16xf32> to vector<16xf32>
        %add3A_755 = arith.addf %add3A_727, %get3A_754 : vector<16xf32>
        %add3A_756 = arith.constant 25 : i32
        %add3A_757 = arith.addi %mul3A_61, %add3A_756 : i32
        %get3A_758 = arith.index_cast %add3A_757 : i32 to index
        %get3A_759 = arith.constant 16 : index
        %get3A_760 = tpu.vector_load %arg7[%get3A_758, %get3A_759] {strides = array<i32>} : memref<400x64xf32, #tpu.memory_space<vmem>>, vector<1x16xf32>,
        %get3A_761 = vector.shape_cast %get3A_760 : vector<1x16xf32> to vector<16xf32>
        %add3A_762 = arith.addf %add3A_734, %get3A_761 : vector<16xf32>
        %add3A_763 = arith.constant 25 : i32
        %add3A_764 = arith.addi %mul3A_61, %add3A_763 : i32
        %get3A_765 = arith.index_cast %add3A_764 : i32 to index
        %get3A_766 = arith.constant 32 : index
        %get3A_767 = tpu.vector_load %arg7[%get3A_765, %get3A_766] {strides = array<i32>} : memref<400x64xf32, #tpu.memory_space<vmem>>, vector<1x16xf32>,
        %get3A_768 = vector.shape_cast %get3A_767 : vector<1x16xf32> to vector<16xf32>
        %add3A_769 = arith.addf %add3A_741, %get3A_768 : vector<16xf32>
        %add3A_770 = arith.constant 25 : i32
        %add3A_771 = arith.addi %mul3A_61, %add3A_770 : i32
        %get3A_772 = arith.index_cast %add3A_771 : i32 to index
        %get3A_773 = arith.constant 48 : index
        %get3A_774 = tpu.vector_load %arg7[%get3A_772, %get3A_773] {strides = array<i32>} : memref<400x64xf32, #tpu.memory_space<vmem>>, vector<1x16xf32>,
        %get3A_775 = vector.shape_cast %get3A_774 : vector<1x16xf32> to vector<16xf32>
        %add3A_776 = arith.addf %add3A_748, %get3A_775 : vector<16xf32>
        %add3A_777 = arith.constant 26 : i32
        %add3A_778 = arith.addi %mul3A_61, %add3A_777 : i32
        %get3A_779 = arith.index_cast %add3A_778 : i32 to index
        %get3A_780 = arith.constant 0 : index
        %get3A_781 = tpu.vector_load %arg7[%get3A_779, %get3A_780] {strides = array<i32>} : memref<400x64xf32, #tpu.memory_space<vmem>>, vector<1x16xf32>,
        %get3A_782 = vector.shape_cast %get3A_781 : vector<1x16xf32> to vector<16xf32>
        %add3A_783 = arith.addf %add3A_755, %get3A_782 : vector<16xf32>
        %add3A_784 = arith.constant 26 : i32
        %add3A_785 = arith.addi %mul3A_61, %add3A_784 : i32
        %get3A_786 = arith.index_cast %add3A_785 : i32 to index
        %get3A_787 = arith.constant 16 : index
        %get3A_788 = tpu.vector_load %arg7[%get3A_786, %get3A_787] {strides = array<i32>} : memref<400x64xf32, #tpu.memory_space<vmem>>, vector<1x16xf32>,
        %get3A_789 = vector.shape_cast %get3A_788 : vector<1x16xf32> to vector<16xf32>
        %add3A_790 = arith.addf %add3A_762, %get3A_789 : vector<16xf32>
        %add3A_791 = arith.constant 26 : i32
        %add3A_792 = arith.addi %mul3A_61, %add3A_791 : i32
        %get3A_793 = arith.index_cast %add3A_792 : i32 to index
        %get3A_794 = arith.constant 32 : index
        %get3A_795 = tpu.vector_load %arg7[%get3A_793, %get3A_794] {strides = array<i32>} : memref<400x64xf32, #tpu.memory_space<vmem>>, vector<1x16xf32>,
        %get3A_796 = vector.shape_cast %get3A_795 : vector<1x16xf32> to vector<16xf32>
        %add3A_797 = arith.addf %add3A_769, %get3A_796 : vector<16xf32>
        %add3A_798 = arith.constant 26 : i32
        %add3A_799 = arith.addi %mul3A_61, %add3A_798 : i32
        %get3A_800 = arith.index_cast %add3A_799 : i32 to index
        %get3A_801 = arith.constant 48 : index
        %get3A_802 = tpu.vector_load %arg7[%get3A_800, %get3A_801] {strides = array<i32>} : memref<400x64xf32, #tpu.memory_space<vmem>>, vector<1x16xf32>,
        %get3A_803 = vector.shape_cast %get3A_802 : vector<1x16xf32> to vector<16xf32>
        %add3A_804 = arith.addf %add3A_776, %get3A_803 : vector<16xf32>
        %add3A_805 = arith.constant 27 : i32
        %add3A_806 = arith.addi %mul3A_61, %add3A_805 : i32
        %get3A_807 = arith.index_cast %add3A_806 : i32 to index
        %get3A_808 = arith.constant 0 : index
        %get3A_809 = tpu.vector_load %arg7[%get3A_807, %get3A_808] {strides = array<i32>} : memref<400x64xf32, #tpu.memory_space<vmem>>, vector<1x16xf32>,
        %get3A_810 = vector.shape_cast %get3A_809 : vector<1x16xf32> to vector<16xf32>
        %add3A_811 = arith.addf %add3A_783, %get3A_810 : vector<16xf32>
        %add3A_812 = arith.constant 27 : i32
        %add3A_813 = arith.addi %mul3A_61, %add3A_812 : i32
        %get3A_814 = arith.index_cast %add3A_813 : i32 to index
        %get3A_815 = arith.constant 16 : index
        %get3A_816 = tpu.vector_load %arg7[%get3A_814, %get3A_815] {strides = array<i32>} : memref<400x64xf32, #tpu.memory_space<vmem>>, vector<1x16xf32>,
        %get3A_817 = vector.shape_cast %get3A_816 : vector<1x16xf32> to vector<16xf32>
        %add3A_818 = arith.addf %add3A_790, %get3A_817 : vector<16xf32>
        %add3A_819 = arith.constant 27 : i32
        %add3A_820 = arith.addi %mul3A_61, %add3A_819 : i32
        %get3A_821 = arith.index_cast %add3A_820 : i32 to index
        %get3A_822 = arith.constant 32 : index
        %get3A_823 = tpu.vector_load %arg7[%get3A_821, %get3A_822] {strides = array<i32>} : memref<400x64xf32, #tpu.memory_space<vmem>>, vector<1x16xf32>,
        %get3A_824 = vector.shape_cast %get3A_823 : vector<1x16xf32> to vector<16xf32>
        %add3A_825 = arith.addf %add3A_797, %get3A_824 : vector<16xf32>
        %add3A_826 = arith.constant 27 : i32
        %add3A_827 = arith.addi %mul3A_61, %add3A_826 : i32
        %get3A_828 = arith.index_cast %add3A_827 : i32 to index
        %get3A_829 = arith.constant 48 : index
        %get3A_830 = tpu.vector_load %arg7[%get3A_828, %get3A_829] {strides = array<i32>} : memref<400x64xf32, #tpu.memory_space<vmem>>, vector<1x16xf32>,
        %get3A_831 = vector.shape_cast %get3A_830 : vector<1x16xf32> to vector<16xf32>
        %add3A_832 = arith.addf %add3A_804, %get3A_831 : vector<16xf32>
        %add3A_833 = arith.constant 28 : i32
        %add3A_834 = arith.addi %mul3A_61, %add3A_833 : i32
        %get3A_835 = arith.index_cast %add3A_834 : i32 to index
        %get3A_836 = arith.constant 0 : index
        %get3A_837 = tpu.vector_load %arg7[%get3A_835, %get3A_836] {strides = array<i32>} : memref<400x64xf32, #tpu.memory_space<vmem>>, vector<1x16xf32>,
        %get3A_838 = vector.shape_cast %get3A_837 : vector<1x16xf32> to vector<16xf32>
        %add3A_839 = arith.addf %add3A_811, %get3A_838 : vector<16xf32>
        %add3A_840 = arith.constant 28 : i32
        %add3A_841 = arith.addi %mul3A_61, %add3A_840 : i32
        %get3A_842 = arith.index_cast %add3A_841 : i32 to index
        %get3A_843 = arith.constant 16 : index
        %get3A_844 = tpu.vector_load %arg7[%get3A_842, %get3A_843] {strides = array<i32>} : memref<400x64xf32, #tpu.memory_space<vmem>>, vector<1x16xf32>,
        %get3A_845 = vector.shape_cast %get3A_844 : vector<1x16xf32> to vector<16xf32>
        %add3A_846 = arith.addf %add3A_818, %get3A_845 : vector<16xf32>
        %add3A_847 = arith.constant 28 : i32
        %add3A_848 = arith.addi %mul3A_61, %add3A_847 : i32
        %get3A_849 = arith.index_cast %add3A_848 : i32 to index
        %get3A_850 = arith.constant 32 : index
        %get3A_851 = tpu.vector_load %arg7[%get3A_849, %get3A_850] {strides = array<i32>} : memref<400x64xf32, #tpu.memory_space<vmem>>, vector<1x16xf32>,
        %get3A_852 = vector.shape_cast %get3A_851 : vector<1x16xf32> to vector<16xf32>
        %add3A_853 = arith.addf %add3A_825, %get3A_852 : vector<16xf32>
        %add3A_854 = arith.constant 28 : i32
        %add3A_855 = arith.addi %mul3A_61, %add3A_854 : i32
        %get3A_856 = arith.index_cast %add3A_855 : i32 to index
        %get3A_857 = arith.constant 48 : index
        %get3A_858 = tpu.vector_load %arg7[%get3A_856, %get3A_857] {strides = array<i32>} : memref<400x64xf32, #tpu.memory_space<vmem>>, vector<1x16xf32>,
        %get3A_859 = vector.shape_cast %get3A_858 : vector<1x16xf32> to vector<16xf32>
        %add3A_860 = arith.addf %add3A_832, %get3A_859 : vector<16xf32>
        %add3A_861 = arith.constant 29 : i32
        %add3A_862 = arith.addi %mul3A_61, %add3A_861 : i32
        %get3A_863 = arith.index_cast %add3A_862 : i32 to index
        %get3A_864 = arith.constant 0 : index
        %get3A_865 = tpu.vector_load %arg7[%get3A_863, %get3A_864] {strides = array<i32>} : memref<400x64xf32, #tpu.memory_space<vmem>>, vector<1x16xf32>,
        %get3A_866 = vector.shape_cast %get3A_865 : vector<1x16xf32> to vector<16xf32>
        %add3A_867 = arith.addf %add3A_839, %get3A_866 : vector<16xf32>
        %add3A_868 = arith.constant 29 : i32
        %add3A_869 = arith.addi %mul3A_61, %add3A_868 : i32
        %get3A_870 = arith.index_cast %add3A_869 : i32 to index
        %get3A_871 = arith.constant 16 : index
        %get3A_872 = tpu.vector_load %arg7[%get3A_870, %get3A_871] {strides = array<i32>} : memref<400x64xf32, #tpu.memory_space<vmem>>, vector<1x16xf32>,
        %get3A_873 = vector.shape_cast %get3A_872 : vector<1x16xf32> to vector<16xf32>
        %add3A_874 = arith.addf %add3A_846, %get3A_873 : vector<16xf32>
        %add3A_875 = arith.constant 29 : i32
        %add3A_876 = arith.addi %mul3A_61, %add3A_875 : i32
        %get3A_877 = arith.index_cast %add3A_876 : i32 to index
        %get3A_878 = arith.constant 32 : index
        %get3A_879 = tpu.vector_load %arg7[%get3A_877, %get3A_878] {strides = array<i32>} : memref<400x64xf32, #tpu.memory_space<vmem>>, vector<1x16xf32>,
        %get3A_880 = vector.shape_cast %get3A_879 : vector<1x16xf32> to vector<16xf32>
        %add3A_881 = arith.addf %add3A_853, %get3A_880 : vector<16xf32>
        %add3A_882 = arith.constant 29 : i32
        %add3A_883 = arith.addi %mul3A_61, %add3A_882 : i32
        %get3A_884 = arith.index_cast %add3A_883 : i32 to index
        %get3A_885 = arith.constant 48 : index
        %get3A_886 = tpu.vector_load %arg7[%get3A_884, %get3A_885] {strides = array<i32>} : memref<400x64xf32, #tpu.memory_space<vmem>>, vector<1x16xf32>,
        %get3A_887 = vector.shape_cast %get3A_886 : vector<1x16xf32> to vector<16xf32>
        %add3A_888 = arith.addf %add3A_860, %get3A_887 : vector<16xf32>
        %add3A_889 = arith.constant 30 : i32
        %add3A_890 = arith.addi %mul3A_61, %add3A_889 : i32
        %get3A_891 = arith.index_cast %add3A_890 : i32 to index
        %get3A_892 = arith.constant 0 : index
        %get3A_893 = tpu.vector_load %arg7[%get3A_891, %get3A_892] {strides = array<i32>} : memref<400x64xf32, #tpu.memory_space<vmem>>, vector<1x16xf32>,
        %get3A_894 = vector.shape_cast %get3A_893 : vector<1x16xf32> to vector<16xf32>
        %add3A_895 = arith.addf %add3A_867, %get3A_894 : vector<16xf32>
        %add3A_896 = arith.constant 30 : i32
        %add3A_897 = arith.addi %mul3A_61, %add3A_896 : i32
        %get3A_898 = arith.index_cast %add3A_897 : i32 to index
        %get3A_899 = arith.constant 16 : index
        %get3A_900 = tpu.vector_load %arg7[%get3A_898, %get3A_899] {strides = array<i32>} : memref<400x64xf32, #tpu.memory_space<vmem>>, vector<1x16xf32>,
        %get3A_901 = vector.shape_cast %get3A_900 : vector<1x16xf32> to vector<16xf32>
        %add3A_902 = arith.addf %add3A_874, %get3A_901 : vector<16xf32>
        %add3A_903 = arith.constant 30 : i32
        %add3A_904 = arith.addi %mul3A_61, %add3A_903 : i32
        %get3A_905 = arith.index_cast %add3A_904 : i32 to index
        %get3A_906 = arith.constant 32 : index
        %get3A_907 = tpu.vector_load %arg7[%get3A_905, %get3A_906] {strides = array<i32>} : memref<400x64xf32, #tpu.memory_space<vmem>>, vector<1x16xf32>,
        %get3A_908 = vector.shape_cast %get3A_907 : vector<1x16xf32> to vector<16xf32>
        %add3A_909 = arith.addf %add3A_881, %get3A_908 : vector<16xf32>
        %add3A_910 = arith.constant 30 : i32
        %add3A_911 = arith.addi %mul3A_61, %add3A_910 : i32
        %get3A_912 = arith.index_cast %add3A_911 : i32 to index
        %get3A_913 = arith.constant 48 : index
        %get3A_914 = tpu.vector_load %arg7[%get3A_912, %get3A_913] {strides = array<i32>} : memref<400x64xf32, #tpu.memory_space<vmem>>, vector<1x16xf32>,
        %get3A_915 = vector.shape_cast %get3A_914 : vector<1x16xf32> to vector<16xf32>
        %add3A_916 = arith.addf %add3A_888, %get3A_915 : vector<16xf32>
        %add3A_917 = arith.constant 31 : i32
        %add3A_918 = arith.addi %mul3A_61, %add3A_917 : i32
        %get3A_919 = arith.index_cast %add3A_918 : i32 to index
        %get3A_920 = arith.constant 0 : index
        %get3A_921 = tpu.vector_load %arg7[%get3A_919, %get3A_920] {strides = array<i32>} : memref<400x64xf32, #tpu.memory_space<vmem>>, vector<1x16xf32>,
        %get3A_922 = vector.shape_cast %get3A_921 : vector<1x16xf32> to vector<16xf32>
        %add3A_923 = arith.addf %add3A_895, %get3A_922 : vector<16xf32>
        %add3A_924 = arith.constant 31 : i32
        %add3A_925 = arith.addi %mul3A_61, %add3A_924 : i32
        %get3A_926 = arith.index_cast %add3A_925 : i32 to index
        %get3A_927 = arith.constant 16 : index
        %get3A_928 = tpu.vector_load %arg7[%get3A_926, %get3A_927] {strides = array<i32>} : memref<400x64xf32, #tpu.memory_space<vmem>>, vector<1x16xf32>,
        %get3A_929 = vector.shape_cast %get3A_928 : vector<1x16xf32> to vector<16xf32>
        %add3A_930 = arith.addf %add3A_902, %get3A_929 : vector<16xf32>
        %add3A_931 = arith.constant 31 : i32
        %add3A_932 = arith.addi %mul3A_61, %add3A_931 : i32
        %get3A_933 = arith.index_cast %add3A_932 : i32 to index
        %get3A_934 = arith.constant 32 : index
        %get3A_935 = tpu.vector_load %arg7[%get3A_933, %get3A_934] {strides = array<i32>} : memref<400x64xf32, #tpu.memory_space<vmem>>, vector<1x16xf32>,
        %get3A_936 = vector.shape_cast %get3A_935 : vector<1x16xf32> to vector<16xf32>
        %add3A_937 = arith.addf %add3A_909, %get3A_936 : vector<16xf32>
        %add3A_938 = arith.constant 31 : i32
        %add3A_939 = arith.addi %mul3A_61, %add3A_938 : i32
        %get3A_940 = arith.index_cast %add3A_939 : i32 to index
        %get3A_941 = arith.constant 48 : index
        %get3A_942 = tpu.vector_load %arg7[%get3A_940, %get3A_941] {strides = array<i32>} : memref<400x64xf32, #tpu.memory_space<vmem>>, vector<1x16xf32>,
        %get3A_943 = vector.shape_cast %get3A_942 : vector<1x16xf32> to vector<16xf32>
        %add3A_944 = arith.addf %add3A_916, %get3A_943 : vector<16xf32>
        %add3A_945 = arith.constant 32 : i32
        %add3A_946 = arith.addi %mul3A_61, %add3A_945 : i32
        %get3A_947 = arith.index_cast %add3A_946 : i32 to index
        %get3A_948 = arith.constant 0 : index
        %get3A_949 = tpu.vector_load %arg7[%get3A_947, %get3A_948] {strides = array<i32>} : memref<400x64xf32, #tpu.memory_space<vmem>>, vector<1x16xf32>,
        %get3A_950 = vector.shape_cast %get3A_949 : vector<1x16xf32> to vector<16xf32>
        %add3A_951 = arith.addf %add3A_923, %get3A_950 : vector<16xf32>
        %add3A_952 = arith.constant 32 : i32
        %add3A_953 = arith.addi %mul3A_61, %add3A_952 : i32
        %get3A_954 = arith.index_cast %add3A_953 : i32 to index
        %get3A_955 = arith.constant 16 : index
        %get3A_956 = tpu.vector_load %arg7[%get3A_954, %get3A_955] {strides = array<i32>} : memref<400x64xf32, #tpu.memory_space<vmem>>, vector<1x16xf32>,
        %get3A_957 = vector.shape_cast %get3A_956 : vector<1x16xf32> to vector<16xf32>
        %add3A_958 = arith.addf %add3A_930, %get3A_957 : vector<16xf32>
        %add3A_959 = arith.constant 32 : i32
        %add3A_960 = arith.addi %mul3A_61, %add3A_959 : i32
        %get3A_961 = arith.index_cast %add3A_960 : i32 to index
        %get3A_962 = arith.constant 32 : index
        %get3A_963 = tpu.vector_load %arg7[%get3A_961, %get3A_962] {strides = array<i32>} : memref<400x64xf32, #tpu.memory_space<vmem>>, vector<1x16xf32>,
        %get3A_964 = vector.shape_cast %get3A_963 : vector<1x16xf32> to vector<16xf32>
        %add3A_965 = arith.addf %add3A_937, %get3A_964 : vector<16xf32>
        %add3A_966 = arith.constant 32 : i32
        %add3A_967 = arith.addi %mul3A_61, %add3A_966 : i32
        %get3A_968 = arith.index_cast %add3A_967 : i32 to index
        %get3A_969 = arith.constant 48 : index
        %get3A_970 = tpu.vector_load %arg7[%get3A_968, %get3A_969] {strides = array<i32>} : memref<400x64xf32, #tpu.memory_space<vmem>>, vector<1x16xf32>,
        %get3A_971 = vector.shape_cast %get3A_970 : vector<1x16xf32> to vector<16xf32>
        %add3A_972 = arith.addf %add3A_944, %get3A_971 : vector<16xf32>
        %add3A_973 = arith.constant 33 : i32
        %add3A_974 = arith.addi %mul3A_61, %add3A_973 : i32
        %get3A_975 = arith.index_cast %add3A_974 : i32 to index
        %get3A_976 = arith.constant 0 : index
        %get3A_977 = tpu.vector_load %arg7[%get3A_975, %get3A_976] {strides = array<i32>} : memref<400x64xf32, #tpu.memory_space<vmem>>, vector<1x16xf32>,
        %get3A_978 = vector.shape_cast %get3A_977 : vector<1x16xf32> to vector<16xf32>
        %add3A_979 = arith.addf %add3A_951, %get3A_978 : vector<16xf32>
        %add3A_980 = arith.constant 33 : i32
        %add3A_981 = arith.addi %mul3A_61, %add3A_980 : i32
        %get3A_982 = arith.index_cast %add3A_981 : i32 to index
        %get3A_983 = arith.constant 16 : index
        %get3A_984 = tpu.vector_load %arg7[%get3A_982, %get3A_983] {strides = array<i32>} : memref<400x64xf32, #tpu.memory_space<vmem>>, vector<1x16xf32>,
        %get3A_985 = vector.shape_cast %get3A_984 : vector<1x16xf32> to vector<16xf32>
        %add3A_986 = arith.addf %add3A_958, %get3A_985 : vector<16xf32>
        %add3A_987 = arith.constant 33 : i32
        %add3A_988 = arith.addi %mul3A_61, %add3A_987 : i32
        %get3A_989 = arith.index_cast %add3A_988 : i32 to index
        %get3A_990 = arith.constant 32 : index
        %get3A_991 = tpu.vector_load %arg7[%get3A_989, %get3A_990] {strides = array<i32>} : memref<400x64xf32, #tpu.memory_space<vmem>>, vector<1x16xf32>,
        %get3A_992 = vector.shape_cast %get3A_991 : vector<1x16xf32> to vector<16xf32>
        %add3A_993 = arith.addf %add3A_965, %get3A_992 : vector<16xf32>
        %add3A_994 = arith.constant 33 : i32
        %add3A_995 = arith.addi %mul3A_61, %add3A_994 : i32
        %get3A_996 = arith.index_cast %add3A_995 : i32 to index
        %get3A_997 = arith.constant 48 : index
        %get3A_998 = tpu.vector_load %arg7[%get3A_996, %get3A_997] {strides = array<i32>} : memref<400x64xf32, #tpu.memory_space<vmem>>, vector<1x16xf32>,
        %get3A_999 = vector.shape_cast %get3A_998 : vector<1x16xf32> to vector<16xf32>
        %add3A_1000 = arith.addf %add3A_972, %get3A_999 : vector<16xf32>
        %add3A_1001 = arith.constant 34 : i32
        %add3A_1002 = arith.addi %mul3A_61, %add3A_1001 : i32
        %get3A_1003 = arith.index_cast %add3A_1002 : i32 to index
        %get3A_1004 = arith.constant 0 : index
        %get3A_1005 = tpu.vector_load %arg7[%get3A_1003, %get3A_1004] {strides = array<i32>} : memref<400x64xf32, #tpu.memory_space<vmem>>, vector<1x16xf32>,
        %get3A_1006 = vector.shape_cast %get3A_1005 : vector<1x16xf32> to vector<16xf32>
        %add3A_1007 = arith.addf %add3A_979, %get3A_1006 : vector<16xf32>
        %add3A_1008 = arith.constant 34 : i32
        %add3A_1009 = arith.addi %mul3A_61, %add3A_1008 : i32
        %get3A_1010 = arith.index_cast %add3A_1009 : i32 to index
        %get3A_1011 = arith.constant 16 : index
        %get3A_1012 = tpu.vector_load %arg7[%get3A_1010, %get3A_1011] {strides = array<i32>} : memref<400x64xf32, #tpu.memory_space<vmem>>, vector<1x16xf32>,
        %get3A_1013 = vector.shape_cast %get3A_1012 : vector<1x16xf32> to vector<16xf32>
        %add3A_1014 = arith.addf %add3A_986, %get3A_1013 : vector<16xf32>
        %add3A_1015 = arith.constant 34 : i32
        %add3A_1016 = arith.addi %mul3A_61, %add3A_1015 : i32
        %get3A_1017 = arith.index_cast %add3A_1016 : i32 to index
        %get3A_1018 = arith.constant 32 : index
        %get3A_1019 = tpu.vector_load %arg7[%get3A_1017, %get3A_1018] {strides = array<i32>} : memref<400x64xf32, #tpu.memory_space<vmem>>, vector<1x16xf32>,
        %get3A_1020 = vector.shape_cast %get3A_1019 : vector<1x16xf32> to vector<16xf32>
        %add3A_1021 = arith.addf %add3A_993, %get3A_1020 : vector<16xf32>
        %add3A_1022 = arith.constant 34 : i32
        %add3A_1023 = arith.addi %mul3A_61, %add3A_1022 : i32
        %get3A_1024 = arith.index_cast %add3A_1023 : i32 to index
        %get3A_1025 = arith.constant 48 : index
        %get3A_1026 = tpu.vector_load %arg7[%get3A_1024, %get3A_1025] {strides = array<i32>} : memref<400x64xf32, #tpu.memory_space<vmem>>, vector<1x16xf32>,
        %get3A_1027 = vector.shape_cast %get3A_1026 : vector<1x16xf32> to vector<16xf32>
        %add3A_1028 = arith.addf %add3A_1000, %get3A_1027 : vector<16xf32>
        %add3A_1029 = arith.constant 35 : i32
        %add3A_1030 = arith.addi %mul3A_61, %add3A_1029 : i32
        %get3A_1031 = arith.index_cast %add3A_1030 : i32 to index
        %get3A_1032 = arith.constant 0 : index
        %get3A_1033 = tpu.vector_load %arg7[%get3A_1031, %get3A_1032] {strides = array<i32>} : memref<400x64xf32, #tpu.memory_space<vmem>>, vector<1x16xf32>,
        %get3A_1034 = vector.shape_cast %get3A_1033 : vector<1x16xf32> to vector<16xf32>
        %add3A_1035 = arith.addf %add3A_1007, %get3A_1034 : vector<16xf32>
        %add3A_1036 = arith.constant 35 : i32
        %add3A_1037 = arith.addi %mul3A_61, %add3A_1036 : i32
        %get3A_1038 = arith.index_cast %add3A_1037 : i32 to index
        %get3A_1039 = arith.constant 16 : index
        %get3A_1040 = tpu.vector_load %arg7[%get3A_1038, %get3A_1039] {strides = array<i32>} : memref<400x64xf32, #tpu.memory_space<vmem>>, vector<1x16xf32>,
        %get3A_1041 = vector.shape_cast %get3A_1040 : vector<1x16xf32> to vector<16xf32>
        %add3A_1042 = arith.addf %add3A_1014, %get3A_1041 : vector<16xf32>
        %add3A_1043 = arith.constant 35 : i32
        %add3A_1044 = arith.addi %mul3A_61, %add3A_1043 : i32
        %get3A_1045 = arith.index_cast %add3A_1044 : i32 to index
        %get3A_1046 = arith.constant 32 : index
        %get3A_1047 = tpu.vector_load %arg7[%get3A_1045, %get3A_1046] {strides = array<i32>} : memref<400x64xf32, #tpu.memory_space<vmem>>, vector<1x16xf32>,
        %get3A_1048 = vector.shape_cast %get3A_1047 : vector<1x16xf32> to vector<16xf32>
        %add3A_1049 = arith.addf %add3A_1021, %get3A_1048 : vector<16xf32>
        %add3A_1050 = arith.constant 35 : i32
        %add3A_1051 = arith.addi %mul3A_61, %add3A_1050 : i32
        %get3A_1052 = arith.index_cast %add3A_1051 : i32 to index
        %get3A_1053 = arith.constant 48 : index
        %get3A_1054 = tpu.vector_load %arg7[%get3A_1052, %get3A_1053] {strides = array<i32>} : memref<400x64xf32, #tpu.memory_space<vmem>>, vector<1x16xf32>,
        %get3A_1055 = vector.shape_cast %get3A_1054 : vector<1x16xf32> to vector<16xf32>
        %add3A_1056 = arith.addf %add3A_1028, %get3A_1055 : vector<16xf32>
        %add3A_1057 = arith.constant 36 : i32
        %add3A_1058 = arith.addi %mul3A_61, %add3A_1057 : i32
        %get3A_1059 = arith.index_cast %add3A_1058 : i32 to index
        %get3A_1060 = arith.constant 0 : index
        %get3A_1061 = tpu.vector_load %arg7[%get3A_1059, %get3A_1060] {strides = array<i32>} : memref<400x64xf32, #tpu.memory_space<vmem>>, vector<1x16xf32>,
        %get3A_1062 = vector.shape_cast %get3A_1061 : vector<1x16xf32> to vector<16xf32>
        %add3A_1063 = arith.addf %add3A_1035, %get3A_1062 : vector<16xf32>
        %add3A_1064 = arith.constant 36 : i32
        %add3A_1065 = arith.addi %mul3A_61, %add3A_1064 : i32
        %get3A_1066 = arith.index_cast %add3A_1065 : i32 to index
        %get3A_1067 = arith.constant 16 : index
        %get3A_1068 = tpu.vector_load %arg7[%get3A_1066, %get3A_1067] {strides = array<i32>} : memref<400x64xf32, #tpu.memory_space<vmem>>, vector<1x16xf32>,
        %get3A_1069 = vector.shape_cast %get3A_1068 : vector<1x16xf32> to vector<16xf32>
        %add3A_1070 = arith.addf %add3A_1042, %get3A_1069 : vector<16xf32>
        %add3A_1071 = arith.constant 36 : i32
        %add3A_1072 = arith.addi %mul3A_61, %add3A_1071 : i32
        %get3A_1073 = arith.index_cast %add3A_1072 : i32 to index
        %get3A_1074 = arith.constant 32 : index
        %get3A_1075 = tpu.vector_load %arg7[%get3A_1073, %get3A_1074] {strides = array<i32>} : memref<400x64xf32, #tpu.memory_space<vmem>>, vector<1x16xf32>,
        %get3A_1076 = vector.shape_cast %get3A_1075 : vector<1x16xf32> to vector<16xf32>
        %add3A_1077 = arith.addf %add3A_1049, %get3A_1076 : vector<16xf32>
        %add3A_1078 = arith.constant 36 : i32
        %add3A_1079 = arith.addi %mul3A_61, %add3A_1078 : i32
        %get3A_1080 = arith.index_cast %add3A_1079 : i32 to index
        %get3A_1081 = arith.constant 48 : index
        %get3A_1082 = tpu.vector_load %arg7[%get3A_1080, %get3A_1081] {strides = array<i32>} : memref<400x64xf32, #tpu.memory_space<vmem>>, vector<1x16xf32>,
        %get3A_1083 = vector.shape_cast %get3A_1082 : vector<1x16xf32> to vector<16xf32>
        %add3A_1084 = arith.addf %add3A_1056, %get3A_1083 : vector<16xf32>
        %add3A_1085 = arith.constant 37 : i32
        %add3A_1086 = arith.addi %mul3A_61, %add3A_1085 : i32
        %get3A_1087 = arith.index_cast %add3A_1086 : i32 to index
        %get3A_1088 = arith.constant 0 : index
        %get3A_1089 = tpu.vector_load %arg7[%get3A_1087, %get3A_1088] {strides = array<i32>} : memref<400x64xf32, #tpu.memory_space<vmem>>, vector<1x16xf32>,
        %get3A_1090 = vector.shape_cast %get3A_1089 : vector<1x16xf32> to vector<16xf32>
        %add3A_1091 = arith.addf %add3A_1063, %get3A_1090 : vector<16xf32>
        %add3A_1092 = arith.constant 37 : i32
        %add3A_1093 = arith.addi %mul3A_61, %add3A_1092 : i32
        %get3A_1094 = arith.index_cast %add3A_1093 : i32 to index
        %get3A_1095 = arith.constant 16 : index
        %get3A_1096 = tpu.vector_load %arg7[%get3A_1094, %get3A_1095] {strides = array<i32>} : memref<400x64xf32, #tpu.memory_space<vmem>>, vector<1x16xf32>,
        %get3A_1097 = vector.shape_cast %get3A_1096 : vector<1x16xf32> to vector<16xf32>
        %add3A_1098 = arith.addf %add3A_1070, %get3A_1097 : vector<16xf32>
        %add3A_1099 = arith.constant 37 : i32
        %add3A_1100 = arith.addi %mul3A_61, %add3A_1099 : i32
        %get3A_1101 = arith.index_cast %add3A_1100 : i32 to index
        %get3A_1102 = arith.constant 32 : index
        %get3A_1103 = tpu.vector_load %arg7[%get3A_1101, %get3A_1102] {strides = array<i32>} : memref<400x64xf32, #tpu.memory_space<vmem>>, vector<1x16xf32>,
        %get3A_1104 = vector.shape_cast %get3A_1103 : vector<1x16xf32> to vector<16xf32>
        %add3A_1105 = arith.addf %add3A_1077, %get3A_1104 : vector<16xf32>
        %add3A_1106 = arith.constant 37 : i32
        %add3A_1107 = arith.addi %mul3A_61, %add3A_1106 : i32
        %get3A_1108 = arith.index_cast %add3A_1107 : i32 to index
        %get3A_1109 = arith.constant 48 : index
        %get3A_1110 = tpu.vector_load %arg7[%get3A_1108, %get3A_1109] {strides = array<i32>} : memref<400x64xf32, #tpu.memory_space<vmem>>, vector<1x16xf32>,
        %get3A_1111 = vector.shape_cast %get3A_1110 : vector<1x16xf32> to vector<16xf32>
        %add3A_1112 = arith.addf %add3A_1084, %get3A_1111 : vector<16xf32>
        %add3A_1113 = arith.constant 38 : i32
        %add3A_1114 = arith.addi %mul3A_61, %add3A_1113 : i32
        %get3A_1115 = arith.index_cast %add3A_1114 : i32 to index
        %get3A_1116 = arith.constant 0 : index
        %get3A_1117 = tpu.vector_load %arg7[%get3A_1115, %get3A_1116] {strides = array<i32>} : memref<400x64xf32, #tpu.memory_space<vmem>>, vector<1x16xf32>,
        %get3A_1118 = vector.shape_cast %get3A_1117 : vector<1x16xf32> to vector<16xf32>
        %add3A_1119 = arith.addf %add3A_1091, %get3A_1118 : vector<16xf32>
        %add3A_1120 = arith.constant 38 : i32
        %add3A_1121 = arith.addi %mul3A_61, %add3A_1120 : i32
        %get3A_1122 = arith.index_cast %add3A_1121 : i32 to index
        %get3A_1123 = arith.constant 16 : index
        %get3A_1124 = tpu.vector_load %arg7[%get3A_1122, %get3A_1123] {strides = array<i32>} : memref<400x64xf32, #tpu.memory_space<vmem>>, vector<1x16xf32>,
        %get3A_1125 = vector.shape_cast %get3A_1124 : vector<1x16xf32> to vector<16xf32>
        %add3A_1126 = arith.addf %add3A_1098, %get3A_1125 : vector<16xf32>
        %add3A_1127 = arith.constant 38 : i32
        %add3A_1128 = arith.addi %mul3A_61, %add3A_1127 : i32
        %get3A_1129 = arith.index_cast %add3A_1128 : i32 to index
        %get3A_1130 = arith.constant 32 : index
        %get3A_1131 = tpu.vector_load %arg7[%get3A_1129, %get3A_1130] {strides = array<i32>} : memref<400x64xf32, #tpu.memory_space<vmem>>, vector<1x16xf32>,
        %get3A_1132 = vector.shape_cast %get3A_1131 : vector<1x16xf32> to vector<16xf32>
        %add3A_1133 = arith.addf %add3A_1105, %get3A_1132 : vector<16xf32>
        %add3A_1134 = arith.constant 38 : i32
        %add3A_1135 = arith.addi %mul3A_61, %add3A_1134 : i32
        %get3A_1136 = arith.index_cast %add3A_1135 : i32 to index
        %get3A_1137 = arith.constant 48 : index
        %get3A_1138 = tpu.vector_load %arg7[%get3A_1136, %get3A_1137] {strides = array<i32>} : memref<400x64xf32, #tpu.memory_space<vmem>>, vector<1x16xf32>,
        %get3A_1139 = vector.shape_cast %get3A_1138 : vector<1x16xf32> to vector<16xf32>
        %add3A_1140 = arith.addf %add3A_1112, %get3A_1139 : vector<16xf32>
        %add3A_1141 = arith.constant 39 : i32
        %add3A_1142 = arith.addi %mul3A_61, %add3A_1141 : i32
        %get3A_1143 = arith.index_cast %add3A_1142 : i32 to index
        %get3A_1144 = arith.constant 0 : index
        %get3A_1145 = tpu.vector_load %arg7[%get3A_1143, %get3A_1144] {strides = array<i32>} : memref<400x64xf32, #tpu.memory_space<vmem>>, vector<1x16xf32>,
        %get3A_1146 = vector.shape_cast %get3A_1145 : vector<1x16xf32> to vector<16xf32>
        %add3A_1147 = arith.addf %add3A_1119, %get3A_1146 : vector<16xf32>
        %add3A_1148 = arith.constant 39 : i32
        %add3A_1149 = arith.addi %mul3A_61, %add3A_1148 : i32
        %get3A_1150 = arith.index_cast %add3A_1149 : i32 to index
        %get3A_1151 = arith.constant 16 : index
        %get3A_1152 = tpu.vector_load %arg7[%get3A_1150, %get3A_1151] {strides = array<i32>} : memref<400x64xf32, #tpu.memory_space<vmem>>, vector<1x16xf32>,
        %get3A_1153 = vector.shape_cast %get3A_1152 : vector<1x16xf32> to vector<16xf32>
        %add3A_1154 = arith.addf %add3A_1126, %get3A_1153 : vector<16xf32>
        %add3A_1155 = arith.constant 39 : i32
        %add3A_1156 = arith.addi %mul3A_61, %add3A_1155 : i32
        %get3A_1157 = arith.index_cast %add3A_1156 : i32 to index
        %get3A_1158 = arith.constant 32 : index
        %get3A_1159 = tpu.vector_load %arg7[%get3A_1157, %get3A_1158] {strides = array<i32>} : memref<400x64xf32, #tpu.memory_space<vmem>>, vector<1x16xf32>,
        %get3A_1160 = vector.shape_cast %get3A_1159 : vector<1x16xf32> to vector<16xf32>
        %add3A_1161 = arith.addf %add3A_1133, %get3A_1160 : vector<16xf32>
        %add3A_1162 = arith.constant 39 : i32
        %add3A_1163 = arith.addi %mul3A_61, %add3A_1162 : i32
        %get3A_1164 = arith.index_cast %add3A_1163 : i32 to index
        %get3A_1165 = arith.constant 48 : index
        %get3A_1166 = tpu.vector_load %arg7[%get3A_1164, %get3A_1165] {strides = array<i32>} : memref<400x64xf32, #tpu.memory_space<vmem>>, vector<1x16xf32>,
        %get3A_1167 = vector.shape_cast %get3A_1166 : vector<1x16xf32> to vector<16xf32>
        %add3A_1168 = arith.addf %add3A_1140, %get3A_1167 : vector<16xf32>
        %add3A_1169 = arith.constant 40 : i32
        %add3A_1170 = arith.addi %mul3A_61, %add3A_1169 : i32
        %get3A_1171 = arith.index_cast %add3A_1170 : i32 to index
        %get3A_1172 = arith.constant 0 : index
        %get3A_1173 = tpu.vector_load %arg7[%get3A_1171, %get3A_1172] {strides = array<i32>} : memref<400x64xf32, #tpu.memory_space<vmem>>, vector<1x16xf32>,
        %get3A_1174 = vector.shape_cast %get3A_1173 : vector<1x16xf32> to vector<16xf32>
        %add3A_1175 = arith.addf %add3A_1147, %get3A_1174 : vector<16xf32>
        %add3A_1176 = arith.constant 40 : i32
        %add3A_1177 = arith.addi %mul3A_61, %add3A_1176 : i32
        %get3A_1178 = arith.index_cast %add3A_1177 : i32 to index
        %get3A_1179 = arith.constant 16 : index
        %get3A_1180 = tpu.vector_load %arg7[%get3A_1178, %get3A_1179] {strides = array<i32>} : memref<400x64xf32, #tpu.memory_space<vmem>>, vector<1x16xf32>,
        %get3A_1181 = vector.shape_cast %get3A_1180 : vector<1x16xf32> to vector<16xf32>
        %add3A_1182 = arith.addf %add3A_1154, %get3A_1181 : vector<16xf32>
        %add3A_1183 = arith.constant 40 : i32
        %add3A_1184 = arith.addi %mul3A_61, %add3A_1183 : i32
        %get3A_1185 = arith.index_cast %add3A_1184 : i32 to index
        %get3A_1186 = arith.constant 32 : index
        %get3A_1187 = tpu.vector_load %arg7[%get3A_1185, %get3A_1186] {strides = array<i32>} : memref<400x64xf32, #tpu.memory_space<vmem>>, vector<1x16xf32>,
        %get3A_1188 = vector.shape_cast %get3A_1187 : vector<1x16xf32> to vector<16xf32>
        %add3A_1189 = arith.addf %add3A_1161, %get3A_1188 : vector<16xf32>
        %add3A_1190 = arith.constant 40 : i32
        %add3A_1191 = arith.addi %mul3A_61, %add3A_1190 : i32
        %get3A_1192 = arith.index_cast %add3A_1191 : i32 to index
        %get3A_1193 = arith.constant 48 : index
        %get3A_1194 = tpu.vector_load %arg7[%get3A_1192, %get3A_1193] {strides = array<i32>} : memref<400x64xf32, #tpu.memory_space<vmem>>, vector<1x16xf32>,
        %get3A_1195 = vector.shape_cast %get3A_1194 : vector<1x16xf32> to vector<16xf32>
        %add3A_1196 = arith.addf %add3A_1168, %get3A_1195 : vector<16xf32>
        %add3A_1197 = arith.constant 41 : i32
        %add3A_1198 = arith.addi %mul3A_61, %add3A_1197 : i32
        %get3A_1199 = arith.index_cast %add3A_1198 : i32 to index
        %get3A_1200 = arith.constant 0 : index
        %get3A_1201 = tpu.vector_load %arg7[%get3A_1199, %get3A_1200] {strides = array<i32>} : memref<400x64xf32, #tpu.memory_space<vmem>>, vector<1x16xf32>,
        %get3A_1202 = vector.shape_cast %get3A_1201 : vector<1x16xf32> to vector<16xf32>
        %add3A_1203 = arith.addf %add3A_1175, %get3A_1202 : vector<16xf32>
        %add3A_1204 = arith.constant 41 : i32
        %add3A_1205 = arith.addi %mul3A_61, %add3A_1204 : i32
        %get3A_1206 = arith.index_cast %add3A_1205 : i32 to index
        %get3A_1207 = arith.constant 16 : index
        %get3A_1208 = tpu.vector_load %arg7[%get3A_1206, %get3A_1207] {strides = array<i32>} : memref<400x64xf32, #tpu.memory_space<vmem>>, vector<1x16xf32>,
        %get3A_1209 = vector.shape_cast %get3A_1208 : vector<1x16xf32> to vector<16xf32>
        %add3A_1210 = arith.addf %add3A_1182, %get3A_1209 : vector<16xf32>
        %add3A_1211 = arith.constant 41 : i32
        %add3A_1212 = arith.addi %mul3A_61, %add3A_1211 : i32
        %get3A_1213 = arith.index_cast %add3A_1212 : i32 to index
        %get3A_1214 = arith.constant 32 : index
        %get3A_1215 = tpu.vector_load %arg7[%get3A_1213, %get3A_1214] {strides = array<i32>} : memref<400x64xf32, #tpu.memory_space<vmem>>, vector<1x16xf32>,
        %get3A_1216 = vector.shape_cast %get3A_1215 : vector<1x16xf32> to vector<16xf32>
        %add3A_1217 = arith.addf %add3A_1189, %get3A_1216 : vector<16xf32>
        %add3A_1218 = arith.constant 41 : i32
        %add3A_1219 = arith.addi %mul3A_61, %add3A_1218 : i32
        %get3A_1220 = arith.index_cast %add3A_1219 : i32 to index
        %get3A_1221 = arith.constant 48 : index
        %get3A_1222 = tpu.vector_load %arg7[%get3A_1220, %get3A_1221] {strides = array<i32>} : memref<400x64xf32, #tpu.memory_space<vmem>>, vector<1x16xf32>,
        %get3A_1223 = vector.shape_cast %get3A_1222 : vector<1x16xf32> to vector<16xf32>
        %add3A_1224 = arith.addf %add3A_1196, %get3A_1223 : vector<16xf32>
        %add3A_1225 = arith.constant 42 : i32
        %add3A_1226 = arith.addi %mul3A_61, %add3A_1225 : i32
        %get3A_1227 = arith.index_cast %add3A_1226 : i32 to index
        %get3A_1228 = arith.constant 0 : index
        %get3A_1229 = tpu.vector_load %arg7[%get3A_1227, %get3A_1228] {strides = array<i32>} : memref<400x64xf32, #tpu.memory_space<vmem>>, vector<1x16xf32>,
        %get3A_1230 = vector.shape_cast %get3A_1229 : vector<1x16xf32> to vector<16xf32>
        %add3A_1231 = arith.addf %add3A_1203, %get3A_1230 : vector<16xf32>
        %add3A_1232 = arith.constant 42 : i32
        %add3A_1233 = arith.addi %mul3A_61, %add3A_1232 : i32
        %get3A_1234 = arith.index_cast %add3A_1233 : i32 to index
        %get3A_1235 = arith.constant 16 : index
        %get3A_1236 = tpu.vector_load %arg7[%get3A_1234, %get3A_1235] {strides = array<i32>} : memref<400x64xf32, #tpu.memory_space<vmem>>, vector<1x16xf32>,
        %get3A_1237 = vector.shape_cast %get3A_1236 : vector<1x16xf32> to vector<16xf32>
        %add3A_1238 = arith.addf %add3A_1210, %get3A_1237 : vector<16xf32>
        %add3A_1239 = arith.constant 42 : i32
        %add3A_1240 = arith.addi %mul3A_61, %add3A_1239 : i32
        %get3A_1241 = arith.index_cast %add3A_1240 : i32 to index
        %get3A_1242 = arith.constant 32 : index
        %get3A_1243 = tpu.vector_load %arg7[%get3A_1241, %get3A_1242] {strides = array<i32>} : memref<400x64xf32, #tpu.memory_space<vmem>>, vector<1x16xf32>,
        %get3A_1244 = vector.shape_cast %get3A_1243 : vector<1x16xf32> to vector<16xf32>
        %add3A_1245 = arith.addf %add3A_1217, %get3A_1244 : vector<16xf32>
        %add3A_1246 = arith.constant 42 : i32
        %add3A_1247 = arith.addi %mul3A_61, %add3A_1246 : i32
        %get3A_1248 = arith.index_cast %add3A_1247 : i32 to index
        %get3A_1249 = arith.constant 48 : index
        %get3A_1250 = tpu.vector_load %arg7[%get3A_1248, %get3A_1249] {strides = array<i32>} : memref<400x64xf32, #tpu.memory_space<vmem>>, vector<1x16xf32>,
        %get3A_1251 = vector.shape_cast %get3A_1250 : vector<1x16xf32> to vector<16xf32>
        %add3A_1252 = arith.addf %add3A_1224, %get3A_1251 : vector<16xf32>
        %add3A_1253 = arith.constant 43 : i32
        %add3A_1254 = arith.addi %mul3A_61, %add3A_1253 : i32
        %get3A_1255 = arith.index_cast %add3A_1254 : i32 to index
        %get3A_1256 = arith.constant 0 : index
        %get3A_1257 = tpu.vector_load %arg7[%get3A_1255, %get3A_1256] {strides = array<i32>} : memref<400x64xf32, #tpu.memory_space<vmem>>, vector<1x16xf32>,
        %get3A_1258 = vector.shape_cast %get3A_1257 : vector<1x16xf32> to vector<16xf32>
        %add3A_1259 = arith.addf %add3A_1231, %get3A_1258 : vector<16xf32>
        %add3A_1260 = arith.constant 43 : i32
        %add3A_1261 = arith.addi %mul3A_61, %add3A_1260 : i32
        %get3A_1262 = arith.index_cast %add3A_1261 : i32 to index
        %get3A_1263 = arith.constant 16 : index
        %get3A_1264 = tpu.vector_load %arg7[%get3A_1262, %get3A_1263] {strides = array<i32>} : memref<400x64xf32, #tpu.memory_space<vmem>>, vector<1x16xf32>,
        %get3A_1265 = vector.shape_cast %get3A_1264 : vector<1x16xf32> to vector<16xf32>
        %add3A_1266 = arith.addf %add3A_1238, %get3A_1265 : vector<16xf32>
        %add3A_1267 = arith.constant 43 : i32
        %add3A_1268 = arith.addi %mul3A_61, %add3A_1267 : i32
        %get3A_1269 = arith.index_cast %add3A_1268 : i32 to index
        %get3A_1270 = arith.constant 32 : index
        %get3A_1271 = tpu.vector_load %arg7[%get3A_1269, %get3A_1270] {strides = array<i32>} : memref<400x64xf32, #tpu.memory_space<vmem>>, vector<1x16xf32>,
        %get3A_1272 = vector.shape_cast %get3A_1271 : vector<1x16xf32> to vector<16xf32>
        %add3A_1273 = arith.addf %add3A_1245, %get3A_1272 : vector<16xf32>
        %add3A_1274 = arith.constant 43 : i32
        %add3A_1275 = arith.addi %mul3A_61, %add3A_1274 : i32
        %get3A_1276 = arith.index_cast %add3A_1275 : i32 to index
        %get3A_1277 = arith.constant 48 : index
        %get3A_1278 = tpu.vector_load %arg7[%get3A_1276, %get3A_1277] {strides = array<i32>} : memref<400x64xf32, #tpu.memory_space<vmem>>, vector<1x16xf32>,
        %get3A_1279 = vector.shape_cast %get3A_1278 : vector<1x16xf32> to vector<16xf32>
        %add3A_1280 = arith.addf %add3A_1252, %get3A_1279 : vector<16xf32>
        %add3A_1281 = arith.constant 44 : i32
        %add3A_1282 = arith.addi %mul3A_61, %add3A_1281 : i32
        %get3A_1283 = arith.index_cast %add3A_1282 : i32 to index
        %get3A_1284 = arith.constant 0 : index
        %get3A_1285 = tpu.vector_load %arg7[%get3A_1283, %get3A_1284] {strides = array<i32>} : memref<400x64xf32, #tpu.memory_space<vmem>>, vector<1x16xf32>,
        %get3A_1286 = vector.shape_cast %get3A_1285 : vector<1x16xf32> to vector<16xf32>
        %add3A_1287 = arith.addf %add3A_1259, %get3A_1286 : vector<16xf32>
        %add3A_1288 = arith.constant 44 : i32
        %add3A_1289 = arith.addi %mul3A_61, %add3A_1288 : i32
        %get3A_1290 = arith.index_cast %add3A_1289 : i32 to index
        %get3A_1291 = arith.constant 16 : index
        %get3A_1292 = tpu.vector_load %arg7[%get3A_1290, %get3A_1291] {strides = array<i32>} : memref<400x64xf32, #tpu.memory_space<vmem>>, vector<1x16xf32>,
        %get3A_1293 = vector.shape_cast %get3A_1292 : vector<1x16xf32> to vector<16xf32>
        %add3A_1294 = arith.addf %add3A_1266, %get3A_1293 : vector<16xf32>
        %add3A_1295 = arith.constant 44 : i32
        %add3A_1296 = arith.addi %mul3A_61, %add3A_1295 : i32
        %get3A_1297 = arith.index_cast %add3A_1296 : i32 to index
        %get3A_1298 = arith.constant 32 : index
        %get3A_1299 = tpu.vector_load %arg7[%get3A_1297, %get3A_1298] {strides = array<i32>} : memref<400x64xf32, #tpu.memory_space<vmem>>, vector<1x16xf32>,
        %get3A_1300 = vector.shape_cast %get3A_1299 : vector<1x16xf32> to vector<16xf32>
        %add3A_1301 = arith.addf %add3A_1273, %get3A_1300 : vector<16xf32>
        %add3A_1302 = arith.constant 44 : i32
        %add3A_1303 = arith.addi %mul3A_61, %add3A_1302 : i32
        %get3A_1304 = arith.index_cast %add3A_1303 : i32 to index
        %get3A_1305 = arith.constant 48 : index
        %get3A_1306 = tpu.vector_load %arg7[%get3A_1304, %get3A_1305] {strides = array<i32>} : memref<400x64xf32, #tpu.memory_space<vmem>>, vector<1x16xf32>,
        %get3A_1307 = vector.shape_cast %get3A_1306 : vector<1x16xf32> to vector<16xf32>
        %add3A_1308 = arith.addf %add3A_1280, %get3A_1307 : vector<16xf32>
        %add3A_1309 = arith.constant 45 : i32
        %add3A_1310 = arith.addi %mul3A_61, %add3A_1309 : i32
        %get3A_1311 = arith.index_cast %add3A_1310 : i32 to index
        %get3A_1312 = arith.constant 0 : index
        %get3A_1313 = tpu.vector_load %arg7[%get3A_1311, %get3A_1312] {strides = array<i32>} : memref<400x64xf32, #tpu.memory_space<vmem>>, vector<1x16xf32>,
        %get3A_1314 = vector.shape_cast %get3A_1313 : vector<1x16xf32> to vector<16xf32>
        %add3A_1315 = arith.addf %add3A_1287, %get3A_1314 : vector<16xf32>
        %add3A_1316 = arith.constant 45 : i32
        %add3A_1317 = arith.addi %mul3A_61, %add3A_1316 : i32
        %get3A_1318 = arith.index_cast %add3A_1317 : i32 to index
        %get3A_1319 = arith.constant 16 : index
        %get3A_1320 = tpu.vector_load %arg7[%get3A_1318, %get3A_1319] {strides = array<i32>} : memref<400x64xf32, #tpu.memory_space<vmem>>, vector<1x16xf32>,
        %get3A_1321 = vector.shape_cast %get3A_1320 : vector<1x16xf32> to vector<16xf32>
        %add3A_1322 = arith.addf %add3A_1294, %get3A_1321 : vector<16xf32>
        %add3A_1323 = arith.constant 45 : i32
        %add3A_1324 = arith.addi %mul3A_61, %add3A_1323 : i32
        %get3A_1325 = arith.index_cast %add3A_1324 : i32 to index
        %get3A_1326 = arith.constant 32 : index
        %get3A_1327 = tpu.vector_load %arg7[%get3A_1325, %get3A_1326] {strides = array<i32>} : memref<400x64xf32, #tpu.memory_space<vmem>>, vector<1x16xf32>,
        %get3A_1328 = vector.shape_cast %get3A_1327 : vector<1x16xf32> to vector<16xf32>
        %add3A_1329 = arith.addf %add3A_1301, %get3A_1328 : vector<16xf32>
        %add3A_1330 = arith.constant 45 : i32
        %add3A_1331 = arith.addi %mul3A_61, %add3A_1330 : i32
        %get3A_1332 = arith.index_cast %add3A_1331 : i32 to index
        %get3A_1333 = arith.constant 48 : index
        %get3A_1334 = tpu.vector_load %arg7[%get3A_1332, %get3A_1333] {strides = array<i32>} : memref<400x64xf32, #tpu.memory_space<vmem>>, vector<1x16xf32>,
        %get3A_1335 = vector.shape_cast %get3A_1334 : vector<1x16xf32> to vector<16xf32>
        %add3A_1336 = arith.addf %add3A_1308, %get3A_1335 : vector<16xf32>
        %add3A_1337 = arith.constant 46 : i32
        %add3A_1338 = arith.addi %mul3A_61, %add3A_1337 : i32
        %get3A_1339 = arith.index_cast %add3A_1338 : i32 to index
        %get3A_1340 = arith.constant 0 : index
        %get3A_1341 = tpu.vector_load %arg7[%get3A_1339, %get3A_1340] {strides = array<i32>} : memref<400x64xf32, #tpu.memory_space<vmem>>, vector<1x16xf32>,
        %get3A_1342 = vector.shape_cast %get3A_1341 : vector<1x16xf32> to vector<16xf32>
        %add3A_1343 = arith.addf %add3A_1315, %get3A_1342 : vector<16xf32>
        %add3A_1344 = arith.constant 46 : i32
        %add3A_1345 = arith.addi %mul3A_61, %add3A_1344 : i32
        %get3A_1346 = arith.index_cast %add3A_1345 : i32 to index
        %get3A_1347 = arith.constant 16 : index
        %get3A_1348 = tpu.vector_load %arg7[%get3A_1346, %get3A_1347] {strides = array<i32>} : memref<400x64xf32, #tpu.memory_space<vmem>>, vector<1x16xf32>,
        %get3A_1349 = vector.shape_cast %get3A_1348 : vector<1x16xf32> to vector<16xf32>
        %add3A_1350 = arith.addf %add3A_1322, %get3A_1349 : vector<16xf32>
        %add3A_1351 = arith.constant 46 : i32
        %add3A_1352 = arith.addi %mul3A_61, %add3A_1351 : i32
        %get3A_1353 = arith.index_cast %add3A_1352 : i32 to index
        %get3A_1354 = arith.constant 32 : index
        %get3A_1355 = tpu.vector_load %arg7[%get3A_1353, %get3A_1354] {strides = array<i32>} : memref<400x64xf32, #tpu.memory_space<vmem>>, vector<1x16xf32>,
        %get3A_1356 = vector.shape_cast %get3A_1355 : vector<1x16xf32> to vector<16xf32>
        %add3A_1357 = arith.addf %add3A_1329, %get3A_1356 : vector<16xf32>
        %add3A_1358 = arith.constant 46 : i32
        %add3A_1359 = arith.addi %mul3A_61, %add3A_1358 : i32
        %get3A_1360 = arith.index_cast %add3A_1359 : i32 to index
        %get3A_1361 = arith.constant 48 : index
        %get3A_1362 = tpu.vector_load %arg7[%get3A_1360, %get3A_1361] {strides = array<i32>} : memref<400x64xf32, #tpu.memory_space<vmem>>, vector<1x16xf32>,
        %get3A_1363 = vector.shape_cast %get3A_1362 : vector<1x16xf32> to vector<16xf32>
        %add3A_1364 = arith.addf %add3A_1336, %get3A_1363 : vector<16xf32>
        %add3A_1365 = arith.constant 47 : i32
        %add3A_1366 = arith.addi %mul3A_61, %add3A_1365 : i32
        %get3A_1367 = arith.index_cast %add3A_1366 : i32 to index
        %get3A_1368 = arith.constant 0 : index
        %get3A_1369 = tpu.vector_load %arg7[%get3A_1367, %get3A_1368] {strides = array<i32>} : memref<400x64xf32, #tpu.memory_space<vmem>>, vector<1x16xf32>,
        %get3A_1370 = vector.shape_cast %get3A_1369 : vector<1x16xf32> to vector<16xf32>
        %add3A_1371 = arith.addf %add3A_1343, %get3A_1370 : vector<16xf32>
        %add3A_1372 = arith.constant 47 : i32
        %add3A_1373 = arith.addi %mul3A_61, %add3A_1372 : i32
        %get3A_1374 = arith.index_cast %add3A_1373 : i32 to index
        %get3A_1375 = arith.constant 16 : index
        %get3A_1376 = tpu.vector_load %arg7[%get3A_1374, %get3A_1375] {strides = array<i32>} : memref<400x64xf32, #tpu.memory_space<vmem>>, vector<1x16xf32>,
        %get3A_1377 = vector.shape_cast %get3A_1376 : vector<1x16xf32> to vector<16xf32>
        %add3A_1378 = arith.addf %add3A_1350, %get3A_1377 : vector<16xf32>
        %add3A_1379 = arith.constant 47 : i32
        %add3A_1380 = arith.addi %mul3A_61, %add3A_1379 : i32
        %get3A_1381 = arith.index_cast %add3A_1380 : i32 to index
        %get3A_1382 = arith.constant 32 : index
        %get3A_1383 = tpu.vector_load %arg7[%get3A_1381, %get3A_1382] {strides = array<i32>} : memref<400x64xf32, #tpu.memory_space<vmem>>, vector<1x16xf32>,
        %get3A_1384 = vector.shape_cast %get3A_1383 : vector<1x16xf32> to vector<16xf32>
        %add3A_1385 = arith.addf %add3A_1357, %get3A_1384 : vector<16xf32>
        %add3A_1386 = arith.constant 47 : i32
        %add3A_1387 = arith.addi %mul3A_61, %add3A_1386 : i32
        %get3A_1388 = arith.index_cast %add3A_1387 : i32 to index
        %get3A_1389 = arith.constant 48 : index
        %get3A_1390 = tpu.vector_load %arg7[%get3A_1388, %get3A_1389] {strides = array<i32>} : memref<400x64xf32, #tpu.memory_space<vmem>>, vector<1x16xf32>,
        %get3A_1391 = vector.shape_cast %get3A_1390 : vector<1x16xf32> to vector<16xf32>
        %add3A_1392 = arith.addf %add3A_1364, %get3A_1391 : vector<16xf32>
        %add3A_1393 = arith.constant 48 : i32
        %add3A_1394 = arith.addi %mul3A_61, %add3A_1393 : i32
        %get3A_1395 = arith.index_cast %add3A_1394 : i32 to index
        %get3A_1396 = arith.constant 0 : index
        %get3A_1397 = tpu.vector_load %arg7[%get3A_1395, %get3A_1396] {strides = array<i32>} : memref<400x64xf32, #tpu.memory_space<vmem>>, vector<1x16xf32>,
        %get3A_1398 = vector.shape_cast %get3A_1397 : vector<1x16xf32> to vector<16xf32>
        %add3A_1399 = arith.addf %add3A_1371, %get3A_1398 : vector<16xf32>
        %add3A_1400 = arith.constant 48 : i32
        %add3A_1401 = arith.addi %mul3A_61, %add3A_1400 : i32
        %get3A_1402 = arith.index_cast %add3A_1401 : i32 to index
        %get3A_1403 = arith.constant 16 : index
        %get3A_1404 = tpu.vector_load %arg7[%get3A_1402, %get3A_1403] {strides = array<i32>} : memref<400x64xf32, #tpu.memory_space<vmem>>, vector<1x16xf32>,
        %get3A_1405 = vector.shape_cast %get3A_1404 : vector<1x16xf32> to vector<16xf32>
        %add3A_1406 = arith.addf %add3A_1378, %get3A_1405 : vector<16xf32>
        %add3A_1407 = arith.constant 48 : i32
        %add3A_1408 = arith.addi %mul3A_61, %add3A_1407 : i32
        %get3A_1409 = arith.index_cast %add3A_1408 : i32 to index
        %get3A_1410 = arith.constant 32 : index
        %get3A_1411 = tpu.vector_load %arg7[%get3A_1409, %get3A_1410] {strides = array<i32>} : memref<400x64xf32, #tpu.memory_space<vmem>>, vector<1x16xf32>,
        %get3A_1412 = vector.shape_cast %get3A_1411 : vector<1x16xf32> to vector<16xf32>
        %add3A_1413 = arith.addf %add3A_1385, %get3A_1412 : vector<16xf32>
        %add3A_1414 = arith.constant 48 : i32
        %add3A_1415 = arith.addi %mul3A_61, %add3A_1414 : i32
        %get3A_1416 = arith.index_cast %add3A_1415 : i32 to index
        %get3A_1417 = arith.constant 48 : index
        %get3A_1418 = tpu.vector_load %arg7[%get3A_1416, %get3A_1417] {strides = array<i32>} : memref<400x64xf32, #tpu.memory_space<vmem>>, vector<1x16xf32>,
        %get3A_1419 = vector.shape_cast %get3A_1418 : vector<1x16xf32> to vector<16xf32>
        %add3A_1420 = arith.addf %add3A_1392, %get3A_1419 : vector<16xf32>
        %add3A_1421 = arith.constant 49 : i32
        %add3A_1422 = arith.addi %mul3A_61, %add3A_1421 : i32
        %get3A_1423 = arith.index_cast %add3A_1422 : i32 to index
        %get3A_1424 = arith.constant 0 : index
        %get3A_1425 = tpu.vector_load %arg7[%get3A_1423, %get3A_1424] {strides = array<i32>} : memref<400x64xf32, #tpu.memory_space<vmem>>, vector<1x16xf32>,
        %get3A_1426 = vector.shape_cast %get3A_1425 : vector<1x16xf32> to vector<16xf32>
        %add3A_1427 = arith.addf %add3A_1399, %get3A_1426 : vector<16xf32>
        %add3A_1428 = arith.constant 49 : i32
        %add3A_1429 = arith.addi %mul3A_61, %add3A_1428 : i32
        %get3A_1430 = arith.index_cast %add3A_1429 : i32 to index
        %get3A_1431 = arith.constant 16 : index
        %get3A_1432 = tpu.vector_load %arg7[%get3A_1430, %get3A_1431] {strides = array<i32>} : memref<400x64xf32, #tpu.memory_space<vmem>>, vector<1x16xf32>,
        %get3A_1433 = vector.shape_cast %get3A_1432 : vector<1x16xf32> to vector<16xf32>
        %add3A_1434 = arith.addf %add3A_1406, %get3A_1433 : vector<16xf32>
        %add3A_1435 = arith.constant 49 : i32
        %add3A_1436 = arith.addi %mul3A_61, %add3A_1435 : i32
        %get3A_1437 = arith.index_cast %add3A_1436 : i32 to index
        %get3A_1438 = arith.constant 32 : index
        %get3A_1439 = tpu.vector_load %arg7[%get3A_1437, %get3A_1438] {strides = array<i32>} : memref<400x64xf32, #tpu.memory_space<vmem>>, vector<1x16xf32>,
        %get3A_1440 = vector.shape_cast %get3A_1439 : vector<1x16xf32> to vector<16xf32>
        %add3A_1441 = arith.addf %add3A_1413, %get3A_1440 : vector<16xf32>
        %add3A_1442 = arith.constant 49 : i32
        %add3A_1443 = arith.addi %mul3A_61, %add3A_1442 : i32
        %get3A_1444 = arith.index_cast %add3A_1443 : i32 to index
        %get3A_1445 = arith.constant 48 : index
        %get3A_1446 = tpu.vector_load %arg7[%get3A_1444, %get3A_1445] {strides = array<i32>} : memref<400x64xf32, #tpu.memory_space<vmem>>, vector<1x16xf32>,
        %get3A_1447 = vector.shape_cast %get3A_1446 : vector<1x16xf32> to vector<16xf32>
        %add3A_1448 = arith.addf %add3A_1420, %get3A_1447 : vector<16xf32>
        %mul3A_1449 = arith.constant 8 : i32
        %mul3A_1450 = arith.muli %add3A_42, %mul3A_1449 : i32
        %add3A_1451 = arith.addi %mul3A_1450, %scan3A_59 : i32
        %swap3A = arith.index_cast %add3A_1451 : i32 to index
        %swap3A_1452 = arith.constant 0 : index
        %swap3A_1453 = tpu.vector_load %arg8[%swap3A, %swap3A_1452] {strides = array<i32>} : memref<512x64xf32, #tpu.memory_space<vmem>>, vector<1x16xf32>,
        %swap3A_1454 = vector.shape_cast %swap3A_1453 : vector<1x16xf32> to vector<16xf32>
        %swap3A_1455 = vector.shape_cast %add3A_1427 : vector<16xf32> to vector<1x16xf32>
        tpu.vector_store %arg8[%swap3A, %swap3A_1452], %swap3A_1455 {strides = array<i32>} : memref<512x64xf32, #tpu.memory_space<vmem>>, vector<1x16xf32>,
        %swap3A_1456 = arith.index_cast %add3A_1451 : i32 to index
        %swap3A_1457 = arith.constant 16 : index
        %swap3A_1458 = tpu.vector_load %arg8[%swap3A_1456, %swap3A_1457] {strides = array<i32>} : memref<512x64xf32, #tpu.memory_space<vmem>>, vector<1x16xf32>,
        %swap3A_1459 = vector.shape_cast %swap3A_1458 : vector<1x16xf32> to vector<16xf32>
        %swap3A_1460 = vector.shape_cast %add3A_1434 : vector<16xf32> to vector<1x16xf32>
        tpu.vector_store %arg8[%swap3A_1456, %swap3A_1457], %swap3A_1460 {strides = array<i32>} : memref<512x64xf32, #tpu.memory_space<vmem>>, vector<1x16xf32>,
        %swap3A_1461 = arith.index_cast %add3A_1451 : i32 to index
        %swap3A_1462 = arith.constant 32 : index
        %swap3A_1463 = tpu.vector_load %arg8[%swap3A_1461, %swap3A_1462] {strides = array<i32>} : memref<512x64xf32, #tpu.memory_space<vmem>>, vector<1x16xf32>,
        %swap3A_1464 = vector.shape_cast %swap3A_1463 : vector<1x16xf32> to vector<16xf32>
        %swap3A_1465 = vector.shape_cast %add3A_1441 : vector<16xf32> to vector<1x16xf32>
        tpu.vector_store %arg8[%swap3A_1461, %swap3A_1462], %swap3A_1465 {strides = array<i32>} : memref<512x64xf32, #tpu.memory_space<vmem>>, vector<1x16xf32>,
        %swap3A_1466 = arith.index_cast %add3A_1451 : i32 to index
        %swap3A_1467 = arith.constant 48 : index
        %swap3A_1468 = tpu.vector_load %arg8[%swap3A_1466, %swap3A_1467] {strides = array<i32>} : memref<512x64xf32, #tpu.memory_space<vmem>>, vector<1x16xf32>,
        %swap3A_1469 = vector.shape_cast %swap3A_1468 : vector<1x16xf32> to vector<16xf32>
        %swap3A_1470 = vector.shape_cast %add3A_1448 : vector<16xf32> to vector<1x16xf32>
        tpu.vector_store %arg8[%swap3A_1466, %swap3A_1467], %swap3A_1470 {strides = array<i32>} : memref<512x64xf32, #tpu.memory_space<vmem>>, vector<1x16xf32>,
      }
      %scan3A_53 = arith.constant 8 : i32
      %lt3A_54 = arith.constant 31 : i32
      %lt3A_55 = arith.cmpi slt, %scan3A_22, %lt3A_54 : i32
      %convert_element_type3A_56 = arith.extui %lt3A_55 : i1 to i32
      %cond3A_57 = arith.constant 0 : i32
      %cond3A_58 = arith.cmpi ne, %convert_element_type3A_56, %cond3A_57 : i32
      scf.if %cond3A_58 {
        %add3A_59 = arith.constant 2 : i32
        %add3A_60 = arith.addi %add3A_42, %add3A_59 : i32
        %mul3A_61 = arith.constant 400 : i32
        %mul3A_62 = arith.muli %add3A_60, %mul3A_61 : i32
        %multiple_of3A_63 = tpu.assume_multiple %mul3A_62, 8 : i32
        %dma_start3A_64 = tpu.memref_slice %arg5[%multiple_of3A_63] : memref<25600xi32, #tpu.memory_space<vmem>> -> memref<400xi32, #tpu.memory_space<vmem>>
        %dma_start3A_65 = arith.constant 0 : i32
        %dma_start3A_66 = arith.constant 0 : i32
        %dma_start3A_67 = tpu.memref_slice %arg3[%dma_start3A_65, %dma_start3A_66] : memref<1000000x64xf32, #tpu.memory_space<hbm>> -> memref<1000000x64xf32, #tpu.memory_space<hbm>>
        tpu.enqueue_indirect_dma source(%dma_start3A_67 : memref<1000000x64xf32, #tpu.memory_space<hbm>>) target(%arg7 : memref<400x64xf32, #tpu.memory_space<vmem>>) offsets(%dma_start3A_64 : memref<400xi32, #tpu.memory_space<vmem>>) semaphore(%arg10 : memref<!tpu.dma_semaphore, #tpu.memory_space<semaphore_mem>>)
      } else {
      }
    }
    %scan3A_20 = arith.constant 32 : i32
    %multiple_of3A_21 = tpu.assume_multiple %mul3A_2, 8 : i32
    "tpu.region"() ({
      %run_scoped3A = tpu.sem_alloc : memref<!tpu.dma_semaphore, #tpu.memory_space<semaphore_mem>>
      %dma_start3A_22 = arith.constant 0 : i32
      %dma_start3A_23 = tpu.memref_slice %arg4[%multiple_of3A_21, %dma_start3A_22] : memref<16384x64xf32, #tpu.memory_space<hbm>> -> memref<512x64xf32, #tpu.memory_space<hbm>>
      %dma_start3A_24 = arith.constant 0 : i32
      %dma_start3A_25 = tpu.memref_slice %arg4[%multiple_of3A_21, %dma_start3A_24] : memref<16384x64xf32, #tpu.memory_space<hbm>> -> memref<512x64xf32, #tpu.memory_space<hbm>>
      tpu.enqueue_dma source(%arg8 : memref<512x64xf32, #tpu.memory_space<vmem>>) target(%dma_start3A_25 : memref<512x64xf32, #tpu.memory_space<hbm>>) target_semaphore(%run_scoped3A : memref<!tpu.dma_semaphore, #tpu.memory_space<semaphore_mem>>)
      %dma_wait3A = arith.constant 0 : i32
      %dma_wait3A_26 = tpu.memref_slice %arg4[%multiple_of3A_21, %dma_wait3A] : memref<16384x64xf32, #tpu.memory_space<hbm>> -> memref<512x64xf32, #tpu.memory_space<hbm>>
      %dma_wait3A_27 = arith.constant 0 : i32
      %dma_wait3A_28 = tpu.memref_slice %arg4[%multiple_of3A_21, %dma_wait3A_27] : memref<16384x64xf32, #tpu.memory_space<hbm>> -> memref<512x64xf32, #tpu.memory_space<hbm>>
      tpu.wait_dma2 semaphore(%run_scoped3A : memref<!tpu.dma_semaphore, #tpu.memory_space<semaphore_mem>>) src(%arg8 : memref<512x64xf32, #tpu.memory_space<vmem>>) dst(%dma_wait3A_28 : memref<512x64xf32, #tpu.memory_space<hbm>>)
      tpu.yield
    }) : () -> ()
    return
  }
}

</mosaic_0001>

<sc_bundles>
// kernel: _sc_gather_pool.3.cloned.1.call-start
scs
__scs_entry_jumppad:
0x0: {  	(pc) =	sbr.rel $0x88, $3  }
0x1: {  	(tag) =	ssettag $0x0;
	lr =	simm.s32 $0x1  }
0x2: {  	[smem:$0x3F9F] =	sst lr;
	_ =	strace $0xD0000000  }
0x3: {  	_ = 	snop  }
0x4: {  	_ = 	snop  }
0x5: {  	_ = 	snop  }
0x6: {  	_ = 	snop  }
0x7: {  	_ = 	snop  }
__scs_overlays_trampoline_lowered:
0x8: {  	[smem:$0x3FAE] =	sst s0  }
0x9: {  	[smem:$0x3FAF] =	sst s1  }
0xa: {  	[smem:$0x3FB0] =	sst s2  }
0xb: {  	[smem:$0x3FB1] =	sst s3  }
0xc: {  	[smem:$0x3FB2] =	sst s4  }
0xd: {  	[smem:$0x3FB3] =	sst s5  }
0xe: {  	[smem:$0x3FB4] =	sst s6  }
0xf: {  	[smem:$0x3FB5] =	sst s7  }
0x10: {  	[smem:$0x3FB6] =	sst s8  }
0x11: {  	[smem:$0x3FB7] =	sst s9;
	s0 =	simm.s32 @!p0 $0x0  }
0x12: {  	s1 =	sld [smem:$0x3F9D];
	s0 =	simm.s32 @p0 $0x1  }
0x13: {  	[smem:$0x3FB8] =	sst s0;
	s0 =	simm.s32 @!p1 $0x0  }
0x14: {  	s2 =	sld [smem:$0x3F9C];
	s0 =	simm.s32 @p1 $0x1  }
0x15: {  	[smem:$0x3FB9] =	sst s0;
	s0 =	simm.s32 @!p2 $0x0  }
0x16: {  	s3 =	sld [smem:$0x3FDB];
	s0 =	simm.s32 @p2 $0x1  }
0x17: {  	s4 =	simm.s32 $0x1BF5;
	[smem:$0x3FBB] =	sst s0  }
0x18: {  	s0 =	sld [smem:$0x3F9E];
	_ =	swait.ge [sflag:s4], $0x0  }
0x19: {  	s7 =	sld [smem:$0x3F9F]  }
0x1a: {  	s8 =	sadd.s32 $0xFFFFE003, lr  }
0x1b: {  	s9 =	sadd.s32 $0xFFFFFEF7, lr;
	s5 =	simm.s32 $0xFFFFFFFF;
	p2 =	slt.u32 s8, $0xFFFFF086  }
0x1c: {  	p1 =	slt.u32 s9, $0xF7A;
	s5 =	simm.s32 @!p2 $0x0  }
0x1d: {  	s5 =	simm.s32 @p1 $0x1;
	p0 =	seq.s32 s7, s2  }
0x1e: {  	s7 =	smul.u32 @!p0 $0xF7A, s2;
	p2 =	seq.s32 @!p0 s5, $0x0  }
0x1f: {  	s9 =	smul.u32 $0xF7A, s1;
	s8 =	simm.s32 @!p0 $0x1BF5;
	p2 =	por !p2, p0  }
0x20: {  	[sflag:s8] =	ssyncset.s32 @!p0 $0xFFFFF086;
	s6 =	sadd.s32 @!p0 s3, s7;
	s7 =	simm.s32 @!p0 $0x108  }
0x21: {  	s3 =	sadd.s32 s3, s9;
	s6 =	sadd.s32 @!p0 $0x88, s6;
	s7 =	simm.s32 @p2 $0x1082  }
0x22: {  	[simem:s7], [sflag:s8] =	dma.local @!p0 [hbm:s6], $0xF7A  }
0x23: {  	s9 =	sor.u32 $0xD0000000, s2;
	s6 =	simm.s32 $0x108;
	_ =	swait.ge @!p0 [sflag:s8], $0x0  }
0x24: {  	s3 =	sadd.s32 $0x88, s3;
	s6 =	simm.s32 @!p1 $0x1082;
	[sflag:s4] =	ssyncset.s32 $0xFFFFF086  }
0x25: {  	[simem:s6], [sflag:s4] =	dma.local [hbm:s3], $0xF7A  }
0x26: {  	[smem:$0x3F9F] =	sst s1;
	(tag) =	ssettag s2;
	_ =	strace s9  }
0x27: {  	s1 =	sld [smem:$0x3FAF]  }
0x28: {  	s2 =	sld [smem:$0x3FB0]  }
0x29: {  	s4 =	sld [smem:$0x3FB2]  }
0x2a: {  	p0 =	seq.s32 s5, $0x0;
	s5 =	sld [smem:$0x3FB3]  }
0x2b: {  	s6 =	sld [smem:$0x3FB4]  }
0x2c: {  	s7 =	sld [smem:$0x3FB5]  }
0x2d: {  	s3 =	simm.s32 $0x108;
	s8 =	sld [smem:$0x3FB6]  }
0x2e: {  	s3 =	simm.s32 @!p0 $0x1082;
	s9 =	sld [smem:$0x3FB7]  }
0x2f: {  	lr =	sadd.s32 s0, s3;
	s0 =	sld [smem:$0x3FAE]  }
0x30: {  	s3 =	sld [smem:$0x3FB1]  }
0x31: {  	[smem:$0x3FBA] =	sst s10  }
0x32: {  	s10 =	sld [smem:$0x3FB8];
	_ =	sdelay $0x3  }
0x33: {  	p0 =	seq.s32 s10, $0x1;
	s10 =	sld [smem:$0x3FBA];
	_ =	sdelay $0x3  }
0x34: {  	[smem:$0x3FBA] =	sst s10  }
0x35: {  	s10 =	sld [smem:$0x3FB9];
	_ =	sdelay $0x3  }
0x36: {  	p1 =	seq.s32 s10, $0x1;
	s10 =	sld [smem:$0x3FBA];
	_ =	sdelay $0x3  }
0x37: {  	[smem:$0x3FBA] =	sst s10  }
0x38: {  	s10 =	sld [smem:$0x3FBB]  }
0x39: {  	_ = 	snop;
	(pc) =	sbr.ind lr, $3  }
0x3a: {  	_ = 	snop  }
0x3b: {  	_ = 	snop  }
0x3c: {  	p2 =	seq.s32 s10, $0x1;
	s10 =	sld [smem:$0x3FBA]  }
0x3d: {  	_ =	shalt  }
0x3e: {  	_ =	shalt  }
0x3f: {  	_ =	shalt  }
0x40: {  	_ =	shalt  }
0x41: {  	_ =	shalt  }
0x42: {  	_ =	shalt  }
0x43: {  	_ =	shalt  }
0x44: {  	_ =	shalt  }
0x45: {  	_ =	shalt  }
0x46: {  	_ =	shalt  }
0x47: {  	_ =	shalt  }
0x48: {  	_ =	shalt  }
0x49: {  	_ =	shalt  }
0x4a: {  	_ =	shalt  }
0x4b: {  	_ =	shalt  }
0x4c: {  	_ =	shalt  }
0x4d: {  	_ =	shalt  }
0x4e: {  	_ =	shalt  }
0x4f: {  	_ =	shalt  }
0x50: {  	_ =	shalt  }
0x51: {  	_ =	shalt  }
0x52: {  	_ =	shalt  }
0x53: {  	_ =	shalt  }
0x54: {  	_ =	shalt  }
0x55: {  	_ =	shalt  }
0x56: {  	_ =	shalt  }
0x57: {  	_ =	shalt  }
0x58: {  	_ =	shalt  }
0x59: {  	_ =	shalt  }
0x5a: {  	_ =	shalt  }
0x5b: {  	_ =	shalt  }
0x5c: {  	_ =	shalt  }
0x5d: {  	_ =	shalt  }
0x5e: {  	_ =	shalt  }
0x5f: {  	_ =	shalt  }
0x60: {  	_ =	shalt  }
0x61: {  	_ =	shalt  }
0x62: {  	_ =	shalt  }
0x63: {  	_ =	shalt  }
0x64: {  	_ =	shalt  }
0x65: {  	_ =	shalt  }
0x66: {  	_ =	shalt  }
0x67: {  	_ =	shalt  }
0x68: {  	_ =	shalt  }
0x69: {  	_ =	shalt  }
0x6a: {  	_ =	shalt  }
0x6b: {  	_ =	shalt  }
0x6c: {  	_ =	shalt  }
0x6d: {  	_ =	shalt  }
0x6e: {  	_ =	shalt  }
0x6f: {  	_ =	shalt  }
0x70: {  	_ =	shalt  }
0x71: {  	_ =	shalt  }
0x72: {  	_ =	shalt  }
0x73: {  	_ =	shalt  }
0x74: {  	_ =	shalt  }
0x75: {  	_ =	shalt  }
0x76: {  	_ =	shalt  }
0x77: {  	_ =	shalt  }
0x78: {  	_ =	shalt  }
0x79: {  	_ =	shalt  }
0x7a: {  	_ =	shalt  }
0x7b: {  	_ =	shalt  }
0x7c: {  	_ =	shalt  }
0x7d: {  	_ =	shalt  }
0x7e: {  	_ =	shalt  }
0x7f: {  	_ =	shalt  }
0x80: {  	_ =	shalt  }
0x81: {  	_ =	shalt  }
0x82: {  	_ =	shalt  }
0x83: {  	_ =	shalt  }
0x84: {  	_ =	shalt  }
0x85: {  	_ =	shalt  }
0x86: {  	_ =	shalt  }
0x87: {  	_ =	shalt  }
.Lfunc_end0:
.L_simem_size_0:
called_computation_lowered:
.L_overlay_start_0:
0x88: {  	s2 =	sld [smem:$0x3FD9]  }
0x89: {  	s3 =	sld [smem:$0x3FFE];
	_ =	sdelay $0x1  }
0x8a: {  	s1 =	srdreg.scid  }
0x8b: {  	s0 =	sand.u32 $0x1, s1  }
0x8c: {  	s17 =	sshll.u32 s0, $0xA;
	s2 =	sadd.s32 s3, s2  }
0x8d: {  	s2 =	sadd.s32 s2, s17  }
0x8e: {  	[smem:$0x3FC6] =	sst s2  }
0x8f: {  	_ = 	snop  }
0x90: {  	s2 =	sld [smem:$0x3FC9]  }
0x91: {  	s18 =	sld [smem:$0x3FD0];
	(tm) =	ssettm $0x1  }
0x92: {  	s4 =	sld [smem:$0x3FFB];
	_ =	sdelay $0x3  }
0x93: {  	_ =	strace s4  }
0x94: {  	s4 =	sld [smem:$0x3FFC];
	_ =	sdelay $0x3  }
0x95: {  	_ =	strace s4  }
0x96: {  	s4 =	sld [smem:$0x3FFD];
	_ =	sdelay $0x3  }
0x97: {  	_ =	strace s4  }
0x98: {  	_ =	strace $0x8FFFFFFF  }
0x99: {  	s19 =	sld [smem:$0x3FDB];
	_ =	sdelay $0x1  }
0x9a: {  	s5 =	simm.s32 $_scs_section_size  }
0x9b: {  	s6 =	simm.s32 $_size__tile_overlayer_lowered;
	s7 =	simm.s32 $_tile_overlayer_lowered  }
0x9c: {  	s22 =	simm.s32 $0x1BFF;
	s21 =	sshll.u32 s7, $0x1;
	s4 =	sadd.s32 s5, s19  }
0x9d: {  	s8 =	simm.s32 $0x0;
	s20 =	sshll.u32 s6, $0x1;
	s6 =	sadd.s32 s21, s4  }
0x9e: {  	[timem:s8], [sflag:s22] =	dma.local [hbm:s6], s20  }
0x9f: {  	_ =	swait.ge [sflag:s22], s20  }
0xa0: {  	s5 =	ssub.s32 $0x0, s20;
	[sflag:s22] =	ssyncset.done $0x0  }
0xa1: {  	[sflag:s22] =	ssyncadd.s32 s5;
	_ =	sdelay $0x1  }
0xa2: {  	s23 =	simm.s32 $0x1B8B  }
0xa3: {  	_ =	swait.ge [sflag:s23], $0x1  }
0xa4: {  	[sflag:s23] =	ssyncset.done $0x0  }
0xa5: {  	s25 =	simm.s32 $0x1B8E;
	s24 =	sld [smem:$0x3FFE];
	[sflag:s23] =	ssyncadd.s32 $0xFFFFFFFF  }
0xa6: {  	s26 =	simm.s32 $execute0_lowered;
	[smem:$0x3FD2] =	sst s25  }
0xa7: {  	s6 =	sshll.u32 s26, $0x1;
	_ =	strace $0x80000046;
	[dreg:$0x1] =	wrdreg $0xFFFFFFFF  }
0xa8: {  	s28 =	simm.s32 $_size_execute0_lowered;
	s4 =	sadd.s32 s4, s6;
	[dreg:$0x0] =	wrdreg $0x0  }
0xa9: {  	s6 =	sshll.u32 s28, $0x1;
	[dreg:$0x2] =	wrdreg s4  }
0xaa: {  	[dreg:$0x3] =	wrdreg s6  }
0xab: {  	[dreg:$0x4] =	wrdreg $0xC0  }
0xac: {  	_ =	task [dreg:s8], $0x5FFFF  }
0xad: {  	[dreg:$0x1] =	wrdreg $0xFFFFFFFF  }
0xae: {  	[dreg:$0x0] =	wrdreg $0x60  }
0xaf: {  	[dreg:$0x2] =	wrdreg s2  }
0xb0: {  	[dreg:$0x3] =	wrdreg s24  }
0xb1: {  	[dreg:$0x4] =	wrdreg s18  }
0xb2: {  	[dreg:$0x5] =	wrdreg $0x9  }
0xb3: {  	_ =	task.clear_ibuf [dreg:s8], $0x6FFFF;
	_ =	strace $0x90000046  }
0xb4: {  	s29 =	simm.s32 $0x9;
	_ =	strace $0x80000048  }
0xb5: {  	_ =	swait.ge [sflag:s29], $0x1  }
0xb6: {  	[sflag:s29] =	ssyncadd.s32 $0xFFFFFFFF  }
0xb7: {  	_ =	strace $0x90000048  }
0xb8: {  	_ =	sfence  }
0xb9: {  	s30 =	sld [smem:$0x0];
	_ =	sdelay $0x2  }
0xba: {  	s31 =	sshll.u32 s1, $0xD;
	s1 =	sshrl.u32 s1, $0x2  }
0xbb: {  	s3 =	sand.u32 $0x4000, s31;
	s1 =	sadd.s32 s1, s30  }
0xbc: {  	s0 =	sor.u32 s3, s0;
	s1 =	sshll.u32 s1, $0x11  }
0xbd: {  	s0 =	sor.u32 s1, s0  }
0xbe: {  	s0 =	sadd.s32 $0x8F2B, s0  }
0xbf: {  	[sflag:s0] =	ssyncadd.remote.s32 $0x1  }
0xc0: {  	_ =	sfence.sel $0xFFFF  }
0xc1: {  	[dreg:$0x0] =	wrdreg $0xFFFFFFFF;
	(pc) =	sbr.abs _section_cstart, $3  }
0xc2: {  	[dreg:$0x1] =	wrdreg $0xFFFFFFFF  }
0xc3: {  	_ =	task.clear_ibuf [dreg:s8], $0x2FFFF;
	_ =	strace $0x9FFFFFFF  }
0xc4: {  	(tm) =	ssettm $0x7FFFFFFF  }
0xc5: {  	_ =	shalt  }
tec
execute0_lowered:
.L_overlay_start_1:
0x0: {  	(tag) =	ssettag $0x1  }
0x1: {  	s4 =	rddreg [dreg:$0x0]  }
0x2: {  	s3 =	rddreg [dreg:$0x1]  }
0x3: {  	s5 =	rddreg [dreg:$0x2]  }
0x4: {  	s0 =	rddreg [dreg:$0x3]  }
0x5: {  	s6 =	srdreg.scid;
	s1 =	stileid.u32  }
0x6: {  	s2 =	simm.s32 $0x0;
	s10 =	simm.s32 $0xC800;
	s11 =	simm.s32 $0x1  }
0x7: {  	s12 =	simm.s32 $0x2;
	s13 =	simm.s32 $0x12C00;
	s14 =	simm.s32 $0x0  }
0x8: {  	s6 =	sand.u32 $0x1, s6;
	s7 =	sshll.u32 s1, $0x1;
	[smem:$0x7FF] =	sst s2  }
.Ltmp0:
0x9: {  	s7 =	sor.u32 s6, s7;
	s6 =	ssub.s32 $0x2, s6;
	(pc) =	sbr.rel .LBB2_1-.Ltmp0, $4  }
0xa: {  	s3 =	sadd.s32 $0xF42800, s3;
	_ =	strace $0x80000047;
	s9 =	sshrl.u32 s6, $0x1  }
0xb: {  	s8 =	smul.u32 $0xC80, s7;
	s7 =	sshll.u32 s7, $0xC;
	s6 =	ssub.s32 s6, s9  }
0xc: {  	s5 =	sadd.s32 s5, s7;
	s7 =	simm.s32 $0x3;
	s9 =	simm.s32 $0x6400  }
0xd: {  	s4 =	sadd.s32 s4, s8;
	s6 =	smax.u32 s6, $0x1;
	s8 =	simm.s32 $0x190  }
.LBB2_8:
0xe: {  	s14 =	sadd.s32 $0x1, s14  }
0xf: {  	p0 =	sne.s32 s14, s6  }
.Ltmp1:
0x10: {  	_ = 	snop;
	(pc) =	sbr.rel @!p0 .LBB2_9-.Ltmp1, $4  }
0x11: {  	[hbm4b:s5+s2] =	stream.linear.scatter [tilespmem:s13], [sflag:$0x3], $0x8000, $0x38;
	[tilespmem:$0x1AC00] =	vst v63  }
0x12: {  	_ =	swait.ge [sflag:s7], $0x8000  }
0x13: {  	[sflag:s7] =	ssyncset.done $0x0  }
0x14: {  	[sflag:s7] =	ssyncadd.s32 $0xFFFF8000  }
.LBB2_1:
0x15: {  	[tilespmem:s2], [sflag:$0x3] =	stream.linear.gather [hbm4b:s4+s2], $0x6400, $0x38;
	[tilespmem:$0x1AC00] =	vst v63  }
0x16: {  	_ =	swait.ge [sflag:s7], $0x6400  }
0x17: {  	[sflag:s7] =	ssyncset.done $0x0  }
0x18: {  	[sflag:s7] =	ssyncadd.s32 $0xFFFF9C00  }
0x19: {  	[tilespmem:s9], [sflag:$0x1] =	stream.indirect.gather [hbm4b:s3+s8], $0x40, s2, s8, $0xb8;
	[tilespmem:$0x1AC00] =	vst v63  }
0x1a: {  	s15 =	simm.s32 $0x0  }
0x1b: {  	[tilespmem:s10], [sflag:$0x2] =	stream.indirect.gather [hbm4b:s3+s8], $0x40, s8, s8, $0xb8;
	[tilespmem:$0x1AC00] =	vst v63  }
.LBB2_2:
0x1c: {  	s16 =	sshll.u32 s15, $0xA  }
0x1d: {  	s16 =	sand.u32 $0x3FFFFC00, s16  }
0x1e: {  	_ =	swait.ge [sflag:s11], $0x6400;
	s17 =	sadd.s32 $0x12C00, s16  }
0x1f: {  	[sflag:s11] =	ssyncset.done $0x0;
	v4 =	vmov s17  }
0x20: {  	[sflag:s11] =	ssyncadd.s32 $0xFFFF9C00;
	s16 =	simm.s32 $0x0;
	[tilespmem:$0x1FFF0] =	vst v4  }
.LBB2_3:
0x21: {  	s17 =	smul.u32 $0x3200, s16;
	_ =	sdelay $0x1  }
0x22: {  	s17 =	sshra.s32 s17, $0x2  }
0x23: {  	v57 =	vld [tilespmem:s17+$0x67F0];
	_ =	sdelay $0x4  }
0x24: {  	[tilespmem:$0x1FD70] =	vst v57;
	v57 =	vld [tilespmem:s17+$0x6810];
	_ =	sdelay $0x4  }
0x25: {  	[tilespmem:$0x1FD80] =	vst v57;
	v57 =	vld [tilespmem:s17+$0x6820]  }
0x26: {  	v4 =	vld [tilespmem:s17+$0x6400]  }
0x27: {  	v5 =	vld [tilespmem:s17+$0x6410]  }
0x28: {  	v6 =	vld [tilespmem:s17+$0x6420]  }
0x29: {  	v17 =	vld [tilespmem:s17+$0x6430]  }
0x2a: {  	[tilespmem:$0x1FD90] =	vst v57;
	v57 =	vld [tilespmem:s17+$0x6830]  }
0x2b: {  	v18 =	vld [tilespmem:s17+$0x6440]  }
0x2c: {  	v21 =	vld [tilespmem:s17+$0x6450]  }
0x2d: {  	v22 =	vld [tilespmem:s17+$0x6460]  }
0x2e: {  	v33 =	vld [tilespmem:s17+$0x6470]  }
0x2f: {  	[tilespmem:$0x1FDB0] =	vst v57;
	v57 =	vld [tilespmem:s17+$0x6840]  }
0x30: {  	v34 =	vld [tilespmem:s17+$0x6480]  }
0x31: {  	v37 =	vld [tilespmem:s17+$0x6490]  }
0x32: {  	v38 =	vld [tilespmem:s17+$0x64A0]  }
0x33: {  	v49 =	vld [tilespmem:s17+$0x64B0]  }
0x34: {  	[tilespmem:$0x1FDA0] =	vst v57;
	v57 =	vld [tilespmem:s17+$0x6850]  }
0x35: {  	v50 =	vld [tilespmem:s17+$0x64C0]  }
0x36: {  	v53 =	vld [tilespmem:s17+$0x64D0]  }
0x37: {  	v54 =	vld [tilespmem:s17+$0x64E0]  }
0x38: {  	v63 =	vld [tilespmem:s17+$0x64F0]  }
0x39: {  	[tilespmem:$0x1FDC0] =	vst v57;
	v57 =	vld [tilespmem:s17+$0x6860]  }
0x3a: {  	v0 =	vld [tilespmem:s17+$0x6500]  }
0x3b: {  	v1 =	vld [tilespmem:s17+$0x6510]  }
0x3c: {  	v3 =	vld [tilespmem:s17+$0x6520]  }
0x3d: {  	v10 =	vld [tilespmem:s17+$0x6530]  }
0x3e: {  	[tilespmem:$0x1FDD0] =	vst v57;
	v57 =	vld [tilespmem:s17+$0x6870]  }
0x3f: {  	v2 =	vld [tilespmem:s17+$0x6540]  }
0x40: {  	v7 =	vld [tilespmem:s17+$0x6550]  }
0x41: {  	v9 =	vld [tilespmem:s17+$0x6560]  }
0x42: {  	v14 =	vld [tilespmem:s17+$0x6570]  }
0x43: {  	[tilespmem:$0x1FDF0] =	vst v57;
	v57 =	vld [tilespmem:s17+$0x6880]  }
0x44: {  	v8 =	vld [tilespmem:s17+$0x6580]  }
0x45: {  	v11 =	vld [tilespmem:s17+$0x6590]  }
0x46: {  	v13 =	vld [tilespmem:s17+$0x65A0]  }
0x47: {  	v20 =	vld [tilespmem:s17+$0x65B0]  }
0x48: {  	[tilespmem:$0x1FDE0] =	vst v57;
	v57 =	vld [tilespmem:s17+$0x6890]  }
0x49: {  	v12 =	vld [tilespmem:s17+$0x65C0]  }
0x4a: {  	v15 =	vld [tilespmem:s17+$0x65D0]  }
0x4b: {  	v19 =	vld [tilespmem:s17+$0x65E0]  }
0x4c: {  	v26 =	vld [tilespmem:s17+$0x65F0]  }
0x4d: {  	[tilespmem:$0x1FE00] =	vst v57;
	v57 =	vld [tilespmem:s17+$0x68A0]  }
0x4e: {  	v16 =	vld [tilespmem:s17+$0x6600]  }
0x4f: {  	v23 =	vld [tilespmem:s17+$0x6610]  }
0x50: {  	v25 =	vld [tilespmem:s17+$0x6620]  }
0x51: {  	v30 =	vld [tilespmem:s17+$0x6630]  }
0x52: {  	[tilespmem:$0x1FE10] =	vst v57;
	v57 =	vld [tilespmem:s17+$0x68B0]  }
0x53: {  	v24 =	vld [tilespmem:s17+$0x6640]  }
0x54: {  	v27 =	vld [tilespmem:s17+$0x6650]  }
0x55: {  	v29 =	vld [tilespmem:s17+$0x6660]  }
0x56: {  	v36 =	vld [tilespmem:s17+$0x6670]  }
0x57: {  	[tilespmem:$0x1FE30] =	vst v57;
	v57 =	vld [tilespmem:s17+$0x68C0]  }
0x58: {  	v28 =	vld [tilespmem:s17+$0x6680]  }
0x59: {  	v31 =	vld [tilespmem:s17+$0x6690]  }
0x5a: {  	v35 =	vld [tilespmem:s17+$0x66A0]  }
0x5b: {  	v42 =	vld [tilespmem:s17+$0x66B0]  }
0x5c: {  	[tilespmem:$0x1FE20] =	vst v57;
	v57 =	vld [tilespmem:s17+$0x68D0]  }
0x5d: {  	v32 =	vld [tilespmem:s17+$0x66C0]  }
0x5e: {  	v39 =	vld [tilespmem:s17+$0x66D0]  }
0x5f: {  	v41 =	vld [tilespmem:s17+$0x66E0]  }
0x60: {  	v46 =	vld [tilespmem:s17+$0x66F0]  }
0x61: {  	[tilespmem:$0x1FE40] =	vst v57;
	v57 =	vld [tilespmem:s17+$0x68E0]  }
0x62: {  	v40 =	vld [tilespmem:s17+$0x6700]  }
0x63: {  	v43 =	vld [tilespmem:s17+$0x6710]  }
0x64: {  	v45 =	vld [tilespmem:s17+$0x6720]  }
0x65: {  	v52 =	vld [tilespmem:s17+$0x6730]  }
0x66: {  	[tilespmem:$0x1FE50] =	vst v57;
	v57 =	vld [tilespmem:s17+$0x68F0]  }
0x67: {  	v44 =	vld [tilespmem:s17+$0x6740]  }
0x68: {  	v47 =	vld [tilespmem:s17+$0x6750]  }
0x69: {  	v51 =	vld [tilespmem:s17+$0x6760]  }
0x6a: {  	v61 =	vld [tilespmem:s17+$0x6770]  }
0x6b: {  	[tilespmem:$0x1FE70] =	vst v57;
	v57 =	vld [tilespmem:s17+$0x6900]  }
0x6c: {  	v48 =	vld [tilespmem:s17+$0x6780]  }
0x6d: {  	v55 =	vld [tilespmem:s17+$0x6790]  }
0x6e: {  	v62 =	vld [tilespmem:s17+$0x67A0]  }
0x6f: {  	v56 =	vld [tilespmem:s17+$0x67B0]  }
0x70: {  	[tilespmem:$0x1FE60] =	vst v57;
	v57 =	vld [tilespmem:s17+$0x6910]  }
0x71: {  	v59 =	vld [tilespmem:s17+$0x67D0]  }
0x72: {  	v58 =	vld [tilespmem:s17+$0x67E0]  }
0x73: {  	v60 =	vld [tilespmem:s17+$0x6800]  }
0x74: {  	[tilespmem:$0x1FD60] =	vst v56;
	v56 =	vld [tilespmem:s17+$0x67C0]  }
0x75: {  	[tilespmem:$0x1FE80] =	vst v57;
	v57 =	vld [tilespmem:s17+$0x6920]  }
0x76: {  	v18 =	vadd.f32 v18, v4;
	v4 =	vld [tilespmem:s17+$0x6A90]  }
0x77: {  	v21 =	vadd.f32 v21, v5;
	v5 =	vld [tilespmem:s17+$0x6AA0]  }
0x78: {  	v22 =	vadd.f32 v22, v6;
	v6 =	vld [tilespmem:s17+$0x6AB0]  }
0x79: {  	v33 =	vadd.f32 v33, v17;
	v17 =	vld [tilespmem:s17+$0x6AC0];
	v18 =	vadd.f32 v34, v18  }
0x7a: {  	v21 =	vadd.f32 v37, v21;
	[tilespmem:$0x1FE90] =	vst v57;
	v57 =	vld [tilespmem:s17+$0x6930]  }
0x7b: {  	v22 =	vadd.f32 v38, v22;
	v34 =	vadd.f32 v50, v18;
	v18 =	vld [tilespmem:s17+$0x6AD0]  }
0x7c: {  	v33 =	vadd.f32 v49, v33;
	v37 =	vadd.f32 v53, v21;
	v21 =	vld [tilespmem:s17+$0x6AE0]  }
0x7d: {  	v38 =	vadd.f32 v54, v22;
	v22 =	vld [tilespmem:s17+$0x6AF0]  }
0x7e: {  	v49 =	vadd.f32 v63, v33;
	v33 =	vld [tilespmem:s17+$0x6B00]  }
0x7f: {  	[tilespmem:$0x1FEB0] =	vst v57;
	v57 =	vld [tilespmem:s17+$0x6940]  }
0x80: {  	v50 =	vld [tilespmem:s17+$0x6B50]  }
0x81: {  	v53 =	vld [tilespmem:s17+$0x6B60]  }
0x82: {  	v0 =	vadd.f32 v0, v34;
	v34 =	vld [tilespmem:s17+$0x6B10]  }
0x83: {  	v1 =	vadd.f32 v1, v37;
	v37 =	vld [tilespmem:s17+$0x6B20]  }
0x84: {  	[tilespmem:$0x1FEA0] =	vst v57;
	v57 =	vld [tilespmem:s17+$0x6950]  }
0x85: {  	v3 =	vadd.f32 v3, v38;
	v38 =	vld [tilespmem:s17+$0x6B30]  }
0x86: {  	v54 =	vadd.f32 v10, v49;
	v49 =	vld [tilespmem:s17+$0x6B40]  }
0x87: {  	v10 =	vld [tilespmem:s17+$0x6BB0]  }
0x88: {  	v0 =	vadd.f32 v2, v0;
	v2 =	vadd.f32 v14, v54;
	v54 =	vld [tilespmem:s17+$0x6B70]  }
0x89: {  	[tilespmem:$0x1FEC0] =	vst v57;
	v57 =	vld [tilespmem:s17+$0x6960]  }
0x8a: {  	v1 =	vadd.f32 v7, v1;
	v7 =	vld [tilespmem:s17+$0x6B80]  }
0x8b: {  	v3 =	vadd.f32 v9, v3;
	v9 =	vld [tilespmem:s17+$0x6BA0]  }
0x8c: {  	v14 =	vld [tilespmem:s17+$0x6BF0]  }
0x8d: {  	v0 =	vadd.f32 v8, v0;
	v8 =	vld [tilespmem:s17+$0x6B90]  }
0x8e: {  	[tilespmem:$0x1FED0] =	vst v57;
	v57 =	vld [tilespmem:s17+$0x6970]  }
0x8f: {  	v1 =	vadd.f32 v11, v1;
	v11 =	vld [tilespmem:s17+$0x6BC0]  }
0x90: {  	v3 =	vadd.f32 v13, v3;
	v13 =	vld [tilespmem:s17+$0x6BE0]  }
0x91: {  	v2 =	vadd.f32 v20, v2;
	v20 =	vld [tilespmem:s17+$0x6C30]  }
0x92: {  	v0 =	vadd.f32 v12, v0;
	v12 =	vld [tilespmem:s17+$0x6BD0]  }
0x93: {  	[tilespmem:$0x1FEF0] =	vst v57;
	v57 =	vld [tilespmem:s17+$0x6980]  }
0x94: {  	v1 =	vadd.f32 v15, v1;
	v15 =	vld [tilespmem:s17+$0x6C00]  }
0x95: {  	v3 =	vadd.f32 v19, v3;
	v19 =	vld [tilespmem:s17+$0x6C20]  }
0x96: {  	v2 =	vadd.f32 v26, v2;
	v26 =	vld [tilespmem:s17+$0x6C70]  }
0x97: {  	v0 =	vadd.f32 v16, v0;
	v16 =	vld [tilespmem:s17+$0x6C10]  }
0x98: {  	[tilespmem:$0x1FEE0] =	vst v57;
	v57 =	vld [tilespmem:s17+$0x6990]  }
0x99: {  	v1 =	vadd.f32 v23, v1;
	v23 =	vld [tilespmem:s17+$0x6C40]  }
0x9a: {  	v3 =	vadd.f32 v25, v3;
	v2 =	vadd.f32 v30, v2;
	v25 =	vld [tilespmem:s17+$0x6C60]  }
0x9b: {  	v30 =	vld [tilespmem:s17+$0x6CB0];
	v0 =	vadd.f32 v24, v0;
	v1 =	vadd.f32 v27, v1  }
0x9c: {  	v3 =	vadd.f32 v29, v3;
	v2 =	vadd.f32 v36, v2;
	v24 =	vld [tilespmem:s17+$0x6C50]  }
0x9d: {  	v0 =	vadd.f32 v28, v0;
	v1 =	vadd.f32 v31, v1;
	[tilespmem:$0x1FF00] =	vst v57;
	v57 =	vld [tilespmem:s17+$0x69A0]  }
0x9e: {  	v27 =	vld [tilespmem:s17+$0x6C80];
	v3 =	vadd.f32 v35, v3;
	v2 =	vadd.f32 v42, v2  }
0x9f: {  	v29 =	vld [tilespmem:s17+$0x6CA0];
	v0 =	vadd.f32 v32, v0;
	v1 =	vadd.f32 v39, v1  }
0xa0: {  	v28 =	vld [tilespmem:s17+$0x6C90];
	v3 =	vadd.f32 v41, v3;
	v2 =	vadd.f32 v46, v2  }
0xa1: {  	v31 =	vld [tilespmem:s17+$0x6CC0];
	v0 =	vadd.f32 v40, v0;
	v1 =	vadd.f32 v43, v1  }
0xa2: {  	v3 =	vadd.f32 v45, v3;
	v2 =	vadd.f32 v52, v2;
	[tilespmem:$0x1FF10] =	vst v57;
	v57 =	vld [tilespmem:s17+$0x69B0]  }
0xa3: {  	v32 =	vld [tilespmem:s17+$0x6CD0];
	v0 =	vadd.f32 v44, v0;
	v1 =	vadd.f32 v47, v1  }
0xa4: {  	v3 =	vadd.f32 v51, v3;
	v2 =	vadd.f32 v61, v2;
	v61 =	vld [tilespmem:$0x1FDB0]  }
0xa5: {  	v1 =	vadd.f32 v55, v1;
	v55 =	vld [tilespmem:$0x1FD60]  }
0xa6: {  	v0 =	vadd.f32 v48, v0;
	v3 =	vadd.f32 v62, v3;
	v62 =	vld [tilespmem:$0x1FDC0]  }
0xa7: {  	[tilespmem:$0x1FF30] =	vst v57;
	v57 =	vld [tilespmem:s17+$0x69C0]  }
0xa8: {  	v0 =	vadd.f32 v56, v0;
	v56 =	vld [tilespmem:$0x1FD70]  }
0xa9: {  	v3 =	vadd.f32 v58, v3;
	v58 =	vld [tilespmem:$0x1FD80]  }
0xaa: {  	v1 =	vadd.f32 v59, v1;
	v59 =	vld [tilespmem:$0x1FD90]  }
0xab: {  	v0 =	vadd.f32 v60, v0;
	v60 =	vld [tilespmem:$0x1FDA0]  }
0xac: {  	v2 =	vadd.f32 v55, v2;
	[tilespmem:$0x1FF20] =	vst v57;
	v57 =	vld [tilespmem:s17+$0x69D0]  }
0xad: {  	v36 =	vld [tilespmem:$0x1FDF0]  }
0xae: {  	v2 =	vadd.f32 v56, v2;
	v35 =	vld [tilespmem:$0x1FDE0]  }
0xaf: {  	v63 =	vld [tilespmem:$0x1FDD0]  }
0xb0: {  	v2 =	vadd.f32 v61, v2;
	v39 =	vld [tilespmem:$0x1FE00]  }
0xb1: {  	v1 =	vadd.f32 v58, v1;
	v0 =	vadd.f32 v60, v0;
	[tilespmem:$0x1FF40] =	vst v57;
	v57 =	vld [tilespmem:s17+$0x69E0]  }
0xb2: {  	v2 =	vadd.f32 v36, v2;
	v36 =	vld [tilespmem:s17+$0x6CF0]  }
0xb3: {  	v1 =	vadd.f32 v62, v1;
	v0 =	vadd.f32 v35, v0;
	v35 =	vld [tilespmem:s17+$0x6CE0]  }
0xb4: {  	v40 =	vld [tilespmem:$0x1FE10]  }
0xb5: {  	v3 =	vadd.f32 v59, v3;
	v1 =	vadd.f32 v39, v1;
	v39 =	vld [tilespmem:s17+$0x6D00]  }
0xb6: {  	[tilespmem:$0x1FF50] =	vst v57;
	v57 =	vld [tilespmem:s17+$0x69F0]  }
0xb7: {  	v3 =	vadd.f32 v63, v3;
	v42 =	vld [tilespmem:$0x1FE30]  }
0xb8: {  	v41 =	vld [tilespmem:$0x1FE20]  }
0xb9: {  	v3 =	vadd.f32 v40, v3;
	v40 =	vld [tilespmem:s17+$0x6D10]  }
0xba: {  	v43 =	vld [tilespmem:$0x1FE40]  }
0xbb: {  	[tilespmem:$0x1FF70] =	vst v57;
	v57 =	vld [tilespmem:s17+$0x6A00]  }
0xbc: {  	v2 =	vadd.f32 v42, v2;
	v42 =	vld [tilespmem:s17+$0x6D30]  }
0xbd: {  	v0 =	vadd.f32 v41, v0;
	v41 =	vld [tilespmem:s17+$0x6D20]  }
0xbe: {  	v44 =	vld [tilespmem:$0x1FE50]  }
0xbf: {  	v1 =	vadd.f32 v43, v1;
	v43 =	vld [tilespmem:s17+$0x6D40]  }
0xc0: {  	[tilespmem:$0x1FF60] =	vst v57;
	v57 =	vld [tilespmem:s17+$0x6A10]  }
0xc1: {  	v46 =	vld [tilespmem:$0x1FE70]  }
0xc2: {  	v45 =	vld [tilespmem:$0x1FE60]  }
0xc3: {  	v3 =	vadd.f32 v44, v3;
	v44 =	vld [tilespmem:s17+$0x6D50]  }
0xc4: {  	v47 =	vld [tilespmem:$0x1FE80]  }
0xc5: {  	[tilespmem:$0x1FF80] =	vst v57;
	v57 =	vld [tilespmem:s17+$0x6A20]  }
0xc6: {  	v2 =	vadd.f32 v46, v2;
	v46 =	vld [tilespmem:s17+$0x6D70]  }
0xc7: {  	v0 =	vadd.f32 v45, v0;
	v45 =	vld [tilespmem:s17+$0x6D60]  }
0xc8: {  	v48 =	vld [tilespmem:$0x1FE90]  }
0xc9: {  	v1 =	vadd.f32 v47, v1;
	v47 =	vld [tilespmem:s17+$0x6D80]  }
0xca: {  	[tilespmem:$0x1FF90] =	vst v57;
	v57 =	vld [tilespmem:s17+$0x6A30]  }
0xcb: {  	v52 =	vld [tilespmem:$0x1FEB0]  }
0xcc: {  	v51 =	vld [tilespmem:$0x1FEA0]  }
0xcd: {  	v55 =	vld [tilespmem:$0x1FEC0]  }
0xce: {  	v56 =	vld [tilespmem:$0x1FED0]  }
0xcf: {  	[tilespmem:$0x1FFB0] =	vst v57;
	v57 =	vld [tilespmem:s17+$0x6A40]  }
0xd0: {  	v59 =	vld [tilespmem:$0x1FEF0]  }
0xd1: {  	v58 =	vld [tilespmem:$0x1FEE0]  }
0xd2: {  	v60 =	vld [tilespmem:$0x1FF00]  }
0xd3: {  	v61 =	vld [tilespmem:$0x1FF10]  }
0xd4: {  	[tilespmem:$0x1FFA0] =	vst v57;
	v57 =	vld [tilespmem:s17+$0x6A50]  }
0xd5: {  	v63 =	vld [tilespmem:$0x1FF30]  }
0xd6: {  	v62 =	vld [tilespmem:$0x1FF20]  }
0xd7: {  	v3 =	vadd.f32 v48, v3;
	v48 =	vld [tilespmem:$0x1FF40]  }
0xd8: {  	v0 =	vadd.f32 v51, v0;
	v51 =	vld [tilespmem:$0x1FF50]  }
0xd9: {  	[tilespmem:$0x1FFC0] =	vst v57;
	v57 =	vld [tilespmem:s17+$0x6A60]  }
0xda: {  	v1 =	vadd.f32 v55, v1;
	v55 =	vld [tilespmem:$0x1FF70]  }
0xdb: {  	v2 =	vadd.f32 v52, v2;
	v52 =	vld [tilespmem:$0x1FF60]  }
0xdc: {  	v3 =	vadd.f32 v56, v3;
	v56 =	vld [tilespmem:$0x1FF80]  }
0xdd: {  	v0 =	vadd.f32 v58, v0;
	v58 =	vld [tilespmem:$0x1FF90]  }
0xde: {  	[tilespmem:$0x1FFD0] =	vst v57;
	v57 =	vld [tilespmem:s17+$0x6A70]  }
0xdf: {  	v1 =	vadd.f32 v60, v1;
	v60 =	vld [tilespmem:$0x1FFB0]  }
0xe0: {  	v3 =	vadd.f32 v61, v3;
	v61 =	vld [tilespmem:$0x1FFC0]  }
0xe1: {  	v2 =	vadd.f32 v59, v2;
	v1 =	vadd.f32 v48, v1;
	v59 =	vld [tilespmem:$0x1FFA0]  }
0xe2: {  	v0 =	vadd.f32 v62, v0;
	v62 =	vld [tilespmem:$0x1FFD0]  }
0xe3: {  	v2 =	vadd.f32 v63, v2;
	v1 =	vadd.f32 v56, v1;
	[tilespmem:$0x1FFE0] =	vst v57;
	v57 =	vld [tilespmem:s17+$0x6A80]  }
0xe4: {  	v3 =	vadd.f32 v51, v3;
	v0 =	vadd.f32 v52, v0;
	v63 =	vld [tilespmem:$0x1FFE0]  }
0xe5: {  	v48 =	vld [tilespmem:s17+$0x6D90];
	v2 =	vadd.f32 v55, v2;
	v1 =	vadd.f32 v61, v1  }
0xe6: {  	v51 =	vld [tilespmem:s17+$0x6DA0];
	v3 =	vadd.f32 v58, v3;
	v0 =	vadd.f32 v59, v0  }
0xe7: {  	v55 =	vld [tilespmem:s17+$0x6E40];
	v2 =	vadd.f32 v60, v2;
	v1 =	vadd.f32 v4, v1  }
0xe8: {  	v52 =	vld [tilespmem:s17+$0x6DB0];
	v3 =	vadd.f32 v62, v3;
	v0 =	vadd.f32 v57, v0  }
0xe9: {  	v56 =	vld [tilespmem:s17+$0x6E50];
	v1 =	vadd.f32 v18, v1;
	v2 =	vadd.f32 v63, v2  }
0xea: {  	v58 =	vld [tilespmem:s17+$0x6E70];
	v3 =	vadd.f32 v5, v3;
	v0 =	vadd.f32 v17, v0  }
0xeb: {  	v60 =	vld [tilespmem:s17+$0x6E90];
	v1 =	vadd.f32 v34, v1;
	v2 =	vadd.f32 v6, v2  }
0xec: {  	v59 =	vld [tilespmem:s17+$0x6E80];
	v3 =	vadd.f32 v21, v3;
	v0 =	vadd.f32 v33, v0  }
0xed: {  	v61 =	vld [tilespmem:s17+$0x6EA0];
	v1 =	vadd.f32 v50, v1;
	v2 =	vadd.f32 v22, v2  }
0xee: {  	v4 =	vld [tilespmem:s17+$0x6DC0];
	v3 =	vadd.f32 v37, v3;
	v0 =	vadd.f32 v49, v0  }
0xef: {  	v18 =	vld [tilespmem:s17+$0x6E00];
	v1 =	vadd.f32 v8, v1;
	v2 =	vadd.f32 v38, v2  }
0xf0: {  	v62 =	vld [tilespmem:s17+$0x6EB0];
	v3 =	vadd.f32 v53, v3;
	v0 =	vadd.f32 v7, v0  }
0xf1: {  	v34 =	vld [tilespmem:s17+$0x6EE0];
	v1 =	vadd.f32 v12, v1;
	v2 =	vadd.f32 v54, v2  }
0xf2: {  	v5 =	vld [tilespmem:s17+$0x6DD0];
	v3 =	vadd.f32 v9, v3;
	v0 =	vadd.f32 v11, v0  }
0xf3: {  	v50 =	vld [tilespmem:s17+$0x6E20];
	v1 =	vadd.f32 v16, v1;
	v2 =	vadd.f32 v10, v2  }
0xf4: {  	v57 =	vld [tilespmem:s17+$0x6E60];
	v3 =	vadd.f32 v13, v3;
	v0 =	vadd.f32 v15, v0  }
0xf5: {  	v63 =	vld [tilespmem:s17+$0x6EC0];
	v1 =	vadd.f32 v24, v1;
	v2 =	vadd.f32 v14, v2  }
0xf6: {  	v17 =	vld [tilespmem:s17+$0x6DF0];
	v3 =	vadd.f32 v19, v3;
	v0 =	vadd.f32 v23, v0  }
0xf7: {  	v37 =	vld [tilespmem:s17+$0x6EF0];
	v1 =	vadd.f32 v28, v1;
	v2 =	vadd.f32 v20, v2  }
0xf8: {  	v6 =	vld [tilespmem:s17+$0x6DE0];
	v3 =	vadd.f32 v25, v3;
	v0 =	vadd.f32 v27, v0  }
0xf9: {  	v53 =	vld [tilespmem:s17+$0x6E30];
	v1 =	vadd.f32 v32, v1;
	v2 =	vadd.f32 v26, v2  }
0xfa: {  	v33 =	vld [tilespmem:s17+$0x6ED0];
	v3 =	vadd.f32 v29, v3;
	v0 =	vadd.f32 v31, v0  }
0xfb: {  	v49 =	vld [tilespmem:s17+$0x6E10];
	v1 =	vadd.f32 v40, v1;
	v2 =	vadd.f32 v30, v2  }
0xfc: {  	v38 =	vld [tilespmem:s17+$0x6F00];
	v3 =	vadd.f32 v35, v3;
	v0 =	vadd.f32 v39, v0  }
0xfd: {  	v54 =	vld [tilespmem:s17+$0x7000];
	v1 =	vadd.f32 v44, v1;
	v2 =	vadd.f32 v36, v2  }
0xfe: {  	v40 =	vld [tilespmem:s17+$0x6F20];
	v3 =	vadd.f32 v41, v3;
	v0 =	vadd.f32 v43, v0  }
0xff: {  	v44 =	vld [tilespmem:s17+$0x6F60];
	v1 =	vadd.f32 v48, v1;
	v2 =	vadd.f32 v42, v2  }
0x100: {  	v48 =	vld [tilespmem:s17+$0x6FA0];
	v3 =	vadd.f32 v45, v3;
	v0 =	vadd.f32 v47, v0  }
0x101: {  	v41 =	vld [tilespmem:s17+$0x6F30];
	v1 =	vadd.f32 v5, v1;
	v2 =	vadd.f32 v46, v2  }
0x102: {  	v39 =	vld [tilespmem:s17+$0x6F10];
	v3 =	vadd.f32 v51, v3;
	v0 =	vadd.f32 v4, v0  }
0x103: {  	v45 =	vld [tilespmem:s17+$0x6F70];
	v1 =	vadd.f32 v49, v1;
	v2 =	vadd.f32 v52, v2  }
0x104: {  	v49 =	vld [tilespmem:s17+$0x6FB0];
	v3 =	vadd.f32 v6, v3;
	v0 =	vadd.f32 v18, v0  }
0x105: {  	v43 =	vld [tilespmem:s17+$0x6F50];
	v2 =	vadd.f32 v17, v2  }
0x106: {  	v51 =	vld [tilespmem:s17+$0x6FD0];
	v3 =	vadd.f32 v50, v3;
	v0 =	vadd.f32 v55, v0  }
0x107: {  	v42 =	vld [tilespmem:s17+$0x6F40];
	v1 =	vadd.f32 v56, v1;
	v2 =	vadd.f32 v53, v2  }
0x108: {  	v56 =	vld [tilespmem:s17+$0x7020];
	v3 =	vadd.f32 v57, v3;
	v0 =	vadd.f32 v59, v0  }
0x109: {  	v47 =	vld [tilespmem:s17+$0x6F90];
	v1 =	vadd.f32 v60, v1;
	v2 =	vadd.f32 v58, v2  }
0x10a: {  	v46 =	vld [tilespmem:s17+$0x6F80];
	v3 =	vadd.f32 v61, v3;
	v0 =	vadd.f32 v63, v0  }
0x10b: {  	v50 =	vld [tilespmem:s17+$0x6FC0];
	v1 =	vadd.f32 v33, v1;
	v2 =	vadd.f32 v62, v2  }
0x10c: {  	v52 =	vld [tilespmem:s17+$0x6FE0];
	v3 =	vadd.f32 v34, v3;
	v0 =	vadd.f32 v38, v0  }
0x10d: {  	v57 =	vld [tilespmem:s17+$0x7030];
	v1 =	vadd.f32 v39, v1;
	v2 =	vadd.f32 v37, v2  }
0x10e: {  	v55 =	vld [tilespmem:s17+$0x7010];
	v3 =	vadd.f32 v40, v3;
	v0 =	vadd.f32 v42, v0  }
0x10f: {  	v53 =	vld [tilespmem:s17+$0x6FF0];
	v1 =	vadd.f32 v43, v1;
	v2 =	vadd.f32 v41, v2  }
0x110: {  	v62 =	vld [tilespmem:$0x1FFF0];
	v3 =	vadd.f32 v44, v3;
	v0 =	vadd.f32 v46, v0  }
0x111: {  	v1 =	vadd.f32 v47, v1;
	v58 =	vld [tilespmem:s17+$0x7040];
	v2 =	vadd.f32 v45, v2  }
0x112: {  	v59 =	vld [tilespmem:s17+$0x7050];
	v3 =	vadd.f32 v48, v3;
	v0 =	vadd.f32 v50, v0  }
0x113: {  	v60 =	vld [tilespmem:s17+$0x7060];
	v1 =	vadd.f32 v51, v1;
	v2 =	vadd.f32 v49, v2  }
0x114: {  	v61 =	vld [tilespmem:s17+$0x7070];
	v3 =	vadd.f32 v52, v3;
	v0 =	vadd.f32 v54, v0  }
0x115: {  	v1 =	vadd.f32 v55, v1;
	v2 =	vadd.f32 v53, v2  }
0x116: {  	s31 =	sshll.u32 s16, $0x6;
	p0 =	sne.s32 s16, $0x7;
	v3 =	vadd.f32 v56, v3;
	v0 =	vadd.f32 v58, v0  }
.Ltmp2:
0x117: {  	s17 =	sand.u32 $0x3FFFFFC0, s31;
	v1 =	vadd.f32 v59, v1;
	v2 =	vadd.f32 v57, v2;
	(pc) =	sbr.rel @p0 .LBB2_3-.Ltmp2, $4  }
0x118: {  	v3 =	vadd.f32 v60, v3;
	[tilespmem:v62+s17+$0x0 ss:$0x1] =	vst.idx.msk $0xffff, v0  }
0x119: {  	v63 =	vadd.f32 v61, v2;
	[tilespmem:v62+s17+$0x10 ss:$0x1] =	vst.idx.msk $0xffff, v1  }
0x11a: {  	[tilespmem:v62+s17+$0x20 ss:$0x1] =	vst.idx.msk $0xffff, v3  }
0x11b: {  	s16 =	sadd.s32 $0x1, s16;
	[tilespmem:v62+s17+$0x30 ss:$0x1] =	vst.idx.msk $0xffff, v63  }
0x11c: {  	p0 =	seq.s32 s15, $0x1F  }
0x11d: {  	s16 =	smul.u32 @!p0 $0xC80, s15;
	_ =	sdelay $0x1  }
0x11e: {  	s16 =	sshra.s32 @!p0 s16, $0x2  }
0x11f: {  	s17 =	simm.s32 @!p0 $0x190;
	s18 =	simm.s32 @!p0 $0x6400;
	s16 =	sadd.s32 @!p0 $0x320, s16  }
0x120: {  	[tilespmem:s18], [sflag:$0x1] =	stream.indirect.gather @!p0 [hbm4b:s3+s17], $0x40, s16, s17, $0xb8;
	[tilespmem:$0x1AC00] =	vst v63  }
0x121: {  	_ =	swait.ge [sflag:s12], $0x6400  }
0x122: {  	[sflag:s12] =	ssyncset.done $0x0  }
0x123: {  	s16 =	simm.s32 $0x0;
	[sflag:s12] =	ssyncadd.s32 $0xFFFF9C00  }
.LBB2_5:
0x124: {  	s17 =	smul.u32 $0x3200, s16;
	_ =	sdelay $0x1  }
0x125: {  	s17 =	sshra.s32 s17, $0x2  }
0x126: {  	v57 =	vld [tilespmem:s17+$0xCBF0];
	_ =	sdelay $0x4  }
0x127: {  	[tilespmem:$0x1FAE0] =	vst v57;
	v57 =	vld [tilespmem:s17+$0xCC10];
	_ =	sdelay $0x4  }
0x128: {  	[tilespmem:$0x1FAF0] =	vst v57;
	v57 =	vld [tilespmem:s17+$0xCC20]  }
0x129: {  	v0 =	vld [tilespmem:s17+$0xC800]  }
0x12a: {  	v5 =	vld [tilespmem:s17+$0xC810]  }
0x12b: {  	v6 =	vld [tilespmem:s17+$0xC820]  }
0x12c: {  	v17 =	vld [tilespmem:s17+$0xC830]  }
0x12d: {  	[tilespmem:$0x1FB00] =	vst v57;
	v57 =	vld [tilespmem:s17+$0xCC30]  }
0x12e: {  	v4 =	vld [tilespmem:s17+$0xC840]  }
0x12f: {  	v18 =	vld [tilespmem:s17+$0xC850]  }
0x130: {  	v21 =	vld [tilespmem:s17+$0xC860]  }
0x131: {  	v22 =	vld [tilespmem:s17+$0xC870]  }
0x132: {  	[tilespmem:$0x1FB20] =	vst v57;
	v57 =	vld [tilespmem:s17+$0xCC40]  }
0x133: {  	v33 =	vld [tilespmem:s17+$0xC880]  }
0x134: {  	v34 =	vld [tilespmem:s17+$0xC890]  }
0x135: {  	v37 =	vld [tilespmem:s17+$0xC8A0]  }
0x136: {  	v38 =	vld [tilespmem:s17+$0xC8B0]  }
0x137: {  	[tilespmem:$0x1FB10] =	vst v57;
	v57 =	vld [tilespmem:s17+$0xCC50]  }
0x138: {  	v49 =	vld [tilespmem:s17+$0xC8C0]  }
0x139: {  	v50 =	vld [tilespmem:s17+$0xC8D0]  }
0x13a: {  	v53 =	vld [tilespmem:s17+$0xC8E0]  }
0x13b: {  	v54 =	vld [tilespmem:s17+$0xC8F0]  }
0x13c: {  	[tilespmem:$0x1FB30] =	vst v57;
	v57 =	vld [tilespmem:s17+$0xCC60]  }
0x13d: {  	v63 =	vld [tilespmem:s17+$0xC900]  }
0x13e: {  	v1 =	vld [tilespmem:s17+$0xC910]  }
0x13f: {  	v3 =	vld [tilespmem:s17+$0xC920]  }
0x140: {  	v10 =	vld [tilespmem:s17+$0xC930]  }
0x141: {  	[tilespmem:$0x1FB40] =	vst v57;
	v57 =	vld [tilespmem:s17+$0xCC70]  }
0x142: {  	v2 =	vld [tilespmem:s17+$0xC940]  }
0x143: {  	v7 =	vld [tilespmem:s17+$0xC950]  }
0x144: {  	v9 =	vld [tilespmem:s17+$0xC960]  }
0x145: {  	v14 =	vld [tilespmem:s17+$0xC970]  }
0x146: {  	[tilespmem:$0x1FB60] =	vst v57;
	v57 =	vld [tilespmem:s17+$0xCC80]  }
0x147: {  	v8 =	vld [tilespmem:s17+$0xC980]  }
0x148: {  	v11 =	vld [tilespmem:s17+$0xC990]  }
0x149: {  	v13 =	vld [tilespmem:s17+$0xC9A0]  }
0x14a: {  	v20 =	vld [tilespmem:s17+$0xC9B0]  }
0x14b: {  	[tilespmem:$0x1FB50] =	vst v57;
	v57 =	vld [tilespmem:s17+$0xCC90]  }
0x14c: {  	v12 =	vld [tilespmem:s17+$0xC9C0]  }
0x14d: {  	v15 =	vld [tilespmem:s17+$0xC9D0]  }
0x14e: {  	v19 =	vld [tilespmem:s17+$0xC9E0]  }
0x14f: {  	v26 =	vld [tilespmem:s17+$0xC9F0]  }
0x150: {  	[tilespmem:$0x1FB70] =	vst v57;
	v57 =	vld [tilespmem:s17+$0xCCA0]  }
0x151: {  	v16 =	vld [tilespmem:s17+$0xCA00]  }
0x152: {  	v23 =	vld [tilespmem:s17+$0xCA10]  }
0x153: {  	v25 =	vld [tilespmem:s17+$0xCA20]  }
0x154: {  	v30 =	vld [tilespmem:s17+$0xCA30]  }
0x155: {  	[tilespmem:$0x1FB80] =	vst v57;
	v57 =	vld [tilespmem:s17+$0xCCB0]  }
0x156: {  	v24 =	vld [tilespmem:s17+$0xCA40]  }
0x157: {  	v27 =	vld [tilespmem:s17+$0xCA50]  }
0x158: {  	v29 =	vld [tilespmem:s17+$0xCA60]  }
0x159: {  	v36 =	vld [tilespmem:s17+$0xCA70]  }
0x15a: {  	[tilespmem:$0x1FBA0] =	vst v57;
	v57 =	vld [tilespmem:s17+$0xCCC0]  }
0x15b: {  	v28 =	vld [tilespmem:s17+$0xCA80]  }
0x15c: {  	v31 =	vld [tilespmem:s17+$0xCA90]  }
0x15d: {  	v35 =	vld [tilespmem:s17+$0xCAA0]  }
0x15e: {  	v42 =	vld [tilespmem:s17+$0xCAB0]  }
0x15f: {  	[tilespmem:$0x1FB90] =	vst v57;
	v57 =	vld [tilespmem:s17+$0xCCD0]  }
0x160: {  	v32 =	vld [tilespmem:s17+$0xCAC0]  }
0x161: {  	v39 =	vld [tilespmem:s17+$0xCAD0]  }
0x162: {  	v41 =	vld [tilespmem:s17+$0xCAE0]  }
0x163: {  	v46 =	vld [tilespmem:s17+$0xCAF0]  }
0x164: {  	[tilespmem:$0x1FBB0] =	vst v57;
	v57 =	vld [tilespmem:s17+$0xCCE0]  }
0x165: {  	v40 =	vld [tilespmem:s17+$0xCB00]  }
0x166: {  	v43 =	vld [tilespmem:s17+$0xCB10]  }
0x167: {  	v45 =	vld [tilespmem:s17+$0xCB20]  }
0x168: {  	v52 =	vld [tilespmem:s17+$0xCB30]  }
0x169: {  	[tilespmem:$0x1FBC0] =	vst v57;
	v57 =	vld [tilespmem:s17+$0xCCF0]  }
0x16a: {  	v44 =	vld [tilespmem:s17+$0xCB40]  }
0x16b: {  	v47 =	vld [tilespmem:s17+$0xCB50]  }
0x16c: {  	v51 =	vld [tilespmem:s17+$0xCB60]  }
0x16d: {  	v61 =	vld [tilespmem:s17+$0xCB70]  }
0x16e: {  	[tilespmem:$0x1FBE0] =	vst v57;
	v57 =	vld [tilespmem:s17+$0xCD00]  }
0x16f: {  	v48 =	vld [tilespmem:s17+$0xCB80]  }
0x170: {  	v55 =	vld [tilespmem:s17+$0xCB90]  }
0x171: {  	v62 =	vld [tilespmem:s17+$0xCBA0]  }
0x172: {  	v56 =	vld [tilespmem:s17+$0xCBB0]  }
0x173: {  	[tilespmem:$0x1FBD0] =	vst v57;
	v57 =	vld [tilespmem:s17+$0xCD10]  }
0x174: {  	v59 =	vld [tilespmem:s17+$0xCBD0]  }
0x175: {  	v58 =	vld [tilespmem:s17+$0xCBE0]  }
0x176: {  	v60 =	vld [tilespmem:s17+$0xCC00]  }
0x177: {  	[tilespmem:$0x1FAD0] =	vst v56;
	v56 =	vld [tilespmem:s17+$0xCBC0]  }
0x178: {  	[tilespmem:$0x1FBF0] =	vst v57;
	v57 =	vld [tilespmem:s17+$0xCD20]  }
0x179: {  	v0 =	vadd.f32 v4, v0;
	v4 =	vld [tilespmem:s17+$0xCE90]  }
0x17a: {  	v18 =	vadd.f32 v18, v5;
	v5 =	vld [tilespmem:s17+$0xCEA0]  }
0x17b: {  	v21 =	vadd.f32 v21, v6;
	v6 =	vld [tilespmem:s17+$0xCEB0]  }
0x17c: {  	v22 =	vadd.f32 v22, v17;
	v17 =	vld [tilespmem:s17+$0xCEC0]  }
0x17d: {  	[tilespmem:$0x1FC00] =	vst v57;
	v57 =	vld [tilespmem:s17+$0xCD30]  }
0x17e: {  	v0 =	vadd.f32 v33, v0;
	v33 =	vadd.f32 v34, v18;
	v18 =	vld [tilespmem:s17+$0xCED0]  }
0x17f: {  	v34 =	vadd.f32 v37, v21;
	v21 =	vld [tilespmem:s17+$0xCEE0]  }
0x180: {  	v0 =	vadd.f32 v49, v0;
	v49 =	vadd.f32 v38, v22;
	v22 =	vld [tilespmem:s17+$0xCEF0]  }
0x181: {  	v38 =	vld [tilespmem:s17+$0xCF30]  }
0x182: {  	[tilespmem:$0x1FC20] =	vst v57;
	v57 =	vld [tilespmem:s17+$0xCD40]  }
0x183: {  	v33 =	vadd.f32 v50, v33;
	v50 =	vld [tilespmem:s17+$0xCF50]  }
0x184: {  	v34 =	vadd.f32 v53, v34;
	v53 =	vld [tilespmem:s17+$0xCF60]  }
0x185: {  	v1 =	vadd.f32 v1, v33;
	v33 =	vld [tilespmem:s17+$0xCF00]  }
0x186: {  	v3 =	vadd.f32 v3, v34;
	v34 =	vld [tilespmem:s17+$0xCF10]  }
0x187: {  	v37 =	vadd.f32 v54, v49;
	[tilespmem:$0x1FC10] =	vst v57;
	v57 =	vld [tilespmem:s17+$0xCD50]  }
0x188: {  	v49 =	vld [tilespmem:s17+$0xCF40]  }
0x189: {  	v54 =	vadd.f32 v10, v37;
	v37 =	vld [tilespmem:s17+$0xCF20]  }
0x18a: {  	v1 =	vadd.f32 v7, v1;
	v7 =	vld [tilespmem:s17+$0xCF80]  }
0x18b: {  	v0 =	vadd.f32 v63, v0;
	v3 =	vadd.f32 v9, v3;
	v9 =	vld [tilespmem:s17+$0xCFA0]  }
0x18c: {  	[tilespmem:$0x1FC30] =	vst v57;
	v57 =	vld [tilespmem:s17+$0xCD60]  }
0x18d: {  	v0 =	vadd.f32 v2, v0;
	v10 =	vld [tilespmem:s17+$0xCFB0]  }
0x18e: {  	v2 =	vadd.f32 v14, v54;
	v54 =	vld [tilespmem:s17+$0xCF70]  }
0x18f: {  	v0 =	vadd.f32 v8, v0;
	v8 =	vld [tilespmem:s17+$0xCF90]  }
0x190: {  	v1 =	vadd.f32 v11, v1;
	v11 =	vld [tilespmem:s17+$0xCFC0]  }
0x191: {  	[tilespmem:$0x1FC40] =	vst v57;
	v57 =	vld [tilespmem:s17+$0xCD70]  }
0x192: {  	v3 =	vadd.f32 v13, v3;
	v13 =	vld [tilespmem:s17+$0xCFE0]  }
0x193: {  	v14 =	vld [tilespmem:s17+$0xCFF0]  }
0x194: {  	v0 =	vadd.f32 v12, v0;
	v12 =	vld [tilespmem:s17+$0xCFD0]  }
0x195: {  	v1 =	vadd.f32 v15, v1;
	v15 =	vld [tilespmem:s17+$0xD000]  }
0x196: {  	[tilespmem:$0x1FC60] =	vst v57;
	v57 =	vld [tilespmem:s17+$0xCD80]  }
0x197: {  	v3 =	vadd.f32 v19, v3;
	v19 =	vld [tilespmem:s17+$0xD020]  }
0x198: {  	v2 =	vadd.f32 v20, v2;
	v20 =	vld [tilespmem:s17+$0xD030]  }
0x199: {  	v0 =	vadd.f32 v16, v0;
	v16 =	vld [tilespmem:s17+$0xD010]  }
0x19a: {  	v1 =	vadd.f32 v23, v1;
	v23 =	vld [tilespmem:s17+$0xD040]  }
0x19b: {  	[tilespmem:$0x1FC50] =	vst v57;
	v57 =	vld [tilespmem:s17+$0xCD90]  }
0x19c: {  	v2 =	vadd.f32 v26, v2;
	v3 =	vadd.f32 v25, v3;
	v25 =	vld [tilespmem:s17+$0xD060]  }
0x19d: {  	v26 =	vld [tilespmem:s17+$0xD070];
	v1 =	vadd.f32 v27, v1  }
0x19e: {  	v0 =	vadd.f32 v24, v0;
	v2 =	vadd.f32 v30, v2;
	v24 =	vld [tilespmem:s17+$0xD050]  }
0x19f: {  	v3 =	vadd.f32 v29, v3;
	v27 =	vld [tilespmem:s17+$0xD080];
	v1 =	vadd.f32 v31, v1  }
0x1a0: {  	v0 =	vadd.f32 v28, v0;
	v2 =	vadd.f32 v36, v2;
	[tilespmem:$0x1FC70] =	vst v57;
	v57 =	vld [tilespmem:s17+$0xCDA0]  }
0x1a1: {  	v29 =	vld [tilespmem:s17+$0xD0A0];
	v3 =	vadd.f32 v35, v3;
	v1 =	vadd.f32 v39, v1  }
0x1a2: {  	v30 =	vld [tilespmem:s17+$0xD0B0];
	v0 =	vadd.f32 v32, v0;
	v2 =	vadd.f32 v42, v2  }
0x1a3: {  	v28 =	vld [tilespmem:s17+$0xD090];
	v3 =	vadd.f32 v41, v3;
	v1 =	vadd.f32 v43, v1  }
0x1a4: {  	v31 =	vld [tilespmem:s17+$0xD0C0];
	v0 =	vadd.f32 v40, v0;
	v2 =	vadd.f32 v46, v2  }
0x1a5: {  	v3 =	vadd.f32 v45, v3;
	v1 =	vadd.f32 v47, v1;
	[tilespmem:$0x1FC80] =	vst v57;
	v57 =	vld [tilespmem:s17+$0xCDB0]  }
0x1a6: {  	v32 =	vld [tilespmem:s17+$0xD0D0];
	v0 =	vadd.f32 v44, v0;
	v2 =	vadd.f32 v52, v2  }
0x1a7: {  	v3 =	vadd.f32 v51, v3;
	v1 =	vadd.f32 v55, v1;
	v55 =	vld [tilespmem:$0x1FAD0]  }
0x1a8: {  	v2 =	vadd.f32 v61, v2;
	v61 =	vld [tilespmem:$0x1FB20]  }
0x1a9: {  	v0 =	vadd.f32 v48, v0;
	v3 =	vadd.f32 v62, v3;
	v62 =	vld [tilespmem:$0x1FB30]  }
0x1aa: {  	[tilespmem:$0x1FCA0] =	vst v57;
	v57 =	vld [tilespmem:s17+$0xCDC0]  }
0x1ab: {  	v0 =	vadd.f32 v56, v0;
	v56 =	vld [tilespmem:$0x1FAE0]  }
0x1ac: {  	v3 =	vadd.f32 v58, v3;
	v58 =	vld [tilespmem:$0x1FAF0]  }
0x1ad: {  	v1 =	vadd.f32 v59, v1;
	v59 =	vld [tilespmem:$0x1FB00]  }
0x1ae: {  	v0 =	vadd.f32 v60, v0;
	v60 =	vld [tilespmem:$0x1FB10]  }
0x1af: {  	v2 =	vadd.f32 v55, v2;
	[tilespmem:$0x1FC90] =	vst v57;
	v57 =	vld [tilespmem:s17+$0xCDD0]  }
0x1b0: {  	v36 =	vld [tilespmem:$0x1FB60]  }
0x1b1: {  	v2 =	vadd.f32 v56, v2;
	v35 =	vld [tilespmem:$0x1FB50]  }
0x1b2: {  	v63 =	vld [tilespmem:$0x1FB40]  }
0x1b3: {  	v2 =	vadd.f32 v61, v2;
	v39 =	vld [tilespmem:$0x1FB70]  }
0x1b4: {  	v1 =	vadd.f32 v58, v1;
	v0 =	vadd.f32 v60, v0;
	[tilespmem:$0x1FCB0] =	vst v57;
	v57 =	vld [tilespmem:s17+$0xCDE0]  }
0x1b5: {  	v2 =	vadd.f32 v36, v2;
	v36 =	vld [tilespmem:s17+$0xD0F0]  }
0x1b6: {  	v1 =	vadd.f32 v62, v1;
	v0 =	vadd.f32 v35, v0;
	v35 =	vld [tilespmem:s17+$0xD0E0]  }
0x1b7: {  	v40 =	vld [tilespmem:$0x1FB80]  }
0x1b8: {  	v3 =	vadd.f32 v59, v3;
	v1 =	vadd.f32 v39, v1;
	v39 =	vld [tilespmem:s17+$0xD100]  }
0x1b9: {  	[tilespmem:$0x1FCC0] =	vst v57;
	v57 =	vld [tilespmem:s17+$0xCDF0]  }
0x1ba: {  	v3 =	vadd.f32 v63, v3;
	v42 =	vld [tilespmem:$0x1FBA0]  }
0x1bb: {  	v41 =	vld [tilespmem:$0x1FB90]  }
0x1bc: {  	v3 =	vadd.f32 v40, v3;
	v40 =	vld [tilespmem:s17+$0xD110]  }
0x1bd: {  	v43 =	vld [tilespmem:$0x1FBB0]  }
0x1be: {  	[tilespmem:$0x1FCE0] =	vst v57;
	v57 =	vld [tilespmem:s17+$0xCE00]  }
0x1bf: {  	v2 =	vadd.f32 v42, v2;
	v42 =	vld [tilespmem:s17+$0xD130]  }
0x1c0: {  	v0 =	vadd.f32 v41, v0;
	v41 =	vld [tilespmem:s17+$0xD120]  }
0x1c1: {  	v44 =	vld [tilespmem:$0x1FBC0]  }
0x1c2: {  	v1 =	vadd.f32 v43, v1;
	v43 =	vld [tilespmem:s17+$0xD140]  }
0x1c3: {  	[tilespmem:$0x1FCD0] =	vst v57;
	v57 =	vld [tilespmem:s17+$0xCE10]  }
0x1c4: {  	v46 =	vld [tilespmem:$0x1FBE0]  }
0x1c5: {  	v45 =	vld [tilespmem:$0x1FBD0]  }
0x1c6: {  	v3 =	vadd.f32 v44, v3;
	v44 =	vld [tilespmem:s17+$0xD150]  }
0x1c7: {  	v47 =	vld [tilespmem:$0x1FBF0]  }
0x1c8: {  	[tilespmem:$0x1FCF0] =	vst v57;
	v57 =	vld [tilespmem:s17+$0xCE20]  }
0x1c9: {  	v2 =	vadd.f32 v46, v2;
	v46 =	vld [tilespmem:s17+$0xD170]  }
0x1ca: {  	v0 =	vadd.f32 v45, v0;
	v45 =	vld [tilespmem:s17+$0xD160]  }
0x1cb: {  	v48 =	vld [tilespmem:$0x1FC00]  }
0x1cc: {  	v1 =	vadd.f32 v47, v1;
	v47 =	vld [tilespmem:s17+$0xD180]  }
0x1cd: {  	[tilespmem:$0x1FD00] =	vst v57;
	v57 =	vld [tilespmem:s17+$0xCE30]  }
0x1ce: {  	v52 =	vld [tilespmem:$0x1FC20]  }
0x1cf: {  	v51 =	vld [tilespmem:$0x1FC10]  }
0x1d0: {  	v55 =	vld [tilespmem:$0x1FC30]  }
0x1d1: {  	v56 =	vld [tilespmem:$0x1FC40]  }
0x1d2: {  	[tilespmem:$0x1FD20] =	vst v57;
	v57 =	vld [tilespmem:s17+$0xCE40]  }
0x1d3: {  	v59 =	vld [tilespmem:$0x1FC60]  }
0x1d4: {  	v58 =	vld [tilespmem:$0x1FC50]  }
0x1d5: {  	v60 =	vld [tilespmem:$0x1FC70]  }
0x1d6: {  	v61 =	vld [tilespmem:$0x1FC80]  }
0x1d7: {  	[tilespmem:$0x1FD10] =	vst v57;
	v57 =	vld [tilespmem:s17+$0xCE50]  }
0x1d8: {  	v63 =	vld [tilespmem:$0x1FCA0]  }
0x1d9: {  	v62 =	vld [tilespmem:$0x1FC90]  }
0x1da: {  	v3 =	vadd.f32 v48, v3;
	v48 =	vld [tilespmem:$0x1FCB0]  }
0x1db: {  	v0 =	vadd.f32 v51, v0;
	v51 =	vld [tilespmem:$0x1FCC0]  }
0x1dc: {  	[tilespmem:$0x1FD30] =	vst v57;
	v57 =	vld [tilespmem:s17+$0xCE60]  }
0x1dd: {  	v1 =	vadd.f32 v55, v1;
	v55 =	vld [tilespmem:$0x1FCE0]  }
0x1de: {  	v2 =	vadd.f32 v52, v2;
	v52 =	vld [tilespmem:$0x1FCD0]  }
0x1df: {  	v3 =	vadd.f32 v56, v3;
	v56 =	vld [tilespmem:$0x1FCF0]  }
0x1e0: {  	v0 =	vadd.f32 v58, v0;
	v58 =	vld [tilespmem:$0x1FD00]  }
0x1e1: {  	[tilespmem:$0x1FD40] =	vst v57;
	v57 =	vld [tilespmem:s17+$0xCE70]  }
0x1e2: {  	v1 =	vadd.f32 v60, v1;
	v60 =	vld [tilespmem:$0x1FD20]  }
0x1e3: {  	v3 =	vadd.f32 v61, v3;
	v61 =	vld [tilespmem:$0x1FD30]  }
0x1e4: {  	v2 =	vadd.f32 v59, v2;
	v1 =	vadd.f32 v48, v1;
	v59 =	vld [tilespmem:$0x1FD10]  }
0x1e5: {  	v0 =	vadd.f32 v62, v0;
	v62 =	vld [tilespmem:$0x1FD40]  }
0x1e6: {  	v2 =	vadd.f32 v63, v2;
	v1 =	vadd.f32 v56, v1;
	[tilespmem:$0x1FD50] =	vst v57;
	v57 =	vld [tilespmem:s17+$0xCE80]  }
0x1e7: {  	v3 =	vadd.f32 v51, v3;
	v0 =	vadd.f32 v52, v0;
	v63 =	vld [tilespmem:$0x1FD50]  }
0x1e8: {  	v48 =	vld [tilespmem:s17+$0xD190];
	v2 =	vadd.f32 v55, v2;
	v1 =	vadd.f32 v61, v1  }
0x1e9: {  	v51 =	vld [tilespmem:s17+$0xD1A0];
	v3 =	vadd.f32 v58, v3;
	v0 =	vadd.f32 v59, v0  }
0x1ea: {  	v55 =	vld [tilespmem:s17+$0xD240];
	v2 =	vadd.f32 v60, v2;
	v1 =	vadd.f32 v4, v1  }
0x1eb: {  	v52 =	vld [tilespmem:s17+$0xD1B0];
	v3 =	vadd.f32 v62, v3;
	v0 =	vadd.f32 v57, v0  }
0x1ec: {  	v56 =	vld [tilespmem:s17+$0xD250];
	v1 =	vadd.f32 v18, v1;
	v2 =	vadd.f32 v63, v2  }
0x1ed: {  	v58 =	vld [tilespmem:s17+$0xD270];
	v3 =	vadd.f32 v5, v3;
	v0 =	vadd.f32 v17, v0  }
0x1ee: {  	v60 =	vld [tilespmem:s17+$0xD290];
	v1 =	vadd.f32 v34, v1;
	v2 =	vadd.f32 v6, v2  }
0x1ef: {  	v59 =	vld [tilespmem:s17+$0xD280];
	v3 =	vadd.f32 v21, v3;
	v0 =	vadd.f32 v33, v0  }
0x1f0: {  	v61 =	vld [tilespmem:s17+$0xD2A0];
	v1 =	vadd.f32 v50, v1;
	v2 =	vadd.f32 v22, v2  }
0x1f1: {  	v4 =	vld [tilespmem:s17+$0xD1C0];
	v3 =	vadd.f32 v37, v3;
	v0 =	vadd.f32 v49, v0  }
0x1f2: {  	v18 =	vld [tilespmem:s17+$0xD200];
	v1 =	vadd.f32 v8, v1;
	v2 =	vadd.f32 v38, v2  }
0x1f3: {  	v62 =	vld [tilespmem:s17+$0xD2B0];
	v3 =	vadd.f32 v53, v3;
	v0 =	vadd.f32 v7, v0  }
0x1f4: {  	v34 =	vld [tilespmem:s17+$0xD2E0];
	v1 =	vadd.f32 v12, v1;
	v2 =	vadd.f32 v54, v2  }
0x1f5: {  	v5 =	vld [tilespmem:s17+$0xD1D0];
	v3 =	vadd.f32 v9, v3;
	v0 =	vadd.f32 v11, v0  }
0x1f6: {  	v50 =	vld [tilespmem:s17+$0xD220];
	v1 =	vadd.f32 v16, v1;
	v2 =	vadd.f32 v10, v2  }
0x1f7: {  	v57 =	vld [tilespmem:s17+$0xD260];
	v3 =	vadd.f32 v13, v3;
	v0 =	vadd.f32 v15, v0  }
0x1f8: {  	v63 =	vld [tilespmem:s17+$0xD2C0];
	v1 =	vadd.f32 v24, v1;
	v2 =	vadd.f32 v14, v2  }
0x1f9: {  	v17 =	vld [tilespmem:s17+$0xD1F0];
	v3 =	vadd.f32 v19, v3;
	v0 =	vadd.f32 v23, v0  }
0x1fa: {  	v37 =	vld [tilespmem:s17+$0xD2F0];
	v1 =	vadd.f32 v28, v1;
	v2 =	vadd.f32 v20, v2  }
0x1fb: {  	v6 =	vld [tilespmem:s17+$0xD1E0];
	v3 =	vadd.f32 v25, v3;
	v0 =	vadd.f32 v27, v0  }
0x1fc: {  	v53 =	vld [tilespmem:s17+$0xD230];
	v1 =	vadd.f32 v32, v1;
	v2 =	vadd.f32 v26, v2  }
0x1fd: {  	v33 =	vld [tilespmem:s17+$0xD2D0];
	v3 =	vadd.f32 v29, v3;
	v0 =	vadd.f32 v31, v0  }
0x1fe: {  	v49 =	vld [tilespmem:s17+$0xD210];
	v1 =	vadd.f32 v40, v1;
	v2 =	vadd.f32 v30, v2  }
0x1ff: {  	v38 =	vld [tilespmem:s17+$0xD300];
	v3 =	vadd.f32 v35, v3;
	v0 =	vadd.f32 v39, v0  }
0x200: {  	v54 =	vld [tilespmem:s17+$0xD400];
	v1 =	vadd.f32 v44, v1;
	v2 =	vadd.f32 v36, v2  }
0x201: {  	v40 =	vld [tilespmem:s17+$0xD320];
	v3 =	vadd.f32 v41, v3;
	v0 =	vadd.f32 v43, v0  }
0x202: {  	v44 =	vld [tilespmem:s17+$0xD360];
	v1 =	vadd.f32 v48, v1;
	v2 =	vadd.f32 v42, v2  }
0x203: {  	v48 =	vld [tilespmem:s17+$0xD3A0];
	v3 =	vadd.f32 v45, v3;
	v0 =	vadd.f32 v47, v0  }
0x204: {  	v41 =	vld [tilespmem:s17+$0xD330];
	v1 =	vadd.f32 v5, v1;
	v2 =	vadd.f32 v46, v2  }
0x205: {  	v39 =	vld [tilespmem:s17+$0xD310];
	v3 =	vadd.f32 v51, v3;
	v0 =	vadd.f32 v4, v0  }
0x206: {  	v45 =	vld [tilespmem:s17+$0xD370];
	v1 =	vadd.f32 v49, v1;
	v2 =	vadd.f32 v52, v2  }
0x207: {  	v49 =	vld [tilespmem:s17+$0xD3B0];
	v3 =	vadd.f32 v6, v3;
	v0 =	vadd.f32 v18, v0  }
0x208: {  	v43 =	vld [tilespmem:s17+$0xD350];
	v2 =	vadd.f32 v17, v2  }
0x209: {  	v51 =	vld [tilespmem:s17+$0xD3D0];
	v3 =	vadd.f32 v50, v3;
	v0 =	vadd.f32 v55, v0  }
0x20a: {  	v42 =	vld [tilespmem:s17+$0xD340];
	v1 =	vadd.f32 v56, v1;
	v2 =	vadd.f32 v53, v2  }
0x20b: {  	v56 =	vld [tilespmem:s17+$0xD420];
	v3 =	vadd.f32 v57, v3;
	v0 =	vadd.f32 v59, v0  }
0x20c: {  	v47 =	vld [tilespmem:s17+$0xD390];
	v1 =	vadd.f32 v60, v1;
	v2 =	vadd.f32 v58, v2  }
0x20d: {  	v46 =	vld [tilespmem:s17+$0xD380];
	v3 =	vadd.f32 v61, v3;
	v0 =	vadd.f32 v63, v0  }
0x20e: {  	v50 =	vld [tilespmem:s17+$0xD3C0];
	v1 =	vadd.f32 v33, v1;
	v2 =	vadd.f32 v62, v2  }
0x20f: {  	v52 =	vld [tilespmem:s17+$0xD3E0];
	v3 =	vadd.f32 v34, v3;
	v0 =	vadd.f32 v38, v0  }
0x210: {  	v57 =	vld [tilespmem:s17+$0xD430];
	v1 =	vadd.f32 v39, v1;
	v2 =	vadd.f32 v37, v2  }
0x211: {  	v55 =	vld [tilespmem:s17+$0xD410];
	v3 =	vadd.f32 v40, v3;
	v0 =	vadd.f32 v42, v0  }
0x212: {  	v53 =	vld [tilespmem:s17+$0xD3F0];
	v1 =	vadd.f32 v43, v1;
	v2 =	vadd.f32 v41, v2  }
0x213: {  	v62 =	vld [tilespmem:$0x1FFF0];
	v3 =	vadd.f32 v44, v3;
	v0 =	vadd.f32 v46, v0  }
0x214: {  	v1 =	vadd.f32 v47, v1;
	v58 =	vld [tilespmem:s17+$0xD440];
	v2 =	vadd.f32 v45, v2  }
0x215: {  	v59 =	vld [tilespmem:s17+$0xD450];
	v3 =	vadd.f32 v48, v3;
	v0 =	vadd.f32 v50, v0  }
0x216: {  	v60 =	vld [tilespmem:s17+$0xD460];
	v1 =	vadd.f32 v51, v1;
	v2 =	vadd.f32 v49, v2  }
0x217: {  	v61 =	vld [tilespmem:s17+$0xD470];
	v3 =	vadd.f32 v52, v3;
	v0 =	vadd.f32 v54, v0  }
0x218: {  	v1 =	vadd.f32 v55, v1;
	v2 =	vadd.f32 v53, v2  }
0x219: {  	s31 =	sshll.u32 s16, $0x6;
	p1 =	sne.s32 s16, $0x7;
	v3 =	vadd.f32 v56, v3;
	v0 =	vadd.f32 v58, v0  }
.Ltmp3:
0x21a: {  	s17 =	sand.u32 $0x3FFFFFC0, s31;
	v1 =	vadd.f32 v59, v1;
	v2 =	vadd.f32 v57, v2;
	(pc) =	sbr.rel @p1 .LBB2_5-.Ltmp3, $4  }
0x21b: {  	v3 =	vadd.f32 v60, v3;
	[tilespmem:v62+s17+$0x200 ss:$0x1] =	vst.idx.msk $0xffff, v0  }
0x21c: {  	v63 =	vadd.f32 v61, v2;
	[tilespmem:v62+s17+$0x210 ss:$0x1] =	vst.idx.msk $0xffff, v1  }
0x21d: {  	[tilespmem:v62+s17+$0x220 ss:$0x1] =	vst.idx.msk $0xffff, v3  }
0x21e: {  	s16 =	sadd.s32 $0x1, s16;
	[tilespmem:v62+s17+$0x230 ss:$0x1] =	vst.idx.msk $0xffff, v63  }
.Ltmp4:
0x21f: {  	(pc) =	sbr.rel @p0 .LBB2_8-.Ltmp4, $1  }
0x220: {  	_ =	sdelay $0x3  }
0x221: {  	s16 =	smul.u32 $0xC80, s15  }
.Ltmp5:
0x222: {  	_ = 	snop;
	(pc) =	sbr.rel .LBB2_2-.Ltmp5, $4  }
0x223: {  	_ = 	snop  }
0x224: {  	s16 =	sshra.s32 s16, $0x2  }
0x225: {  	s15 =	sadd.s32 $0x1, s15;
	s16 =	sadd.s32 $0x4B0, s16  }
0x226: {  	[tilespmem:s10], [sflag:$0x2] =	stream.indirect.gather [hbm4b:s3+s8], $0x40, s16, s8, $0xb8;
	[tilespmem:$0x1AC00] =	vst v63  }
.LBB2_9:
0x227: {  	_ =	sfence.sel $0x180000  }
0x228: {  	[bflag:$0x0] =	sbarrier.arrive $0xFFFF  }
0x229: {  	p0 =	sne.s32 s1, $0x0;
	_ =	strace $0x90000047  }
0x22a: {  	s0 =	sadd.s32 @!p0 $0x100000, s0;
	[bflag:$0x2] =	sbarrier.arrive $0xFFFF  }
0x22b: {  	[sflag:s0] =	ssyncadd.tile.s32 @!p0 $0x1;
	_ =	shalt  }
.Lfunc_end2:
_tile_overlayer_lowered:
.L_overlay_start_2:
0x22c: {  	(tag) =	ssettag $0x2  }
0x22d: {  	s0 =	rddreg [dreg:$0x0];
	s2 =	stileid.u32  }
0x22e: {  	s1 =	rddreg [dreg:$0x1];
	p0 =	sne.s32 s2, $0x0  }
0x22f: {  	s3 =	rddreg [dreg:$0x2];
	[bflag:$0x3] =	sbarrier.arrive $0xFFFF;
	s2 =	simm.s32 @!p0 $0x1C03  }
0x230: {  	[timem:s3], [sflag:s2] =	dma.local @!p0 [hbm:s0], s1  }
0x231: {  	s0 =	simm.s32 @!p0 $0x3  }
0x232: {  	_ =	swait.ge @!p0 [sflag:s0], s1  }
0x233: {  	s1 =	ssub.s32 @!p0 $0x0, s1;
	[sflag:s0] =	ssyncset.done @!p0 $0x0  }
0x234: {  	[sflag:s0] =	ssyncadd.s32 @!p0 s1  }
0x235: {  	[bflag:$0x3] =	sbarrier.arrive $0xFFFF  }
0x236: {  	_ =	shalt  }

</sc_bundles>
